<compile_context>
chip_gen: v7x
topology: tpu7x:2x2x1
jax: 0.10.2.dev20260603
libtpu: 0.0.44.dev20260713+nightly
codegen_flags: <defaults>
</compile_context>

<pallas_src>
import functools

import jax
import jax.numpy as jnp
from jax import lax
from jax.experimental import pallas as pl
from jax.experimental.pallas import tpu as pltpu, tpu_sc as plsc

B = 64
C = 768
H = 14
W = 14
HW = H * W
FREQ = 256
E = 64
K = 8
S = 28
NSTEPS = HW // S

L = 16
NV = E // L

_info = plsc.get_sparse_core_info()
_NC, _NS = _info.num_cores, _info.num_subcores
NW = _NC * _NS
RPW = B // NW


def _pool_body(x_ref, x2_ref, freq_ref, wg_ref, wf_ref, scores_ref,
               acc_ref):
    g = pl.program_id(0)

    @pl.when(g == 0)
    def _init():
        acc_ref[...] = jnp.zeros_like(acc_ref)

    acc_ref[...] += jnp.sum(x_ref[...], axis=0) + jnp.sum(x2_ref[...], axis=0)

    @pl.when(g == NSTEPS - 1)
    def _epilogue():
        pooled = acc_ref[...] * (1.0 / HW)
        logits = jax.lax.dot_general(
            pooled, wg_ref[...],
            dimension_numbers=(((1,), (1,)), ((), ())),
            preferred_element_type=jnp.float32,
        )
        logits += jax.lax.dot_general(
            freq_ref[...], wf_ref[...],
            dimension_numbers=(((1,), (1,)), ((), ())),
            preferred_element_type=jnp.float32,
        )
        m = jnp.max(logits, axis=-1, keepdims=True)
        ex = jnp.exp(logits - m)
        scores_ref[...] = ex / jnp.sum(ex, axis=-1, keepdims=True)


def _lane_perm(v, perm):
    dnums = lax.GatherDimensionNumbers(
        offset_dims=(), collapsed_slice_dims=(0,), start_index_map=(0,))
    return lax.gather(v, perm[:, None], dnums, slice_sizes=(1,),
                      mode=lax.GatherScatterMode.PROMISE_IN_BOUNDS)


def _bcast_reduce(v, op, lane):
    for sh in (1, 2, 4, 8):
        v = op(v, _lane_perm(v, lane ^ sh))
    return v


_sc_mesh = plsc.VectorSubcoreMesh(core_axis_name="c", subcore_axis_name="s")


@functools.partial(
    pl.kernel, mesh=_sc_mesh,
    out_type=[
        jax.ShapeDtypeStruct((B * E,), jnp.float32),
        jax.ShapeDtypeStruct((B * K,), jnp.int32),
        jax.ShapeDtypeStruct((B * K,), jnp.float32),
    ],
    scratch_types=[
        pltpu.VMEM((RPW * E,), jnp.float32),
        pltpu.VMEM((RPW * E,), jnp.float32),
        pltpu.VMEM((L,), jnp.int32),
        pltpu.VMEM((L,), jnp.float32),
    ],
)
def _sc_topk(scores_hbm, gates_hbm, idx_hbm, val_hbm,
             scores_v, gates_v, idx_v, val_v):
    wid = lax.axis_index("s") * _NC + lax.axis_index("c")
    lane = lax.iota(jnp.int32, L)
    row0 = wid * RPW
    pltpu.sync_copy(scores_hbm.at[pl.ds(row0 * E, RPW * E)], scores_v)
    neg = jnp.float32(-jnp.inf)
    big = jnp.full((L,), E, jnp.int32)
    idx_acc = jnp.zeros((L,), jnp.int32)
    val_acc = jnp.zeros((L,), jnp.float32)
    for r in range(RPW):
        s = [scores_v[pl.ds(r * E + j * L, L)] for j in range(NV)]
        gidx = [lane + j * L for j in range(NV)]
        gv = [jnp.zeros((L,), jnp.float32) for _ in range(NV)]
        for k in range(K):
            m = s[0]
            for j in range(1, NV):
                m = jnp.maximum(m, s[j])
            vmax = _bcast_reduce(m, jnp.maximum, lane)
            cand = big
            for j in range(NV):
                cand = jnp.minimum(cand, jnp.where(s[j] == vmax, gidx[j], big))
            imin = _bcast_reduce(cand, jnp.minimum, lane)
            idx_acc = jnp.where(lane == r * K + k, imin, idx_acc)
            val_acc = jnp.where(lane == r * K + k, vmax, val_acc)
            for j in range(NV):
                hit = gidx[j] == imin
                gv[j] = jnp.where(hit, vmax, gv[j])
                s[j] = jnp.where(hit, neg, s[j])
        for j in range(NV):
            gates_v[pl.ds(r * E + j * L, L)] = gv[j]
    idx_v[...] = idx_acc
    val_v[...] = val_acc
    pltpu.sync_copy(gates_v, gates_hbm.at[pl.ds(row0 * E, RPW * E)])
    pltpu.sync_copy(idx_v, idx_hbm.at[pl.ds(row0 * K, RPW * K)])
    pltpu.sync_copy(val_v, val_hbm.at[pl.ds(row0 * K, RPW * K)])


@jax.jit
def kernel(x, freq_emb, W_gate, W_freq):
    xt = jnp.transpose(x, (2, 3, 0, 1)).reshape(HW, B, C)
    scores = pl.pallas_call(
        _pool_body,
        grid=(NSTEPS,),
        in_specs=[
            pl.BlockSpec((S // 2, B, C), lambda g: (2 * g, 0, 0)),
            pl.BlockSpec((S // 2, B, C), lambda g: (2 * g + 1, 0, 0)),
            pl.BlockSpec((B, FREQ), lambda g: (0, 0)),
            pl.BlockSpec((E, C), lambda g: (0, 0)),
            pl.BlockSpec((E, FREQ), lambda g: (0, 0)),
        ],
        out_specs=pl.BlockSpec((B, E), lambda g: (0, 0)),
        out_shape=jax.ShapeDtypeStruct((B, E), jnp.float32),
        scratch_shapes=[pltpu.VMEM((B, C), jnp.float32)],
    )(xt, xt, freq_emb, W_gate, W_freq)

    gates, idx, val = _sc_topk(scores.reshape(B * E))
    return gates.reshape(B, E), idx.reshape(B, K), val.reshape(B, K)

# --- scband reference (transcript-rebuilt; emitter-appended) ---
"""Pipeline reference for scband-routing-function-88244398063755 (READ-ONLY COPY).

The authoritative reference and input builder live on the scoring server;
editing this copy changes nothing except your own understanding.
"""

import jax, jax.numpy as jnp
import numpy as np

B = 64
C = 768
H = 14
W = 14
FREQ = 256
E = 64
K = 8


def setup_inputs(seed: int = 0) -> dict:
    key = jax.random.key(seed)
    k1, k2, k3, k4 = jax.random.split(key, 4)
    x = jax.random.normal(k1, (B, C, H, W), dtype=jnp.float32)
    freq_emb = jax.random.normal(k2, (B, FREQ), dtype=jnp.float32)
    # nn.Linear(dim, num_experts, bias=False): weight shape (E, C)
    W_gate = jax.random.normal(k3, (E, C), dtype=jnp.float32) * (1.0 / np.sqrt(C))
    # nn.Linear(freq_dim, num_experts, bias=False): weight shape (E, FREQ)
    W_freq = jax.random.normal(k4, (E, FREQ), dtype=jnp.float32) * (1.0 / np.sqrt(FREQ))
    return {"x": x, "freq_emb": freq_emb, "W_gate": W_gate, "W_freq": W_freq}


def reference(x, freq_emb, W_gate, W_freq):
    # self.gate: AdaptiveAvgPool2d(1) -> rearrange 'b c 1 1 -> b c' -> Linear(dim, E)
    pooled = jnp.mean(x, axis=(2, 3))  # [B, C]
    logits = pooled @ W_gate.T + freq_emb @ W_freq.T  # [B, E]
    # eval-mode path (deterministic, no gaussian noise)
    gating_scores = jax.nn.softmax(logits, axis=-1)
    top_k_values, top_k_indices = jax.lax.top_k(gating_scores, K)
    rows = jnp.arange(logits.shape[0])[:, None]
    gates = jnp.zeros_like(logits).at[rows, top_k_indices].set(top_k_values)
    return (gates, top_k_indices, top_k_values)

if __name__ == "__main__":
    import jax
    _d = setup_inputs()
    print(jax.jit(kernel)(*tuple(_d.values())))

</pallas_src>

<mosaic_0001>
#map = affine_map<(d0, d1) -> (0)>
module attributes {stable_mosaic.version = 14 : i64} {
  func.func @_sc_topk(%arg0: i32, %arg1: i32, %arg2: memref<4096xf32, #tpu.memory_space<hbm>>, %arg3: memref<4096xf32, #tpu.memory_space<hbm>>, %arg4: memref<512xi32, #tpu.memory_space<hbm>>, %arg5: memref<512xf32, #tpu.memory_space<hbm>>, %arg6: memref<128xf32, #tpu.memory_space<vmem>>, %arg7: memref<128xf32, #tpu.memory_space<vmem>>, %arg8: memref<16xi32, #tpu.memory_space<vmem>>, %arg9: memref<16xf32, #tpu.memory_space<vmem>>) attributes {dimension_semantics = [#tpu.dimension_semantics<core_parallel>, #tpu.dimension_semantics<subcore_parallel>], iteration_bounds = array<i64: 2, 16>, scalar_prefetch = 0 : i64, scratch_operands = 4 : i64, tpu.core_type = #tpu.core_type<sc_vector_subcore>, window_params = [{transform_indices = #map}, {transform_indices = #map}, {transform_indices = #map}, {transform_indices = #map}]} {
    %mul3A = arith.constant 2 : i32
    %mul3A_0 = arith.muli %arg1, %mul3A : i32
    %add3A = arith.addi %mul3A_0, %arg0 : i32
    %iota3A = tpu.iota {dimensions = array<i32: 0>} : vector<16xi32>
    %mul3A_1 = arith.constant 2 : i32
    %mul3A_2 = arith.muli %add3A, %mul3A_1 : i32
    %mul3A_3 = arith.constant 64 : i32
    %mul3A_4 = arith.muli %mul3A_2, %mul3A_3 : i32
    "tpu.region"() ({
      %run_scoped3A = tpu.sem_alloc : memref<!tpu.dma_semaphore, #tpu.memory_space<semaphore_mem>>
      %dma_start3A = tpu.memref_slice %arg2[%mul3A_4] : memref<4096xf32, #tpu.memory_space<hbm>> -> memref<128xf32, #tpu.memory_space<hbm>>
      %dma_start3A_1695 = tpu.memref_slice %arg2[%mul3A_4] : memref<4096xf32, #tpu.memory_space<hbm>> -> memref<128xf32, #tpu.memory_space<hbm>>
      tpu.enqueue_dma source(%dma_start3A_1695 : memref<128xf32, #tpu.memory_space<hbm>>) target(%arg6 : memref<128xf32, #tpu.memory_space<vmem>>) target_semaphore(%run_scoped3A : memref<!tpu.dma_semaphore, #tpu.memory_space<semaphore_mem>>)
      %dma_wait3A = tpu.memref_slice %arg2[%mul3A_4] : memref<4096xf32, #tpu.memory_space<hbm>> -> memref<128xf32, #tpu.memory_space<hbm>>
      %dma_wait3A_1696 = tpu.memref_slice %arg2[%mul3A_4] : memref<4096xf32, #tpu.memory_space<hbm>> -> memref<128xf32, #tpu.memory_space<hbm>>
      tpu.wait_dma2 semaphore(%run_scoped3A : memref<!tpu.dma_semaphore, #tpu.memory_space<semaphore_mem>>) src(%dma_wait3A_1696 : memref<128xf32, #tpu.memory_space<hbm>>) dst(%arg6 : memref<128xf32, #tpu.memory_space<vmem>>)
      tpu.yield
    }) : () -> ()
    %broadcast_in_dim3A = arith.constant 64 : i32
    %broadcast_in_dim3A_5 = vector.broadcast %broadcast_in_dim3A : i32 to vector<16xi32>
    %broadcast_in_dim3A_6 = arith.constant 0 : i32
    %broadcast_in_dim3A_7 = vector.broadcast %broadcast_in_dim3A_6 : i32 to vector<16xi32>
    %broadcast_in_dim3A_8 = arith.constant 0.000000e+00 : f32
    %broadcast_in_dim3A_9 = vector.broadcast %broadcast_in_dim3A_8 : f32 to vector<16xf32>
    %get3A = arith.constant 0 : index
    %get3A_10 = tpu.vector_load %arg6[%get3A] {strides = array<i32>} : memref<128xf32, #tpu.memory_space<vmem>>, vector<16xf32>,
    %get3A_11 = vector.shape_cast %get3A_10 : vector<16xf32> to vector<16xf32>
    %get3A_12 = arith.constant 16 : index
    %get3A_13 = tpu.vector_load %arg6[%get3A_12] {strides = array<i32>} : memref<128xf32, #tpu.memory_space<vmem>>, vector<16xf32>,
    %get3A_14 = vector.shape_cast %get3A_13 : vector<16xf32> to vector<16xf32>
    %get3A_15 = arith.constant 32 : index
    %get3A_16 = tpu.vector_load %arg6[%get3A_15] {strides = array<i32>} : memref<128xf32, #tpu.memory_space<vmem>>, vector<16xf32>,
    %get3A_17 = vector.shape_cast %get3A_16 : vector<16xf32> to vector<16xf32>
    %get3A_18 = arith.constant 48 : index
    %get3A_19 = tpu.vector_load %arg6[%get3A_18] {strides = array<i32>} : memref<128xf32, #tpu.memory_space<vmem>>, vector<16xf32>,
    %get3A_20 = vector.shape_cast %get3A_19 : vector<16xf32> to vector<16xf32>
    %add3A_21 = arith.constant 0 : i32
    %add3A_22 = vector.broadcast %add3A_21 : i32 to vector<16xi32>
    %add3A_23 = arith.addi %iota3A, %add3A_22 : vector<16xi32>
    %add3A_24 = arith.constant 16 : i32
    %add3A_25 = vector.broadcast %add3A_24 : i32 to vector<16xi32>
    %add3A_26 = arith.addi %iota3A, %add3A_25 : vector<16xi32>
    %add3A_27 = arith.constant 32 : i32
    %add3A_28 = vector.broadcast %add3A_27 : i32 to vector<16xi32>
    %add3A_29 = arith.addi %iota3A, %add3A_28 : vector<16xi32>
    %add3A_30 = arith.constant 48 : i32
    %add3A_31 = vector.broadcast %add3A_30 : i32 to vector<16xi32>
    %add3A_32 = arith.addi %iota3A, %add3A_31 : vector<16xi32>
    %broadcast_in_dim3A_33 = arith.constant 0.000000e+00 : f32
    %broadcast_in_dim3A_34 = vector.broadcast %broadcast_in_dim3A_33 : f32 to vector<16xf32>
    %broadcast_in_dim3A_35 = arith.constant 0.000000e+00 : f32
    %broadcast_in_dim3A_36 = vector.broadcast %broadcast_in_dim3A_35 : f32 to vector<16xf32>
    %broadcast_in_dim3A_37 = arith.constant 0.000000e+00 : f32
    %broadcast_in_dim3A_38 = vector.broadcast %broadcast_in_dim3A_37 : f32 to vector<16xf32>
    %broadcast_in_dim3A_39 = arith.constant 0.000000e+00 : f32
    %broadcast_in_dim3A_40 = vector.broadcast %broadcast_in_dim3A_39 : f32 to vector<16xf32>
    %max3A = arith.maximumf %get3A_11, %get3A_14 : vector<16xf32>
    %max3A_41 = arith.maximumf %max3A, %get3A_17 : vector<16xf32>
    %max3A_42 = arith.maximumf %max3A_41, %get3A_20 : vector<16xf32>
    %xor3A = arith.constant 1 : i32
    %xor3A_43 = vector.broadcast %xor3A : i32 to vector<16xi32>
    %xor3A_44 = arith.xori %iota3A, %xor3A_43 : vector<16xi32>
    %broadcast_in_dim3A_45 = vector.shape_cast %xor3A_44 : vector<16xi32> to vector<16x1xi32>
    %gather3A = vector.shape_cast %broadcast_in_dim3A_45 : vector<16x1xi32> to vector<16xi32>
    %gather3A_46 = tpu.dynamic_gather %max3A_42[%gather3A] in [0] : vector<16xf32>, vector<16xi32> -> vector<16xf32>
    %max3A_47 = arith.maximumf %max3A_42, %gather3A_46 : vector<16xf32>
    %xor3A_48 = arith.constant 2 : i32
    %xor3A_49 = vector.broadcast %xor3A_48 : i32 to vector<16xi32>
    %xor3A_50 = arith.xori %iota3A, %xor3A_49 : vector<16xi32>
    %broadcast_in_dim3A_51 = vector.shape_cast %xor3A_50 : vector<16xi32> to vector<16x1xi32>
    %gather3A_52 = vector.shape_cast %broadcast_in_dim3A_51 : vector<16x1xi32> to vector<16xi32>
    %gather3A_53 = tpu.dynamic_gather %max3A_47[%gather3A_52] in [0] : vector<16xf32>, vector<16xi32> -> vector<16xf32>
    %max3A_54 = arith.maximumf %max3A_47, %gather3A_53 : vector<16xf32>
    %xor3A_55 = arith.constant 4 : i32
    %xor3A_56 = vector.broadcast %xor3A_55 : i32 to vector<16xi32>
    %xor3A_57 = arith.xori %iota3A, %xor3A_56 : vector<16xi32>
    %broadcast_in_dim3A_58 = vector.shape_cast %xor3A_57 : vector<16xi32> to vector<16x1xi32>
    %gather3A_59 = vector.shape_cast %broadcast_in_dim3A_58 : vector<16x1xi32> to vector<16xi32>
    %gather3A_60 = tpu.dynamic_gather %max3A_54[%gather3A_59] in [0] : vector<16xf32>, vector<16xi32> -> vector<16xf32>
    %max3A_61 = arith.maximumf %max3A_54, %gather3A_60 : vector<16xf32>
    %xor3A_62 = arith.constant 8 : i32
    %xor3A_63 = vector.broadcast %xor3A_62 : i32 to vector<16xi32>
    %xor3A_64 = arith.xori %iota3A, %xor3A_63 : vector<16xi32>
    %broadcast_in_dim3A_65 = vector.shape_cast %xor3A_64 : vector<16xi32> to vector<16x1xi32>
    %gather3A_66 = vector.shape_cast %broadcast_in_dim3A_65 : vector<16x1xi32> to vector<16xi32>
    %gather3A_67 = tpu.dynamic_gather %max3A_61[%gather3A_66] in [0] : vector<16xf32>, vector<16xi32> -> vector<16xf32>
    %max3A_68 = arith.maximumf %max3A_61, %gather3A_67 : vector<16xf32>
    %eq3A = arith.cmpf oeq, %get3A_11, %max3A_68 : vector<16xf32>
    %select_n3A = arith.select %eq3A, %add3A_23, %broadcast_in_dim3A_5 : vector<16xi1>, vector<16xi32>
    %min3A = arith.minsi %broadcast_in_dim3A_5, %select_n3A : vector<16xi32>
    %eq3A_69 = arith.cmpf oeq, %get3A_14, %max3A_68 : vector<16xf32>
    %select_n3A_70 = arith.select %eq3A_69, %add3A_26, %broadcast_in_dim3A_5 : vector<16xi1>, vector<16xi32>
    %min3A_71 = arith.minsi %min3A, %select_n3A_70 : vector<16xi32>
    %eq3A_72 = arith.cmpf oeq, %get3A_17, %max3A_68 : vector<16xf32>
    %select_n3A_73 = arith.select %eq3A_72, %add3A_29, %broadcast_in_dim3A_5 : vector<16xi1>, vector<16xi32>
    %min3A_74 = arith.minsi %min3A_71, %select_n3A_73 : vector<16xi32>
    %eq3A_75 = arith.cmpf oeq, %get3A_20, %max3A_68 : vector<16xf32>
    %select_n3A_76 = arith.select %eq3A_75, %add3A_32, %broadcast_in_dim3A_5 : vector<16xi1>, vector<16xi32>
    %min3A_77 = arith.minsi %min3A_74, %select_n3A_76 : vector<16xi32>
    %xor3A_78 = arith.constant 1 : i32
    %xor3A_79 = vector.broadcast %xor3A_78 : i32 to vector<16xi32>
    %xor3A_80 = arith.xori %iota3A, %xor3A_79 : vector<16xi32>
    %broadcast_in_dim3A_81 = vector.shape_cast %xor3A_80 : vector<16xi32> to vector<16x1xi32>
    %gather3A_82 = vector.shape_cast %broadcast_in_dim3A_81 : vector<16x1xi32> to vector<16xi32>
    %gather3A_83 = tpu.dynamic_gather %min3A_77[%gather3A_82] in [0] : vector<16xi32>, vector<16xi32> -> vector<16xi32>
    %min3A_84 = arith.minsi %min3A_77, %gather3A_83 : vector<16xi32>
    %xor3A_85 = arith.constant 2 : i32
    %xor3A_86 = vector.broadcast %xor3A_85 : i32 to vector<16xi32>
    %xor3A_87 = arith.xori %iota3A, %xor3A_86 : vector<16xi32>
    %broadcast_in_dim3A_88 = vector.shape_cast %xor3A_87 : vector<16xi32> to vector<16x1xi32>
    %gather3A_89 = vector.shape_cast %broadcast_in_dim3A_88 : vector<16x1xi32> to vector<16xi32>
    %gather3A_90 = tpu.dynamic_gather %min3A_84[%gather3A_89] in [0] : vector<16xi32>, vector<16xi32> -> vector<16xi32>
    %min3A_91 = arith.minsi %min3A_84, %gather3A_90 : vector<16xi32>
    %xor3A_92 = arith.constant 4 : i32
    %xor3A_93 = vector.broadcast %xor3A_92 : i32 to vector<16xi32>
    %xor3A_94 = arith.xori %iota3A, %xor3A_93 : vector<16xi32>
    %broadcast_in_dim3A_95 = vector.shape_cast %xor3A_94 : vector<16xi32> to vector<16x1xi32>
    %gather3A_96 = vector.shape_cast %broadcast_in_dim3A_95 : vector<16x1xi32> to vector<16xi32>
    %gather3A_97 = tpu.dynamic_gather %min3A_91[%gather3A_96] in [0] : vector<16xi32>, vector<16xi32> -> vector<16xi32>
    %min3A_98 = arith.minsi %min3A_91, %gather3A_97 : vector<16xi32>
    %xor3A_99 = arith.constant 8 : i32
    %xor3A_100 = vector.broadcast %xor3A_99 : i32 to vector<16xi32>
    %xor3A_101 = arith.xori %iota3A, %xor3A_100 : vector<16xi32>
    %broadcast_in_dim3A_102 = vector.shape_cast %xor3A_101 : vector<16xi32> to vector<16x1xi32>
    %gather3A_103 = vector.shape_cast %broadcast_in_dim3A_102 : vector<16x1xi32> to vector<16xi32>
    %gather3A_104 = tpu.dynamic_gather %min3A_98[%gather3A_103] in [0] : vector<16xi32>, vector<16xi32> -> vector<16xi32>
    %min3A_105 = arith.minsi %min3A_98, %gather3A_104 : vector<16xi32>
    %eq3A_106 = arith.constant 0 : i32
    %eq3A_107 = vector.broadcast %eq3A_106 : i32 to vector<16xi32>
    %eq3A_108 = arith.cmpi eq, %iota3A, %eq3A_107 : vector<16xi32>
    %select_n3A_109 = arith.select %eq3A_108, %min3A_105, %broadcast_in_dim3A_7 : vector<16xi1>, vector<16xi32>
    %eq3A_110 = arith.constant 0 : i32
    %eq3A_111 = vector.broadcast %eq3A_110 : i32 to vector<16xi32>
    %eq3A_112 = arith.cmpi eq, %iota3A, %eq3A_111 : vector<16xi32>
    %select_n3A_113 = arith.select %eq3A_112, %max3A_68, %broadcast_in_dim3A_9 : vector<16xi1>, vector<16xf32>
    %eq3A_114 = arith.cmpi eq, %add3A_23, %min3A_105 : vector<16xi32>
    %select_n3A_115 = arith.select %eq3A_114, %max3A_68, %broadcast_in_dim3A_34 : vector<16xi1>, vector<16xf32>
    %jit3A = arith.constant 0xFF800000 : f32
    %broadcast_in_dim3A_116 = vector.broadcast %jit3A : f32 to vector<16xf32>
    %select_n3A_117 = arith.select %eq3A_114, %broadcast_in_dim3A_116, %get3A_11 : vector<16xi1>, vector<16xf32>
    %eq3A_118 = arith.cmpi eq, %add3A_26, %min3A_105 : vector<16xi32>
    %select_n3A_119 = arith.select %eq3A_118, %max3A_68, %broadcast_in_dim3A_36 : vector<16xi1>, vector<16xf32>
    %jit3A_120 = arith.constant 0xFF800000 : f32
    %broadcast_in_dim3A_121 = vector.broadcast %jit3A_120 : f32 to vector<16xf32>
    %select_n3A_122 = arith.select %eq3A_118, %broadcast_in_dim3A_121, %get3A_14 : vector<16xi1>, vector<16xf32>
    %eq3A_123 = arith.cmpi eq, %add3A_29, %min3A_105 : vector<16xi32>
    %select_n3A_124 = arith.select %eq3A_123, %max3A_68, %broadcast_in_dim3A_38 : vector<16xi1>, vector<16xf32>
    %jit3A_125 = arith.constant 0xFF800000 : f32
    %broadcast_in_dim3A_126 = vector.broadcast %jit3A_125 : f32 to vector<16xf32>
    %select_n3A_127 = arith.select %eq3A_123, %broadcast_in_dim3A_126, %get3A_17 : vector<16xi1>, vector<16xf32>
    %eq3A_128 = arith.cmpi eq, %add3A_32, %min3A_105 : vector<16xi32>
    %select_n3A_129 = arith.select %eq3A_128, %max3A_68, %broadcast_in_dim3A_40 : vector<16xi1>, vector<16xf32>
    %jit3A_130 = arith.constant 0xFF800000 : f32
    %broadcast_in_dim3A_131 = vector.broadcast %jit3A_130 : f32 to vector<16xf32>
    %select_n3A_132 = arith.select %eq3A_128, %broadcast_in_dim3A_131, %get3A_20 : vector<16xi1>, vector<16xf32>
    %max3A_133 = arith.maximumf %select_n3A_117, %select_n3A_122 : vector<16xf32>
    %max3A_134 = arith.maximumf %max3A_133, %select_n3A_127 : vector<16xf32>
    %max3A_135 = arith.maximumf %max3A_134, %select_n3A_132 : vector<16xf32>
    %xor3A_136 = arith.constant 1 : i32
    %xor3A_137 = vector.broadcast %xor3A_136 : i32 to vector<16xi32>
    %xor3A_138 = arith.xori %iota3A, %xor3A_137 : vector<16xi32>
    %broadcast_in_dim3A_139 = vector.shape_cast %xor3A_138 : vector<16xi32> to vector<16x1xi32>
    %gather3A_140 = vector.shape_cast %broadcast_in_dim3A_139 : vector<16x1xi32> to vector<16xi32>
    %gather3A_141 = tpu.dynamic_gather %max3A_135[%gather3A_140] in [0] : vector<16xf32>, vector<16xi32> -> vector<16xf32>
    %max3A_142 = arith.maximumf %max3A_135, %gather3A_141 : vector<16xf32>
    %xor3A_143 = arith.constant 2 : i32
    %xor3A_144 = vector.broadcast %xor3A_143 : i32 to vector<16xi32>
    %xor3A_145 = arith.xori %iota3A, %xor3A_144 : vector<16xi32>
    %broadcast_in_dim3A_146 = vector.shape_cast %xor3A_145 : vector<16xi32> to vector<16x1xi32>
    %gather3A_147 = vector.shape_cast %broadcast_in_dim3A_146 : vector<16x1xi32> to vector<16xi32>
    %gather3A_148 = tpu.dynamic_gather %max3A_142[%gather3A_147] in [0] : vector<16xf32>, vector<16xi32> -> vector<16xf32>
    %max3A_149 = arith.maximumf %max3A_142, %gather3A_148 : vector<16xf32>
    %xor3A_150 = arith.constant 4 : i32
    %xor3A_151 = vector.broadcast %xor3A_150 : i32 to vector<16xi32>
    %xor3A_152 = arith.xori %iota3A, %xor3A_151 : vector<16xi32>
    %broadcast_in_dim3A_153 = vector.shape_cast %xor3A_152 : vector<16xi32> to vector<16x1xi32>
    %gather3A_154 = vector.shape_cast %broadcast_in_dim3A_153 : vector<16x1xi32> to vector<16xi32>
    %gather3A_155 = tpu.dynamic_gather %max3A_149[%gather3A_154] in [0] : vector<16xf32>, vector<16xi32> -> vector<16xf32>
    %max3A_156 = arith.maximumf %max3A_149, %gather3A_155 : vector<16xf32>
    %xor3A_157 = arith.constant 8 : i32
    %xor3A_158 = vector.broadcast %xor3A_157 : i32 to vector<16xi32>
    %xor3A_159 = arith.xori %iota3A, %xor3A_158 : vector<16xi32>
    %broadcast_in_dim3A_160 = vector.shape_cast %xor3A_159 : vector<16xi32> to vector<16x1xi32>
    %gather3A_161 = vector.shape_cast %broadcast_in_dim3A_160 : vector<16x1xi32> to vector<16xi32>
    %gather3A_162 = tpu.dynamic_gather %max3A_156[%gather3A_161] in [0] : vector<16xf32>, vector<16xi32> -> vector<16xf32>
    %max3A_163 = arith.maximumf %max3A_156, %gather3A_162 : vector<16xf32>
    %eq3A_164 = arith.cmpf oeq, %select_n3A_117, %max3A_163 : vector<16xf32>
    %select_n3A_165 = arith.select %eq3A_164, %add3A_23, %broadcast_in_dim3A_5 : vector<16xi1>, vector<16xi32>
    %min3A_166 = arith.minsi %broadcast_in_dim3A_5, %select_n3A_165 : vector<16xi32>
    %eq3A_167 = arith.cmpf oeq, %select_n3A_122, %max3A_163 : vector<16xf32>
    %select_n3A_168 = arith.select %eq3A_167, %add3A_26, %broadcast_in_dim3A_5 : vector<16xi1>, vector<16xi32>
    %min3A_169 = arith.minsi %min3A_166, %select_n3A_168 : vector<16xi32>
    %eq3A_170 = arith.cmpf oeq, %select_n3A_127, %max3A_163 : vector<16xf32>
    %select_n3A_171 = arith.select %eq3A_170, %add3A_29, %broadcast_in_dim3A_5 : vector<16xi1>, vector<16xi32>
    %min3A_172 = arith.minsi %min3A_169, %select_n3A_171 : vector<16xi32>
    %eq3A_173 = arith.cmpf oeq, %select_n3A_132, %max3A_163 : vector<16xf32>
    %select_n3A_174 = arith.select %eq3A_173, %add3A_32, %broadcast_in_dim3A_5 : vector<16xi1>, vector<16xi32>
    %min3A_175 = arith.minsi %min3A_172, %select_n3A_174 : vector<16xi32>
    %xor3A_176 = arith.constant 1 : i32
    %xor3A_177 = vector.broadcast %xor3A_176 : i32 to vector<16xi32>
    %xor3A_178 = arith.xori %iota3A, %xor3A_177 : vector<16xi32>
    %broadcast_in_dim3A_179 = vector.shape_cast %xor3A_178 : vector<16xi32> to vector<16x1xi32>
    %gather3A_180 = vector.shape_cast %broadcast_in_dim3A_179 : vector<16x1xi32> to vector<16xi32>
    %gather3A_181 = tpu.dynamic_gather %min3A_175[%gather3A_180] in [0] : vector<16xi32>, vector<16xi32> -> vector<16xi32>
    %min3A_182 = arith.minsi %min3A_175, %gather3A_181 : vector<16xi32>
    %xor3A_183 = arith.constant 2 : i32
    %xor3A_184 = vector.broadcast %xor3A_183 : i32 to vector<16xi32>
    %xor3A_185 = arith.xori %iota3A, %xor3A_184 : vector<16xi32>
    %broadcast_in_dim3A_186 = vector.shape_cast %xor3A_185 : vector<16xi32> to vector<16x1xi32>
    %gather3A_187 = vector.shape_cast %broadcast_in_dim3A_186 : vector<16x1xi32> to vector<16xi32>
    %gather3A_188 = tpu.dynamic_gather %min3A_182[%gather3A_187] in [0] : vector<16xi32>, vector<16xi32> -> vector<16xi32>
    %min3A_189 = arith.minsi %min3A_182, %gather3A_188 : vector<16xi32>
    %xor3A_190 = arith.constant 4 : i32
    %xor3A_191 = vector.broadcast %xor3A_190 : i32 to vector<16xi32>
    %xor3A_192 = arith.xori %iota3A, %xor3A_191 : vector<16xi32>
    %broadcast_in_dim3A_193 = vector.shape_cast %xor3A_192 : vector<16xi32> to vector<16x1xi32>
    %gather3A_194 = vector.shape_cast %broadcast_in_dim3A_193 : vector<16x1xi32> to vector<16xi32>
    %gather3A_195 = tpu.dynamic_gather %min3A_189[%gather3A_194] in [0] : vector<16xi32>, vector<16xi32> -> vector<16xi32>
    %min3A_196 = arith.minsi %min3A_189, %gather3A_195 : vector<16xi32>
    %xor3A_197 = arith.constant 8 : i32
    %xor3A_198 = vector.broadcast %xor3A_197 : i32 to vector<16xi32>
    %xor3A_199 = arith.xori %iota3A, %xor3A_198 : vector<16xi32>
    %broadcast_in_dim3A_200 = vector.shape_cast %xor3A_199 : vector<16xi32> to vector<16x1xi32>
    %gather3A_201 = vector.shape_cast %broadcast_in_dim3A_200 : vector<16x1xi32> to vector<16xi32>
    %gather3A_202 = tpu.dynamic_gather %min3A_196[%gather3A_201] in [0] : vector<16xi32>, vector<16xi32> -> vector<16xi32>
    %min3A_203 = arith.minsi %min3A_196, %gather3A_202 : vector<16xi32>
    %eq3A_204 = arith.constant 1 : i32
    %eq3A_205 = vector.broadcast %eq3A_204 : i32 to vector<16xi32>
    %eq3A_206 = arith.cmpi eq, %iota3A, %eq3A_205 : vector<16xi32>
    %select_n3A_207 = arith.select %eq3A_206, %min3A_203, %select_n3A_109 : vector<16xi1>, vector<16xi32>
    %eq3A_208 = arith.constant 1 : i32
    %eq3A_209 = vector.broadcast %eq3A_208 : i32 to vector<16xi32>
    %eq3A_210 = arith.cmpi eq, %iota3A, %eq3A_209 : vector<16xi32>
    %select_n3A_211 = arith.select %eq3A_210, %max3A_163, %select_n3A_113 : vector<16xi1>, vector<16xf32>
    %eq3A_212 = arith.cmpi eq, %add3A_23, %min3A_203 : vector<16xi32>
    %select_n3A_213 = arith.select %eq3A_212, %max3A_163, %select_n3A_115 : vector<16xi1>, vector<16xf32>
    %jit3A_214 = arith.constant 0xFF800000 : f32
    %broadcast_in_dim3A_215 = vector.broadcast %jit3A_214 : f32 to vector<16xf32>
    %select_n3A_216 = arith.select %eq3A_212, %broadcast_in_dim3A_215, %select_n3A_117 : vector<16xi1>, vector<16xf32>
    %eq3A_217 = arith.cmpi eq, %add3A_26, %min3A_203 : vector<16xi32>
    %select_n3A_218 = arith.select %eq3A_217, %max3A_163, %select_n3A_119 : vector<16xi1>, vector<16xf32>
    %jit3A_219 = arith.constant 0xFF800000 : f32
    %broadcast_in_dim3A_220 = vector.broadcast %jit3A_219 : f32 to vector<16xf32>
    %select_n3A_221 = arith.select %eq3A_217, %broadcast_in_dim3A_220, %select_n3A_122 : vector<16xi1>, vector<16xf32>
    %eq3A_222 = arith.cmpi eq, %add3A_29, %min3A_203 : vector<16xi32>
    %select_n3A_223 = arith.select %eq3A_222, %max3A_163, %select_n3A_124 : vector<16xi1>, vector<16xf32>
    %jit3A_224 = arith.constant 0xFF800000 : f32
    %broadcast_in_dim3A_225 = vector.broadcast %jit3A_224 : f32 to vector<16xf32>
    %select_n3A_226 = arith.select %eq3A_222, %broadcast_in_dim3A_225, %select_n3A_127 : vector<16xi1>, vector<16xf32>
    %eq3A_227 = arith.cmpi eq, %add3A_32, %min3A_203 : vector<16xi32>
    %select_n3A_228 = arith.select %eq3A_227, %max3A_163, %select_n3A_129 : vector<16xi1>, vector<16xf32>
    %jit3A_229 = arith.constant 0xFF800000 : f32
    %broadcast_in_dim3A_230 = vector.broadcast %jit3A_229 : f32 to vector<16xf32>
    %select_n3A_231 = arith.select %eq3A_227, %broadcast_in_dim3A_230, %select_n3A_132 : vector<16xi1>, vector<16xf32>
    %max3A_232 = arith.maximumf %select_n3A_216, %select_n3A_221 : vector<16xf32>
    %max3A_233 = arith.maximumf %max3A_232, %select_n3A_226 : vector<16xf32>
    %max3A_234 = arith.maximumf %max3A_233, %select_n3A_231 : vector<16xf32>
    %xor3A_235 = arith.constant 1 : i32
    %xor3A_236 = vector.broadcast %xor3A_235 : i32 to vector<16xi32>
    %xor3A_237 = arith.xori %iota3A, %xor3A_236 : vector<16xi32>
    %broadcast_in_dim3A_238 = vector.shape_cast %xor3A_237 : vector<16xi32> to vector<16x1xi32>
    %gather3A_239 = vector.shape_cast %broadcast_in_dim3A_238 : vector<16x1xi32> to vector<16xi32>
    %gather3A_240 = tpu.dynamic_gather %max3A_234[%gather3A_239] in [0] : vector<16xf32>, vector<16xi32> -> vector<16xf32>
    %max3A_241 = arith.maximumf %max3A_234, %gather3A_240 : vector<16xf32>
    %xor3A_242 = arith.constant 2 : i32
    %xor3A_243 = vector.broadcast %xor3A_242 : i32 to vector<16xi32>
    %xor3A_244 = arith.xori %iota3A, %xor3A_243 : vector<16xi32>
    %broadcast_in_dim3A_245 = vector.shape_cast %xor3A_244 : vector<16xi32> to vector<16x1xi32>
    %gather3A_246 = vector.shape_cast %broadcast_in_dim3A_245 : vector<16x1xi32> to vector<16xi32>
    %gather3A_247 = tpu.dynamic_gather %max3A_241[%gather3A_246] in [0] : vector<16xf32>, vector<16xi32> -> vector<16xf32>
    %max3A_248 = arith.maximumf %max3A_241, %gather3A_247 : vector<16xf32>
    %xor3A_249 = arith.constant 4 : i32
    %xor3A_250 = vector.broadcast %xor3A_249 : i32 to vector<16xi32>
    %xor3A_251 = arith.xori %iota3A, %xor3A_250 : vector<16xi32>
    %broadcast_in_dim3A_252 = vector.shape_cast %xor3A_251 : vector<16xi32> to vector<16x1xi32>
    %gather3A_253 = vector.shape_cast %broadcast_in_dim3A_252 : vector<16x1xi32> to vector<16xi32>
    %gather3A_254 = tpu.dynamic_gather %max3A_248[%gather3A_253] in [0] : vector<16xf32>, vector<16xi32> -> vector<16xf32>
    %max3A_255 = arith.maximumf %max3A_248, %gather3A_254 : vector<16xf32>
    %xor3A_256 = arith.constant 8 : i32
    %xor3A_257 = vector.broadcast %xor3A_256 : i32 to vector<16xi32>
    %xor3A_258 = arith.xori %iota3A, %xor3A_257 : vector<16xi32>
    %broadcast_in_dim3A_259 = vector.shape_cast %xor3A_258 : vector<16xi32> to vector<16x1xi32>
    %gather3A_260 = vector.shape_cast %broadcast_in_dim3A_259 : vector<16x1xi32> to vector<16xi32>
    %gather3A_261 = tpu.dynamic_gather %max3A_255[%gather3A_260] in [0] : vector<16xf32>, vector<16xi32> -> vector<16xf32>
    %max3A_262 = arith.maximumf %max3A_255, %gather3A_261 : vector<16xf32>
    %eq3A_263 = arith.cmpf oeq, %select_n3A_216, %max3A_262 : vector<16xf32>
    %select_n3A_264 = arith.select %eq3A_263, %add3A_23, %broadcast_in_dim3A_5 : vector<16xi1>, vector<16xi32>
    %min3A_265 = arith.minsi %broadcast_in_dim3A_5, %select_n3A_264 : vector<16xi32>
    %eq3A_266 = arith.cmpf oeq, %select_n3A_221, %max3A_262 : vector<16xf32>
    %select_n3A_267 = arith.select %eq3A_266, %add3A_26, %broadcast_in_dim3A_5 : vector<16xi1>, vector<16xi32>
    %min3A_268 = arith.minsi %min3A_265, %select_n3A_267 : vector<16xi32>
    %eq3A_269 = arith.cmpf oeq, %select_n3A_226, %max3A_262 : vector<16xf32>
    %select_n3A_270 = arith.select %eq3A_269, %add3A_29, %broadcast_in_dim3A_5 : vector<16xi1>, vector<16xi32>
    %min3A_271 = arith.minsi %min3A_268, %select_n3A_270 : vector<16xi32>
    %eq3A_272 = arith.cmpf oeq, %select_n3A_231, %max3A_262 : vector<16xf32>
    %select_n3A_273 = arith.select %eq3A_272, %add3A_32, %broadcast_in_dim3A_5 : vector<16xi1>, vector<16xi32>
    %min3A_274 = arith.minsi %min3A_271, %select_n3A_273 : vector<16xi32>
    %xor3A_275 = arith.constant 1 : i32
    %xor3A_276 = vector.broadcast %xor3A_275 : i32 to vector<16xi32>
    %xor3A_277 = arith.xori %iota3A, %xor3A_276 : vector<16xi32>
    %broadcast_in_dim3A_278 = vector.shape_cast %xor3A_277 : vector<16xi32> to vector<16x1xi32>
    %gather3A_279 = vector.shape_cast %broadcast_in_dim3A_278 : vector<16x1xi32> to vector<16xi32>
    %gather3A_280 = tpu.dynamic_gather %min3A_274[%gather3A_279] in [0] : vector<16xi32>, vector<16xi32> -> vector<16xi32>
    %min3A_281 = arith.minsi %min3A_274, %gather3A_280 : vector<16xi32>
    %xor3A_282 = arith.constant 2 : i32
    %xor3A_283 = vector.broadcast %xor3A_282 : i32 to vector<16xi32>
    %xor3A_284 = arith.xori %iota3A, %xor3A_283 : vector<16xi32>
    %broadcast_in_dim3A_285 = vector.shape_cast %xor3A_284 : vector<16xi32> to vector<16x1xi32>
    %gather3A_286 = vector.shape_cast %broadcast_in_dim3A_285 : vector<16x1xi32> to vector<16xi32>
    %gather3A_287 = tpu.dynamic_gather %min3A_281[%gather3A_286] in [0] : vector<16xi32>, vector<16xi32> -> vector<16xi32>
    %min3A_288 = arith.minsi %min3A_281, %gather3A_287 : vector<16xi32>
    %xor3A_289 = arith.constant 4 : i32
    %xor3A_290 = vector.broadcast %xor3A_289 : i32 to vector<16xi32>
    %xor3A_291 = arith.xori %iota3A, %xor3A_290 : vector<16xi32>
    %broadcast_in_dim3A_292 = vector.shape_cast %xor3A_291 : vector<16xi32> to vector<16x1xi32>
    %gather3A_293 = vector.shape_cast %broadcast_in_dim3A_292 : vector<16x1xi32> to vector<16xi32>
    %gather3A_294 = tpu.dynamic_gather %min3A_288[%gather3A_293] in [0] : vector<16xi32>, vector<16xi32> -> vector<16xi32>
    %min3A_295 = arith.minsi %min3A_288, %gather3A_294 : vector<16xi32>
    %xor3A_296 = arith.constant 8 : i32
    %xor3A_297 = vector.broadcast %xor3A_296 : i32 to vector<16xi32>
    %xor3A_298 = arith.xori %iota3A, %xor3A_297 : vector<16xi32>
    %broadcast_in_dim3A_299 = vector.shape_cast %xor3A_298 : vector<16xi32> to vector<16x1xi32>
    %gather3A_300 = vector.shape_cast %broadcast_in_dim3A_299 : vector<16x1xi32> to vector<16xi32>
    %gather3A_301 = tpu.dynamic_gather %min3A_295[%gather3A_300] in [0] : vector<16xi32>, vector<16xi32> -> vector<16xi32>
    %min3A_302 = arith.minsi %min3A_295, %gather3A_301 : vector<16xi32>
    %eq3A_303 = arith.constant 2 : i32
    %eq3A_304 = vector.broadcast %eq3A_303 : i32 to vector<16xi32>
    %eq3A_305 = arith.cmpi eq, %iota3A, %eq3A_304 : vector<16xi32>
    %select_n3A_306 = arith.select %eq3A_305, %min3A_302, %select_n3A_207 : vector<16xi1>, vector<16xi32>
    %eq3A_307 = arith.constant 2 : i32
    %eq3A_308 = vector.broadcast %eq3A_307 : i32 to vector<16xi32>
    %eq3A_309 = arith.cmpi eq, %iota3A, %eq3A_308 : vector<16xi32>
    %select_n3A_310 = arith.select %eq3A_309, %max3A_262, %select_n3A_211 : vector<16xi1>, vector<16xf32>
    %eq3A_311 = arith.cmpi eq, %add3A_23, %min3A_302 : vector<16xi32>
    %select_n3A_312 = arith.select %eq3A_311, %max3A_262, %select_n3A_213 : vector<16xi1>, vector<16xf32>
    %jit3A_313 = arith.constant 0xFF800000 : f32
    %broadcast_in_dim3A_314 = vector.broadcast %jit3A_313 : f32 to vector<16xf32>
    %select_n3A_315 = arith.select %eq3A_311, %broadcast_in_dim3A_314, %select_n3A_216 : vector<16xi1>, vector<16xf32>
    %eq3A_316 = arith.cmpi eq, %add3A_26, %min3A_302 : vector<16xi32>
    %select_n3A_317 = arith.select %eq3A_316, %max3A_262, %select_n3A_218 : vector<16xi1>, vector<16xf32>
    %jit3A_318 = arith.constant 0xFF800000 : f32
    %broadcast_in_dim3A_319 = vector.broadcast %jit3A_318 : f32 to vector<16xf32>
    %select_n3A_320 = arith.select %eq3A_316, %broadcast_in_dim3A_319, %select_n3A_221 : vector<16xi1>, vector<16xf32>
    %eq3A_321 = arith.cmpi eq, %add3A_29, %min3A_302 : vector<16xi32>
    %select_n3A_322 = arith.select %eq3A_321, %max3A_262, %select_n3A_223 : vector<16xi1>, vector<16xf32>
    %jit3A_323 = arith.constant 0xFF800000 : f32
    %broadcast_in_dim3A_324 = vector.broadcast %jit3A_323 : f32 to vector<16xf32>
    %select_n3A_325 = arith.select %eq3A_321, %broadcast_in_dim3A_324, %select_n3A_226 : vector<16xi1>, vector<16xf32>
    %eq3A_326 = arith.cmpi eq, %add3A_32, %min3A_302 : vector<16xi32>
    %select_n3A_327 = arith.select %eq3A_326, %max3A_262, %select_n3A_228 : vector<16xi1>, vector<16xf32>
    %jit3A_328 = arith.constant 0xFF800000 : f32
    %broadcast_in_dim3A_329 = vector.broadcast %jit3A_328 : f32 to vector<16xf32>
    %select_n3A_330 = arith.select %eq3A_326, %broadcast_in_dim3A_329, %select_n3A_231 : vector<16xi1>, vector<16xf32>
    %max3A_331 = arith.maximumf %select_n3A_315, %select_n3A_320 : vector<16xf32>
    %max3A_332 = arith.maximumf %max3A_331, %select_n3A_325 : vector<16xf32>
    %max3A_333 = arith.maximumf %max3A_332, %select_n3A_330 : vector<16xf32>
    %xor3A_334 = arith.constant 1 : i32
    %xor3A_335 = vector.broadcast %xor3A_334 : i32 to vector<16xi32>
    %xor3A_336 = arith.xori %iota3A, %xor3A_335 : vector<16xi32>
    %broadcast_in_dim3A_337 = vector.shape_cast %xor3A_336 : vector<16xi32> to vector<16x1xi32>
    %gather3A_338 = vector.shape_cast %broadcast_in_dim3A_337 : vector<16x1xi32> to vector<16xi32>
    %gather3A_339 = tpu.dynamic_gather %max3A_333[%gather3A_338] in [0] : vector<16xf32>, vector<16xi32> -> vector<16xf32>
    %max3A_340 = arith.maximumf %max3A_333, %gather3A_339 : vector<16xf32>
    %xor3A_341 = arith.constant 2 : i32
    %xor3A_342 = vector.broadcast %xor3A_341 : i32 to vector<16xi32>
    %xor3A_343 = arith.xori %iota3A, %xor3A_342 : vector<16xi32>
    %broadcast_in_dim3A_344 = vector.shape_cast %xor3A_343 : vector<16xi32> to vector<16x1xi32>
    %gather3A_345 = vector.shape_cast %broadcast_in_dim3A_344 : vector<16x1xi32> to vector<16xi32>
    %gather3A_346 = tpu.dynamic_gather %max3A_340[%gather3A_345] in [0] : vector<16xf32>, vector<16xi32> -> vector<16xf32>
    %max3A_347 = arith.maximumf %max3A_340, %gather3A_346 : vector<16xf32>
    %xor3A_348 = arith.constant 4 : i32
    %xor3A_349 = vector.broadcast %xor3A_348 : i32 to vector<16xi32>
    %xor3A_350 = arith.xori %iota3A, %xor3A_349 : vector<16xi32>
    %broadcast_in_dim3A_351 = vector.shape_cast %xor3A_350 : vector<16xi32> to vector<16x1xi32>
    %gather3A_352 = vector.shape_cast %broadcast_in_dim3A_351 : vector<16x1xi32> to vector<16xi32>
    %gather3A_353 = tpu.dynamic_gather %max3A_347[%gather3A_352] in [0] : vector<16xf32>, vector<16xi32> -> vector<16xf32>
    %max3A_354 = arith.maximumf %max3A_347, %gather3A_353 : vector<16xf32>
    %xor3A_355 = arith.constant 8 : i32
    %xor3A_356 = vector.broadcast %xor3A_355 : i32 to vector<16xi32>
    %xor3A_357 = arith.xori %iota3A, %xor3A_356 : vector<16xi32>
    %broadcast_in_dim3A_358 = vector.shape_cast %xor3A_357 : vector<16xi32> to vector<16x1xi32>
    %gather3A_359 = vector.shape_cast %broadcast_in_dim3A_358 : vector<16x1xi32> to vector<16xi32>
    %gather3A_360 = tpu.dynamic_gather %max3A_354[%gather3A_359] in [0] : vector<16xf32>, vector<16xi32> -> vector<16xf32>
    %max3A_361 = arith.maximumf %max3A_354, %gather3A_360 : vector<16xf32>
    %eq3A_362 = arith.cmpf oeq, %select_n3A_315, %max3A_361 : vector<16xf32>
    %select_n3A_363 = arith.select %eq3A_362, %add3A_23, %broadcast_in_dim3A_5 : vector<16xi1>, vector<16xi32>
    %min3A_364 = arith.minsi %broadcast_in_dim3A_5, %select_n3A_363 : vector<16xi32>
    %eq3A_365 = arith.cmpf oeq, %select_n3A_320, %max3A_361 : vector<16xf32>
    %select_n3A_366 = arith.select %eq3A_365, %add3A_26, %broadcast_in_dim3A_5 : vector<16xi1>, vector<16xi32>
    %min3A_367 = arith.minsi %min3A_364, %select_n3A_366 : vector<16xi32>
    %eq3A_368 = arith.cmpf oeq, %select_n3A_325, %max3A_361 : vector<16xf32>
    %select_n3A_369 = arith.select %eq3A_368, %add3A_29, %broadcast_in_dim3A_5 : vector<16xi1>, vector<16xi32>
    %min3A_370 = arith.minsi %min3A_367, %select_n3A_369 : vector<16xi32>
    %eq3A_371 = arith.cmpf oeq, %select_n3A_330, %max3A_361 : vector<16xf32>
    %select_n3A_372 = arith.select %eq3A_371, %add3A_32, %broadcast_in_dim3A_5 : vector<16xi1>, vector<16xi32>
    %min3A_373 = arith.minsi %min3A_370, %select_n3A_372 : vector<16xi32>
    %xor3A_374 = arith.constant 1 : i32
    %xor3A_375 = vector.broadcast %xor3A_374 : i32 to vector<16xi32>
    %xor3A_376 = arith.xori %iota3A, %xor3A_375 : vector<16xi32>
    %broadcast_in_dim3A_377 = vector.shape_cast %xor3A_376 : vector<16xi32> to vector<16x1xi32>
    %gather3A_378 = vector.shape_cast %broadcast_in_dim3A_377 : vector<16x1xi32> to vector<16xi32>
    %gather3A_379 = tpu.dynamic_gather %min3A_373[%gather3A_378] in [0] : vector<16xi32>, vector<16xi32> -> vector<16xi32>
    %min3A_380 = arith.minsi %min3A_373, %gather3A_379 : vector<16xi32>
    %xor3A_381 = arith.constant 2 : i32
    %xor3A_382 = vector.broadcast %xor3A_381 : i32 to vector<16xi32>
    %xor3A_383 = arith.xori %iota3A, %xor3A_382 : vector<16xi32>
    %broadcast_in_dim3A_384 = vector.shape_cast %xor3A_383 : vector<16xi32> to vector<16x1xi32>
    %gather3A_385 = vector.shape_cast %broadcast_in_dim3A_384 : vector<16x1xi32> to vector<16xi32>
    %gather3A_386 = tpu.dynamic_gather %min3A_380[%gather3A_385] in [0] : vector<16xi32>, vector<16xi32> -> vector<16xi32>
    %min3A_387 = arith.minsi %min3A_380, %gather3A_386 : vector<16xi32>
    %xor3A_388 = arith.constant 4 : i32
    %xor3A_389 = vector.broadcast %xor3A_388 : i32 to vector<16xi32>
    %xor3A_390 = arith.xori %iota3A, %xor3A_389 : vector<16xi32>
    %broadcast_in_dim3A_391 = vector.shape_cast %xor3A_390 : vector<16xi32> to vector<16x1xi32>
    %gather3A_392 = vector.shape_cast %broadcast_in_dim3A_391 : vector<16x1xi32> to vector<16xi32>
    %gather3A_393 = tpu.dynamic_gather %min3A_387[%gather3A_392] in [0] : vector<16xi32>, vector<16xi32> -> vector<16xi32>
    %min3A_394 = arith.minsi %min3A_387, %gather3A_393 : vector<16xi32>
    %xor3A_395 = arith.constant 8 : i32
    %xor3A_396 = vector.broadcast %xor3A_395 : i32 to vector<16xi32>
    %xor3A_397 = arith.xori %iota3A, %xor3A_396 : vector<16xi32>
    %broadcast_in_dim3A_398 = vector.shape_cast %xor3A_397 : vector<16xi32> to vector<16x1xi32>
    %gather3A_399 = vector.shape_cast %broadcast_in_dim3A_398 : vector<16x1xi32> to vector<16xi32>
    %gather3A_400 = tpu.dynamic_gather %min3A_394[%gather3A_399] in [0] : vector<16xi32>, vector<16xi32> -> vector<16xi32>
    %min3A_401 = arith.minsi %min3A_394, %gather3A_400 : vector<16xi32>
    %eq3A_402 = arith.constant 3 : i32
    %eq3A_403 = vector.broadcast %eq3A_402 : i32 to vector<16xi32>
    %eq3A_404 = arith.cmpi eq, %iota3A, %eq3A_403 : vector<16xi32>
    %select_n3A_405 = arith.select %eq3A_404, %min3A_401, %select_n3A_306 : vector<16xi1>, vector<16xi32>
    %eq3A_406 = arith.constant 3 : i32
    %eq3A_407 = vector.broadcast %eq3A_406 : i32 to vector<16xi32>
    %eq3A_408 = arith.cmpi eq, %iota3A, %eq3A_407 : vector<16xi32>
    %select_n3A_409 = arith.select %eq3A_408, %max3A_361, %select_n3A_310 : vector<16xi1>, vector<16xf32>
    %eq3A_410 = arith.cmpi eq, %add3A_23, %min3A_401 : vector<16xi32>
    %select_n3A_411 = arith.select %eq3A_410, %max3A_361, %select_n3A_312 : vector<16xi1>, vector<16xf32>
    %jit3A_412 = arith.constant 0xFF800000 : f32
    %broadcast_in_dim3A_413 = vector.broadcast %jit3A_412 : f32 to vector<16xf32>
    %select_n3A_414 = arith.select %eq3A_410, %broadcast_in_dim3A_413, %select_n3A_315 : vector<16xi1>, vector<16xf32>
    %eq3A_415 = arith.cmpi eq, %add3A_26, %min3A_401 : vector<16xi32>
    %select_n3A_416 = arith.select %eq3A_415, %max3A_361, %select_n3A_317 : vector<16xi1>, vector<16xf32>
    %jit3A_417 = arith.constant 0xFF800000 : f32
    %broadcast_in_dim3A_418 = vector.broadcast %jit3A_417 : f32 to vector<16xf32>
    %select_n3A_419 = arith.select %eq3A_415, %broadcast_in_dim3A_418, %select_n3A_320 : vector<16xi1>, vector<16xf32>
    %eq3A_420 = arith.cmpi eq, %add3A_29, %min3A_401 : vector<16xi32>
    %select_n3A_421 = arith.select %eq3A_420, %max3A_361, %select_n3A_322 : vector<16xi1>, vector<16xf32>
    %jit3A_422 = arith.constant 0xFF800000 : f32
    %broadcast_in_dim3A_423 = vector.broadcast %jit3A_422 : f32 to vector<16xf32>
    %select_n3A_424 = arith.select %eq3A_420, %broadcast_in_dim3A_423, %select_n3A_325 : vector<16xi1>, vector<16xf32>
    %eq3A_425 = arith.cmpi eq, %add3A_32, %min3A_401 : vector<16xi32>
    %select_n3A_426 = arith.select %eq3A_425, %max3A_361, %select_n3A_327 : vector<16xi1>, vector<16xf32>
    %jit3A_427 = arith.constant 0xFF800000 : f32
    %broadcast_in_dim3A_428 = vector.broadcast %jit3A_427 : f32 to vector<16xf32>
    %select_n3A_429 = arith.select %eq3A_425, %broadcast_in_dim3A_428, %select_n3A_330 : vector<16xi1>, vector<16xf32>
    %max3A_430 = arith.maximumf %select_n3A_414, %select_n3A_419 : vector<16xf32>
    %max3A_431 = arith.maximumf %max3A_430, %select_n3A_424 : vector<16xf32>
    %max3A_432 = arith.maximumf %max3A_431, %select_n3A_429 : vector<16xf32>
    %xor3A_433 = arith.constant 1 : i32
    %xor3A_434 = vector.broadcast %xor3A_433 : i32 to vector<16xi32>
    %xor3A_435 = arith.xori %iota3A, %xor3A_434 : vector<16xi32>
    %broadcast_in_dim3A_436 = vector.shape_cast %xor3A_435 : vector<16xi32> to vector<16x1xi32>
    %gather3A_437 = vector.shape_cast %broadcast_in_dim3A_436 : vector<16x1xi32> to vector<16xi32>
    %gather3A_438 = tpu.dynamic_gather %max3A_432[%gather3A_437] in [0] : vector<16xf32>, vector<16xi32> -> vector<16xf32>
    %max3A_439 = arith.maximumf %max3A_432, %gather3A_438 : vector<16xf32>
    %xor3A_440 = arith.constant 2 : i32
    %xor3A_441 = vector.broadcast %xor3A_440 : i32 to vector<16xi32>
    %xor3A_442 = arith.xori %iota3A, %xor3A_441 : vector<16xi32>
    %broadcast_in_dim3A_443 = vector.shape_cast %xor3A_442 : vector<16xi32> to vector<16x1xi32>
    %gather3A_444 = vector.shape_cast %broadcast_in_dim3A_443 : vector<16x1xi32> to vector<16xi32>
    %gather3A_445 = tpu.dynamic_gather %max3A_439[%gather3A_444] in [0] : vector<16xf32>, vector<16xi32> -> vector<16xf32>
    %max3A_446 = arith.maximumf %max3A_439, %gather3A_445 : vector<16xf32>
    %xor3A_447 = arith.constant 4 : i32
    %xor3A_448 = vector.broadcast %xor3A_447 : i32 to vector<16xi32>
    %xor3A_449 = arith.xori %iota3A, %xor3A_448 : vector<16xi32>
    %broadcast_in_dim3A_450 = vector.shape_cast %xor3A_449 : vector<16xi32> to vector<16x1xi32>
    %gather3A_451 = vector.shape_cast %broadcast_in_dim3A_450 : vector<16x1xi32> to vector<16xi32>
    %gather3A_452 = tpu.dynamic_gather %max3A_446[%gather3A_451] in [0] : vector<16xf32>, vector<16xi32> -> vector<16xf32>
    %max3A_453 = arith.maximumf %max3A_446, %gather3A_452 : vector<16xf32>
    %xor3A_454 = arith.constant 8 : i32
    %xor3A_455 = vector.broadcast %xor3A_454 : i32 to vector<16xi32>
    %xor3A_456 = arith.xori %iota3A, %xor3A_455 : vector<16xi32>
    %broadcast_in_dim3A_457 = vector.shape_cast %xor3A_456 : vector<16xi32> to vector<16x1xi32>
    %gather3A_458 = vector.shape_cast %broadcast_in_dim3A_457 : vector<16x1xi32> to vector<16xi32>
    %gather3A_459 = tpu.dynamic_gather %max3A_453[%gather3A_458] in [0] : vector<16xf32>, vector<16xi32> -> vector<16xf32>
    %max3A_460 = arith.maximumf %max3A_453, %gather3A_459 : vector<16xf32>
    %eq3A_461 = arith.cmpf oeq, %select_n3A_414, %max3A_460 : vector<16xf32>
    %select_n3A_462 = arith.select %eq3A_461, %add3A_23, %broadcast_in_dim3A_5 : vector<16xi1>, vector<16xi32>
    %min3A_463 = arith.minsi %broadcast_in_dim3A_5, %select_n3A_462 : vector<16xi32>
    %eq3A_464 = arith.cmpf oeq, %select_n3A_419, %max3A_460 : vector<16xf32>
    %select_n3A_465 = arith.select %eq3A_464, %add3A_26, %broadcast_in_dim3A_5 : vector<16xi1>, vector<16xi32>
    %min3A_466 = arith.minsi %min3A_463, %select_n3A_465 : vector<16xi32>
    %eq3A_467 = arith.cmpf oeq, %select_n3A_424, %max3A_460 : vector<16xf32>
    %select_n3A_468 = arith.select %eq3A_467, %add3A_29, %broadcast_in_dim3A_5 : vector<16xi1>, vector<16xi32>
    %min3A_469 = arith.minsi %min3A_466, %select_n3A_468 : vector<16xi32>
    %eq3A_470 = arith.cmpf oeq, %select_n3A_429, %max3A_460 : vector<16xf32>
    %select_n3A_471 = arith.select %eq3A_470, %add3A_32, %broadcast_in_dim3A_5 : vector<16xi1>, vector<16xi32>
    %min3A_472 = arith.minsi %min3A_469, %select_n3A_471 : vector<16xi32>
    %xor3A_473 = arith.constant 1 : i32
    %xor3A_474 = vector.broadcast %xor3A_473 : i32 to vector<16xi32>
    %xor3A_475 = arith.xori %iota3A, %xor3A_474 : vector<16xi32>
    %broadcast_in_dim3A_476 = vector.shape_cast %xor3A_475 : vector<16xi32> to vector<16x1xi32>
    %gather3A_477 = vector.shape_cast %broadcast_in_dim3A_476 : vector<16x1xi32> to vector<16xi32>
    %gather3A_478 = tpu.dynamic_gather %min3A_472[%gather3A_477] in [0] : vector<16xi32>, vector<16xi32> -> vector<16xi32>
    %min3A_479 = arith.minsi %min3A_472, %gather3A_478 : vector<16xi32>
    %xor3A_480 = arith.constant 2 : i32
    %xor3A_481 = vector.broadcast %xor3A_480 : i32 to vector<16xi32>
    %xor3A_482 = arith.xori %iota3A, %xor3A_481 : vector<16xi32>
    %broadcast_in_dim3A_483 = vector.shape_cast %xor3A_482 : vector<16xi32> to vector<16x1xi32>
    %gather3A_484 = vector.shape_cast %broadcast_in_dim3A_483 : vector<16x1xi32> to vector<16xi32>
    %gather3A_485 = tpu.dynamic_gather %min3A_479[%gather3A_484] in [0] : vector<16xi32>, vector<16xi32> -> vector<16xi32>
    %min3A_486 = arith.minsi %min3A_479, %gather3A_485 : vector<16xi32>
    %xor3A_487 = arith.constant 4 : i32
    %xor3A_488 = vector.broadcast %xor3A_487 : i32 to vector<16xi32>
    %xor3A_489 = arith.xori %iota3A, %xor3A_488 : vector<16xi32>
    %broadcast_in_dim3A_490 = vector.shape_cast %xor3A_489 : vector<16xi32> to vector<16x1xi32>
    %gather3A_491 = vector.shape_cast %broadcast_in_dim3A_490 : vector<16x1xi32> to vector<16xi32>
    %gather3A_492 = tpu.dynamic_gather %min3A_486[%gather3A_491] in [0] : vector<16xi32>, vector<16xi32> -> vector<16xi32>
    %min3A_493 = arith.minsi %min3A_486, %gather3A_492 : vector<16xi32>
    %xor3A_494 = arith.constant 8 : i32
    %xor3A_495 = vector.broadcast %xor3A_494 : i32 to vector<16xi32>
    %xor3A_496 = arith.xori %iota3A, %xor3A_495 : vector<16xi32>
    %broadcast_in_dim3A_497 = vector.shape_cast %xor3A_496 : vector<16xi32> to vector<16x1xi32>
    %gather3A_498 = vector.shape_cast %broadcast_in_dim3A_497 : vector<16x1xi32> to vector<16xi32>
    %gather3A_499 = tpu.dynamic_gather %min3A_493[%gather3A_498] in [0] : vector<16xi32>, vector<16xi32> -> vector<16xi32>
    %min3A_500 = arith.minsi %min3A_493, %gather3A_499 : vector<16xi32>
    %eq3A_501 = arith.constant 4 : i32
    %eq3A_502 = vector.broadcast %eq3A_501 : i32 to vector<16xi32>
    %eq3A_503 = arith.cmpi eq, %iota3A, %eq3A_502 : vector<16xi32>
    %select_n3A_504 = arith.select %eq3A_503, %min3A_500, %select_n3A_405 : vector<16xi1>, vector<16xi32>
    %eq3A_505 = arith.constant 4 : i32
    %eq3A_506 = vector.broadcast %eq3A_505 : i32 to vector<16xi32>
    %eq3A_507 = arith.cmpi eq, %iota3A, %eq3A_506 : vector<16xi32>
    %select_n3A_508 = arith.select %eq3A_507, %max3A_460, %select_n3A_409 : vector<16xi1>, vector<16xf32>
    %eq3A_509 = arith.cmpi eq, %add3A_23, %min3A_500 : vector<16xi32>
    %select_n3A_510 = arith.select %eq3A_509, %max3A_460, %select_n3A_411 : vector<16xi1>, vector<16xf32>
    %jit3A_511 = arith.constant 0xFF800000 : f32
    %broadcast_in_dim3A_512 = vector.broadcast %jit3A_511 : f32 to vector<16xf32>
    %select_n3A_513 = arith.select %eq3A_509, %broadcast_in_dim3A_512, %select_n3A_414 : vector<16xi1>, vector<16xf32>
    %eq3A_514 = arith.cmpi eq, %add3A_26, %min3A_500 : vector<16xi32>
    %select_n3A_515 = arith.select %eq3A_514, %max3A_460, %select_n3A_416 : vector<16xi1>, vector<16xf32>
    %jit3A_516 = arith.constant 0xFF800000 : f32
    %broadcast_in_dim3A_517 = vector.broadcast %jit3A_516 : f32 to vector<16xf32>
    %select_n3A_518 = arith.select %eq3A_514, %broadcast_in_dim3A_517, %select_n3A_419 : vector<16xi1>, vector<16xf32>
    %eq3A_519 = arith.cmpi eq, %add3A_29, %min3A_500 : vector<16xi32>
    %select_n3A_520 = arith.select %eq3A_519, %max3A_460, %select_n3A_421 : vector<16xi1>, vector<16xf32>
    %jit3A_521 = arith.constant 0xFF800000 : f32
    %broadcast_in_dim3A_522 = vector.broadcast %jit3A_521 : f32 to vector<16xf32>
    %select_n3A_523 = arith.select %eq3A_519, %broadcast_in_dim3A_522, %select_n3A_424 : vector<16xi1>, vector<16xf32>
    %eq3A_524 = arith.cmpi eq, %add3A_32, %min3A_500 : vector<16xi32>
    %select_n3A_525 = arith.select %eq3A_524, %max3A_460, %select_n3A_426 : vector<16xi1>, vector<16xf32>
    %jit3A_526 = arith.constant 0xFF800000 : f32
    %broadcast_in_dim3A_527 = vector.broadcast %jit3A_526 : f32 to vector<16xf32>
    %select_n3A_528 = arith.select %eq3A_524, %broadcast_in_dim3A_527, %select_n3A_429 : vector<16xi1>, vector<16xf32>
    %max3A_529 = arith.maximumf %select_n3A_513, %select_n3A_518 : vector<16xf32>
    %max3A_530 = arith.maximumf %max3A_529, %select_n3A_523 : vector<16xf32>
    %max3A_531 = arith.maximumf %max3A_530, %select_n3A_528 : vector<16xf32>
    %xor3A_532 = arith.constant 1 : i32
    %xor3A_533 = vector.broadcast %xor3A_532 : i32 to vector<16xi32>
    %xor3A_534 = arith.xori %iota3A, %xor3A_533 : vector<16xi32>
    %broadcast_in_dim3A_535 = vector.shape_cast %xor3A_534 : vector<16xi32> to vector<16x1xi32>
    %gather3A_536 = vector.shape_cast %broadcast_in_dim3A_535 : vector<16x1xi32> to vector<16xi32>
    %gather3A_537 = tpu.dynamic_gather %max3A_531[%gather3A_536] in [0] : vector<16xf32>, vector<16xi32> -> vector<16xf32>
    %max3A_538 = arith.maximumf %max3A_531, %gather3A_537 : vector<16xf32>
    %xor3A_539 = arith.constant 2 : i32
    %xor3A_540 = vector.broadcast %xor3A_539 : i32 to vector<16xi32>
    %xor3A_541 = arith.xori %iota3A, %xor3A_540 : vector<16xi32>
    %broadcast_in_dim3A_542 = vector.shape_cast %xor3A_541 : vector<16xi32> to vector<16x1xi32>
    %gather3A_543 = vector.shape_cast %broadcast_in_dim3A_542 : vector<16x1xi32> to vector<16xi32>
    %gather3A_544 = tpu.dynamic_gather %max3A_538[%gather3A_543] in [0] : vector<16xf32>, vector<16xi32> -> vector<16xf32>
    %max3A_545 = arith.maximumf %max3A_538, %gather3A_544 : vector<16xf32>
    %xor3A_546 = arith.constant 4 : i32
    %xor3A_547 = vector.broadcast %xor3A_546 : i32 to vector<16xi32>
    %xor3A_548 = arith.xori %iota3A, %xor3A_547 : vector<16xi32>
    %broadcast_in_dim3A_549 = vector.shape_cast %xor3A_548 : vector<16xi32> to vector<16x1xi32>
    %gather3A_550 = vector.shape_cast %broadcast_in_dim3A_549 : vector<16x1xi32> to vector<16xi32>
    %gather3A_551 = tpu.dynamic_gather %max3A_545[%gather3A_550] in [0] : vector<16xf32>, vector<16xi32> -> vector<16xf32>
    %max3A_552 = arith.maximumf %max3A_545, %gather3A_551 : vector<16xf32>
    %xor3A_553 = arith.constant 8 : i32
    %xor3A_554 = vector.broadcast %xor3A_553 : i32 to vector<16xi32>
    %xor3A_555 = arith.xori %iota3A, %xor3A_554 : vector<16xi32>
    %broadcast_in_dim3A_556 = vector.shape_cast %xor3A_555 : vector<16xi32> to vector<16x1xi32>
    %gather3A_557 = vector.shape_cast %broadcast_in_dim3A_556 : vector<16x1xi32> to vector<16xi32>
    %gather3A_558 = tpu.dynamic_gather %max3A_552[%gather3A_557] in [0] : vector<16xf32>, vector<16xi32> -> vector<16xf32>
    %max3A_559 = arith.maximumf %max3A_552, %gather3A_558 : vector<16xf32>
    %eq3A_560 = arith.cmpf oeq, %select_n3A_513, %max3A_559 : vector<16xf32>
    %select_n3A_561 = arith.select %eq3A_560, %add3A_23, %broadcast_in_dim3A_5 : vector<16xi1>, vector<16xi32>
    %min3A_562 = arith.minsi %broadcast_in_dim3A_5, %select_n3A_561 : vector<16xi32>
    %eq3A_563 = arith.cmpf oeq, %select_n3A_518, %max3A_559 : vector<16xf32>
    %select_n3A_564 = arith.select %eq3A_563, %add3A_26, %broadcast_in_dim3A_5 : vector<16xi1>, vector<16xi32>
    %min3A_565 = arith.minsi %min3A_562, %select_n3A_564 : vector<16xi32>
    %eq3A_566 = arith.cmpf oeq, %select_n3A_523, %max3A_559 : vector<16xf32>
    %select_n3A_567 = arith.select %eq3A_566, %add3A_29, %broadcast_in_dim3A_5 : vector<16xi1>, vector<16xi32>
    %min3A_568 = arith.minsi %min3A_565, %select_n3A_567 : vector<16xi32>
    %eq3A_569 = arith.cmpf oeq, %select_n3A_528, %max3A_559 : vector<16xf32>
    %select_n3A_570 = arith.select %eq3A_569, %add3A_32, %broadcast_in_dim3A_5 : vector<16xi1>, vector<16xi32>
    %min3A_571 = arith.minsi %min3A_568, %select_n3A_570 : vector<16xi32>
    %xor3A_572 = arith.constant 1 : i32
    %xor3A_573 = vector.broadcast %xor3A_572 : i32 to vector<16xi32>
    %xor3A_574 = arith.xori %iota3A, %xor3A_573 : vector<16xi32>
    %broadcast_in_dim3A_575 = vector.shape_cast %xor3A_574 : vector<16xi32> to vector<16x1xi32>
    %gather3A_576 = vector.shape_cast %broadcast_in_dim3A_575 : vector<16x1xi32> to vector<16xi32>
    %gather3A_577 = tpu.dynamic_gather %min3A_571[%gather3A_576] in [0] : vector<16xi32>, vector<16xi32> -> vector<16xi32>
    %min3A_578 = arith.minsi %min3A_571, %gather3A_577 : vector<16xi32>
    %xor3A_579 = arith.constant 2 : i32
    %xor3A_580 = vector.broadcast %xor3A_579 : i32 to vector<16xi32>
    %xor3A_581 = arith.xori %iota3A, %xor3A_580 : vector<16xi32>
    %broadcast_in_dim3A_582 = vector.shape_cast %xor3A_581 : vector<16xi32> to vector<16x1xi32>
    %gather3A_583 = vector.shape_cast %broadcast_in_dim3A_582 : vector<16x1xi32> to vector<16xi32>
    %gather3A_584 = tpu.dynamic_gather %min3A_578[%gather3A_583] in [0] : vector<16xi32>, vector<16xi32> -> vector<16xi32>
    %min3A_585 = arith.minsi %min3A_578, %gather3A_584 : vector<16xi32>
    %xor3A_586 = arith.constant 4 : i32
    %xor3A_587 = vector.broadcast %xor3A_586 : i32 to vector<16xi32>
    %xor3A_588 = arith.xori %iota3A, %xor3A_587 : vector<16xi32>
    %broadcast_in_dim3A_589 = vector.shape_cast %xor3A_588 : vector<16xi32> to vector<16x1xi32>
    %gather3A_590 = vector.shape_cast %broadcast_in_dim3A_589 : vector<16x1xi32> to vector<16xi32>
    %gather3A_591 = tpu.dynamic_gather %min3A_585[%gather3A_590] in [0] : vector<16xi32>, vector<16xi32> -> vector<16xi32>
    %min3A_592 = arith.minsi %min3A_585, %gather3A_591 : vector<16xi32>
    %xor3A_593 = arith.constant 8 : i32
    %xor3A_594 = vector.broadcast %xor3A_593 : i32 to vector<16xi32>
    %xor3A_595 = arith.xori %iota3A, %xor3A_594 : vector<16xi32>
    %broadcast_in_dim3A_596 = vector.shape_cast %xor3A_595 : vector<16xi32> to vector<16x1xi32>
    %gather3A_597 = vector.shape_cast %broadcast_in_dim3A_596 : vector<16x1xi32> to vector<16xi32>
    %gather3A_598 = tpu.dynamic_gather %min3A_592[%gather3A_597] in [0] : vector<16xi32>, vector<16xi32> -> vector<16xi32>
    %min3A_599 = arith.minsi %min3A_592, %gather3A_598 : vector<16xi32>
    %eq3A_600 = arith.constant 5 : i32
    %eq3A_601 = vector.broadcast %eq3A_600 : i32 to vector<16xi32>
    %eq3A_602 = arith.cmpi eq, %iota3A, %eq3A_601 : vector<16xi32>
    %select_n3A_603 = arith.select %eq3A_602, %min3A_599, %select_n3A_504 : vector<16xi1>, vector<16xi32>
    %eq3A_604 = arith.constant 5 : i32
    %eq3A_605 = vector.broadcast %eq3A_604 : i32 to vector<16xi32>
    %eq3A_606 = arith.cmpi eq, %iota3A, %eq3A_605 : vector<16xi32>
    %select_n3A_607 = arith.select %eq3A_606, %max3A_559, %select_n3A_508 : vector<16xi1>, vector<16xf32>
    %eq3A_608 = arith.cmpi eq, %add3A_23, %min3A_599 : vector<16xi32>
    %select_n3A_609 = arith.select %eq3A_608, %max3A_559, %select_n3A_510 : vector<16xi1>, vector<16xf32>
    %jit3A_610 = arith.constant 0xFF800000 : f32
    %broadcast_in_dim3A_611 = vector.broadcast %jit3A_610 : f32 to vector<16xf32>
    %select_n3A_612 = arith.select %eq3A_608, %broadcast_in_dim3A_611, %select_n3A_513 : vector<16xi1>, vector<16xf32>
    %eq3A_613 = arith.cmpi eq, %add3A_26, %min3A_599 : vector<16xi32>
    %select_n3A_614 = arith.select %eq3A_613, %max3A_559, %select_n3A_515 : vector<16xi1>, vector<16xf32>
    %jit3A_615 = arith.constant 0xFF800000 : f32
    %broadcast_in_dim3A_616 = vector.broadcast %jit3A_615 : f32 to vector<16xf32>
    %select_n3A_617 = arith.select %eq3A_613, %broadcast_in_dim3A_616, %select_n3A_518 : vector<16xi1>, vector<16xf32>
    %eq3A_618 = arith.cmpi eq, %add3A_29, %min3A_599 : vector<16xi32>
    %select_n3A_619 = arith.select %eq3A_618, %max3A_559, %select_n3A_520 : vector<16xi1>, vector<16xf32>
    %jit3A_620 = arith.constant 0xFF800000 : f32
    %broadcast_in_dim3A_621 = vector.broadcast %jit3A_620 : f32 to vector<16xf32>
    %select_n3A_622 = arith.select %eq3A_618, %broadcast_in_dim3A_621, %select_n3A_523 : vector<16xi1>, vector<16xf32>
    %eq3A_623 = arith.cmpi eq, %add3A_32, %min3A_599 : vector<16xi32>
    %select_n3A_624 = arith.select %eq3A_623, %max3A_559, %select_n3A_525 : vector<16xi1>, vector<16xf32>
    %jit3A_625 = arith.constant 0xFF800000 : f32
    %broadcast_in_dim3A_626 = vector.broadcast %jit3A_625 : f32 to vector<16xf32>
    %select_n3A_627 = arith.select %eq3A_623, %broadcast_in_dim3A_626, %select_n3A_528 : vector<16xi1>, vector<16xf32>
    %max3A_628 = arith.maximumf %select_n3A_612, %select_n3A_617 : vector<16xf32>
    %max3A_629 = arith.maximumf %max3A_628, %select_n3A_622 : vector<16xf32>
    %max3A_630 = arith.maximumf %max3A_629, %select_n3A_627 : vector<16xf32>
    %xor3A_631 = arith.constant 1 : i32
    %xor3A_632 = vector.broadcast %xor3A_631 : i32 to vector<16xi32>
    %xor3A_633 = arith.xori %iota3A, %xor3A_632 : vector<16xi32>
    %broadcast_in_dim3A_634 = vector.shape_cast %xor3A_633 : vector<16xi32> to vector<16x1xi32>
    %gather3A_635 = vector.shape_cast %broadcast_in_dim3A_634 : vector<16x1xi32> to vector<16xi32>
    %gather3A_636 = tpu.dynamic_gather %max3A_630[%gather3A_635] in [0] : vector<16xf32>, vector<16xi32> -> vector<16xf32>
    %max3A_637 = arith.maximumf %max3A_630, %gather3A_636 : vector<16xf32>
    %xor3A_638 = arith.constant 2 : i32
    %xor3A_639 = vector.broadcast %xor3A_638 : i32 to vector<16xi32>
    %xor3A_640 = arith.xori %iota3A, %xor3A_639 : vector<16xi32>
    %broadcast_in_dim3A_641 = vector.shape_cast %xor3A_640 : vector<16xi32> to vector<16x1xi32>
    %gather3A_642 = vector.shape_cast %broadcast_in_dim3A_641 : vector<16x1xi32> to vector<16xi32>
    %gather3A_643 = tpu.dynamic_gather %max3A_637[%gather3A_642] in [0] : vector<16xf32>, vector<16xi32> -> vector<16xf32>
    %max3A_644 = arith.maximumf %max3A_637, %gather3A_643 : vector<16xf32>
    %xor3A_645 = arith.constant 4 : i32
    %xor3A_646 = vector.broadcast %xor3A_645 : i32 to vector<16xi32>
    %xor3A_647 = arith.xori %iota3A, %xor3A_646 : vector<16xi32>
    %broadcast_in_dim3A_648 = vector.shape_cast %xor3A_647 : vector<16xi32> to vector<16x1xi32>
    %gather3A_649 = vector.shape_cast %broadcast_in_dim3A_648 : vector<16x1xi32> to vector<16xi32>
    %gather3A_650 = tpu.dynamic_gather %max3A_644[%gather3A_649] in [0] : vector<16xf32>, vector<16xi32> -> vector<16xf32>
    %max3A_651 = arith.maximumf %max3A_644, %gather3A_650 : vector<16xf32>
    %xor3A_652 = arith.constant 8 : i32
    %xor3A_653 = vector.broadcast %xor3A_652 : i32 to vector<16xi32>
    %xor3A_654 = arith.xori %iota3A, %xor3A_653 : vector<16xi32>
    %broadcast_in_dim3A_655 = vector.shape_cast %xor3A_654 : vector<16xi32> to vector<16x1xi32>
    %gather3A_656 = vector.shape_cast %broadcast_in_dim3A_655 : vector<16x1xi32> to vector<16xi32>
    %gather3A_657 = tpu.dynamic_gather %max3A_651[%gather3A_656] in [0] : vector<16xf32>, vector<16xi32> -> vector<16xf32>
    %max3A_658 = arith.maximumf %max3A_651, %gather3A_657 : vector<16xf32>
    %eq3A_659 = arith.cmpf oeq, %select_n3A_612, %max3A_658 : vector<16xf32>
    %select_n3A_660 = arith.select %eq3A_659, %add3A_23, %broadcast_in_dim3A_5 : vector<16xi1>, vector<16xi32>
    %min3A_661 = arith.minsi %broadcast_in_dim3A_5, %select_n3A_660 : vector<16xi32>
    %eq3A_662 = arith.cmpf oeq, %select_n3A_617, %max3A_658 : vector<16xf32>
    %select_n3A_663 = arith.select %eq3A_662, %add3A_26, %broadcast_in_dim3A_5 : vector<16xi1>, vector<16xi32>
    %min3A_664 = arith.minsi %min3A_661, %select_n3A_663 : vector<16xi32>
    %eq3A_665 = arith.cmpf oeq, %select_n3A_622, %max3A_658 : vector<16xf32>
    %select_n3A_666 = arith.select %eq3A_665, %add3A_29, %broadcast_in_dim3A_5 : vector<16xi1>, vector<16xi32>
    %min3A_667 = arith.minsi %min3A_664, %select_n3A_666 : vector<16xi32>
    %eq3A_668 = arith.cmpf oeq, %select_n3A_627, %max3A_658 : vector<16xf32>
    %select_n3A_669 = arith.select %eq3A_668, %add3A_32, %broadcast_in_dim3A_5 : vector<16xi1>, vector<16xi32>
    %min3A_670 = arith.minsi %min3A_667, %select_n3A_669 : vector<16xi32>
    %xor3A_671 = arith.constant 1 : i32
    %xor3A_672 = vector.broadcast %xor3A_671 : i32 to vector<16xi32>
    %xor3A_673 = arith.xori %iota3A, %xor3A_672 : vector<16xi32>
    %broadcast_in_dim3A_674 = vector.shape_cast %xor3A_673 : vector<16xi32> to vector<16x1xi32>
    %gather3A_675 = vector.shape_cast %broadcast_in_dim3A_674 : vector<16x1xi32> to vector<16xi32>
    %gather3A_676 = tpu.dynamic_gather %min3A_670[%gather3A_675] in [0] : vector<16xi32>, vector<16xi32> -> vector<16xi32>
    %min3A_677 = arith.minsi %min3A_670, %gather3A_676 : vector<16xi32>
    %xor3A_678 = arith.constant 2 : i32
    %xor3A_679 = vector.broadcast %xor3A_678 : i32 to vector<16xi32>
    %xor3A_680 = arith.xori %iota3A, %xor3A_679 : vector<16xi32>
    %broadcast_in_dim3A_681 = vector.shape_cast %xor3A_680 : vector<16xi32> to vector<16x1xi32>
    %gather3A_682 = vector.shape_cast %broadcast_in_dim3A_681 : vector<16x1xi32> to vector<16xi32>
    %gather3A_683 = tpu.dynamic_gather %min3A_677[%gather3A_682] in [0] : vector<16xi32>, vector<16xi32> -> vector<16xi32>
    %min3A_684 = arith.minsi %min3A_677, %gather3A_683 : vector<16xi32>
    %xor3A_685 = arith.constant 4 : i32
    %xor3A_686 = vector.broadcast %xor3A_685 : i32 to vector<16xi32>
    %xor3A_687 = arith.xori %iota3A, %xor3A_686 : vector<16xi32>
    %broadcast_in_dim3A_688 = vector.shape_cast %xor3A_687 : vector<16xi32> to vector<16x1xi32>
    %gather3A_689 = vector.shape_cast %broadcast_in_dim3A_688 : vector<16x1xi32> to vector<16xi32>
    %gather3A_690 = tpu.dynamic_gather %min3A_684[%gather3A_689] in [0] : vector<16xi32>, vector<16xi32> -> vector<16xi32>
    %min3A_691 = arith.minsi %min3A_684, %gather3A_690 : vector<16xi32>
    %xor3A_692 = arith.constant 8 : i32
    %xor3A_693 = vector.broadcast %xor3A_692 : i32 to vector<16xi32>
    %xor3A_694 = arith.xori %iota3A, %xor3A_693 : vector<16xi32>
    %broadcast_in_dim3A_695 = vector.shape_cast %xor3A_694 : vector<16xi32> to vector<16x1xi32>
    %gather3A_696 = vector.shape_cast %broadcast_in_dim3A_695 : vector<16x1xi32> to vector<16xi32>
    %gather3A_697 = tpu.dynamic_gather %min3A_691[%gather3A_696] in [0] : vector<16xi32>, vector<16xi32> -> vector<16xi32>
    %min3A_698 = arith.minsi %min3A_691, %gather3A_697 : vector<16xi32>
    %eq3A_699 = arith.constant 6 : i32
    %eq3A_700 = vector.broadcast %eq3A_699 : i32 to vector<16xi32>
    %eq3A_701 = arith.cmpi eq, %iota3A, %eq3A_700 : vector<16xi32>
    %select_n3A_702 = arith.select %eq3A_701, %min3A_698, %select_n3A_603 : vector<16xi1>, vector<16xi32>
    %eq3A_703 = arith.constant 6 : i32
    %eq3A_704 = vector.broadcast %eq3A_703 : i32 to vector<16xi32>
    %eq3A_705 = arith.cmpi eq, %iota3A, %eq3A_704 : vector<16xi32>
    %select_n3A_706 = arith.select %eq3A_705, %max3A_658, %select_n3A_607 : vector<16xi1>, vector<16xf32>
    %eq3A_707 = arith.cmpi eq, %add3A_23, %min3A_698 : vector<16xi32>
    %select_n3A_708 = arith.select %eq3A_707, %max3A_658, %select_n3A_609 : vector<16xi1>, vector<16xf32>
    %jit3A_709 = arith.constant 0xFF800000 : f32
    %broadcast_in_dim3A_710 = vector.broadcast %jit3A_709 : f32 to vector<16xf32>
    %select_n3A_711 = arith.select %eq3A_707, %broadcast_in_dim3A_710, %select_n3A_612 : vector<16xi1>, vector<16xf32>
    %eq3A_712 = arith.cmpi eq, %add3A_26, %min3A_698 : vector<16xi32>
    %select_n3A_713 = arith.select %eq3A_712, %max3A_658, %select_n3A_614 : vector<16xi1>, vector<16xf32>
    %jit3A_714 = arith.constant 0xFF800000 : f32
    %broadcast_in_dim3A_715 = vector.broadcast %jit3A_714 : f32 to vector<16xf32>
    %select_n3A_716 = arith.select %eq3A_712, %broadcast_in_dim3A_715, %select_n3A_617 : vector<16xi1>, vector<16xf32>
    %eq3A_717 = arith.cmpi eq, %add3A_29, %min3A_698 : vector<16xi32>
    %select_n3A_718 = arith.select %eq3A_717, %max3A_658, %select_n3A_619 : vector<16xi1>, vector<16xf32>
    %jit3A_719 = arith.constant 0xFF800000 : f32
    %broadcast_in_dim3A_720 = vector.broadcast %jit3A_719 : f32 to vector<16xf32>
    %select_n3A_721 = arith.select %eq3A_717, %broadcast_in_dim3A_720, %select_n3A_622 : vector<16xi1>, vector<16xf32>
    %eq3A_722 = arith.cmpi eq, %add3A_32, %min3A_698 : vector<16xi32>
    %select_n3A_723 = arith.select %eq3A_722, %max3A_658, %select_n3A_624 : vector<16xi1>, vector<16xf32>
    %jit3A_724 = arith.constant 0xFF800000 : f32
    %broadcast_in_dim3A_725 = vector.broadcast %jit3A_724 : f32 to vector<16xf32>
    %select_n3A_726 = arith.select %eq3A_722, %broadcast_in_dim3A_725, %select_n3A_627 : vector<16xi1>, vector<16xf32>
    %max3A_727 = arith.maximumf %select_n3A_711, %select_n3A_716 : vector<16xf32>
    %max3A_728 = arith.maximumf %max3A_727, %select_n3A_721 : vector<16xf32>
    %max3A_729 = arith.maximumf %max3A_728, %select_n3A_726 : vector<16xf32>
    %xor3A_730 = arith.constant 1 : i32
    %xor3A_731 = vector.broadcast %xor3A_730 : i32 to vector<16xi32>
    %xor3A_732 = arith.xori %iota3A, %xor3A_731 : vector<16xi32>
    %broadcast_in_dim3A_733 = vector.shape_cast %xor3A_732 : vector<16xi32> to vector<16x1xi32>
    %gather3A_734 = vector.shape_cast %broadcast_in_dim3A_733 : vector<16x1xi32> to vector<16xi32>
    %gather3A_735 = tpu.dynamic_gather %max3A_729[%gather3A_734] in [0] : vector<16xf32>, vector<16xi32> -> vector<16xf32>
    %max3A_736 = arith.maximumf %max3A_729, %gather3A_735 : vector<16xf32>
    %xor3A_737 = arith.constant 2 : i32
    %xor3A_738 = vector.broadcast %xor3A_737 : i32 to vector<16xi32>
    %xor3A_739 = arith.xori %iota3A, %xor3A_738 : vector<16xi32>
    %broadcast_in_dim3A_740 = vector.shape_cast %xor3A_739 : vector<16xi32> to vector<16x1xi32>
    %gather3A_741 = vector.shape_cast %broadcast_in_dim3A_740 : vector<16x1xi32> to vector<16xi32>
    %gather3A_742 = tpu.dynamic_gather %max3A_736[%gather3A_741] in [0] : vector<16xf32>, vector<16xi32> -> vector<16xf32>
    %max3A_743 = arith.maximumf %max3A_736, %gather3A_742 : vector<16xf32>
    %xor3A_744 = arith.constant 4 : i32
    %xor3A_745 = vector.broadcast %xor3A_744 : i32 to vector<16xi32>
    %xor3A_746 = arith.xori %iota3A, %xor3A_745 : vector<16xi32>
    %broadcast_in_dim3A_747 = vector.shape_cast %xor3A_746 : vector<16xi32> to vector<16x1xi32>
    %gather3A_748 = vector.shape_cast %broadcast_in_dim3A_747 : vector<16x1xi32> to vector<16xi32>
    %gather3A_749 = tpu.dynamic_gather %max3A_743[%gather3A_748] in [0] : vector<16xf32>, vector<16xi32> -> vector<16xf32>
    %max3A_750 = arith.maximumf %max3A_743, %gather3A_749 : vector<16xf32>
    %xor3A_751 = arith.constant 8 : i32
    %xor3A_752 = vector.broadcast %xor3A_751 : i32 to vector<16xi32>
    %xor3A_753 = arith.xori %iota3A, %xor3A_752 : vector<16xi32>
    %broadcast_in_dim3A_754 = vector.shape_cast %xor3A_753 : vector<16xi32> to vector<16x1xi32>
    %gather3A_755 = vector.shape_cast %broadcast_in_dim3A_754 : vector<16x1xi32> to vector<16xi32>
    %gather3A_756 = tpu.dynamic_gather %max3A_750[%gather3A_755] in [0] : vector<16xf32>, vector<16xi32> -> vector<16xf32>
    %max3A_757 = arith.maximumf %max3A_750, %gather3A_756 : vector<16xf32>
    %eq3A_758 = arith.cmpf oeq, %select_n3A_711, %max3A_757 : vector<16xf32>
    %select_n3A_759 = arith.select %eq3A_758, %add3A_23, %broadcast_in_dim3A_5 : vector<16xi1>, vector<16xi32>
    %min3A_760 = arith.minsi %broadcast_in_dim3A_5, %select_n3A_759 : vector<16xi32>
    %eq3A_761 = arith.cmpf oeq, %select_n3A_716, %max3A_757 : vector<16xf32>
    %select_n3A_762 = arith.select %eq3A_761, %add3A_26, %broadcast_in_dim3A_5 : vector<16xi1>, vector<16xi32>
    %min3A_763 = arith.minsi %min3A_760, %select_n3A_762 : vector<16xi32>
    %eq3A_764 = arith.cmpf oeq, %select_n3A_721, %max3A_757 : vector<16xf32>
    %select_n3A_765 = arith.select %eq3A_764, %add3A_29, %broadcast_in_dim3A_5 : vector<16xi1>, vector<16xi32>
    %min3A_766 = arith.minsi %min3A_763, %select_n3A_765 : vector<16xi32>
    %eq3A_767 = arith.cmpf oeq, %select_n3A_726, %max3A_757 : vector<16xf32>
    %select_n3A_768 = arith.select %eq3A_767, %add3A_32, %broadcast_in_dim3A_5 : vector<16xi1>, vector<16xi32>
    %min3A_769 = arith.minsi %min3A_766, %select_n3A_768 : vector<16xi32>
    %xor3A_770 = arith.constant 1 : i32
    %xor3A_771 = vector.broadcast %xor3A_770 : i32 to vector<16xi32>
    %xor3A_772 = arith.xori %iota3A, %xor3A_771 : vector<16xi32>
    %broadcast_in_dim3A_773 = vector.shape_cast %xor3A_772 : vector<16xi32> to vector<16x1xi32>
    %gather3A_774 = vector.shape_cast %broadcast_in_dim3A_773 : vector<16x1xi32> to vector<16xi32>
    %gather3A_775 = tpu.dynamic_gather %min3A_769[%gather3A_774] in [0] : vector<16xi32>, vector<16xi32> -> vector<16xi32>
    %min3A_776 = arith.minsi %min3A_769, %gather3A_775 : vector<16xi32>
    %xor3A_777 = arith.constant 2 : i32
    %xor3A_778 = vector.broadcast %xor3A_777 : i32 to vector<16xi32>
    %xor3A_779 = arith.xori %iota3A, %xor3A_778 : vector<16xi32>
    %broadcast_in_dim3A_780 = vector.shape_cast %xor3A_779 : vector<16xi32> to vector<16x1xi32>
    %gather3A_781 = vector.shape_cast %broadcast_in_dim3A_780 : vector<16x1xi32> to vector<16xi32>
    %gather3A_782 = tpu.dynamic_gather %min3A_776[%gather3A_781] in [0] : vector<16xi32>, vector<16xi32> -> vector<16xi32>
    %min3A_783 = arith.minsi %min3A_776, %gather3A_782 : vector<16xi32>
    %xor3A_784 = arith.constant 4 : i32
    %xor3A_785 = vector.broadcast %xor3A_784 : i32 to vector<16xi32>
    %xor3A_786 = arith.xori %iota3A, %xor3A_785 : vector<16xi32>
    %broadcast_in_dim3A_787 = vector.shape_cast %xor3A_786 : vector<16xi32> to vector<16x1xi32>
    %gather3A_788 = vector.shape_cast %broadcast_in_dim3A_787 : vector<16x1xi32> to vector<16xi32>
    %gather3A_789 = tpu.dynamic_gather %min3A_783[%gather3A_788] in [0] : vector<16xi32>, vector<16xi32> -> vector<16xi32>
    %min3A_790 = arith.minsi %min3A_783, %gather3A_789 : vector<16xi32>
    %xor3A_791 = arith.constant 8 : i32
    %xor3A_792 = vector.broadcast %xor3A_791 : i32 to vector<16xi32>
    %xor3A_793 = arith.xori %iota3A, %xor3A_792 : vector<16xi32>
    %broadcast_in_dim3A_794 = vector.shape_cast %xor3A_793 : vector<16xi32> to vector<16x1xi32>
    %gather3A_795 = vector.shape_cast %broadcast_in_dim3A_794 : vector<16x1xi32> to vector<16xi32>
    %gather3A_796 = tpu.dynamic_gather %min3A_790[%gather3A_795] in [0] : vector<16xi32>, vector<16xi32> -> vector<16xi32>
    %min3A_797 = arith.minsi %min3A_790, %gather3A_796 : vector<16xi32>
    %eq3A_798 = arith.constant 7 : i32
    %eq3A_799 = vector.broadcast %eq3A_798 : i32 to vector<16xi32>
    %eq3A_800 = arith.cmpi eq, %iota3A, %eq3A_799 : vector<16xi32>
    %select_n3A_801 = arith.select %eq3A_800, %min3A_797, %select_n3A_702 : vector<16xi1>, vector<16xi32>
    %eq3A_802 = arith.constant 7 : i32
    %eq3A_803 = vector.broadcast %eq3A_802 : i32 to vector<16xi32>
    %eq3A_804 = arith.cmpi eq, %iota3A, %eq3A_803 : vector<16xi32>
    %select_n3A_805 = arith.select %eq3A_804, %max3A_757, %select_n3A_706 : vector<16xi1>, vector<16xf32>
    %eq3A_806 = arith.cmpi eq, %add3A_23, %min3A_797 : vector<16xi32>
    %select_n3A_807 = arith.select %eq3A_806, %max3A_757, %select_n3A_708 : vector<16xi1>, vector<16xf32>
    %jit3A_808 = arith.constant 0xFF800000 : f32
    %broadcast_in_dim3A_809 = vector.broadcast %jit3A_808 : f32 to vector<16xf32>
    %select_n3A_810 = arith.select %eq3A_806, %broadcast_in_dim3A_809, %select_n3A_711 : vector<16xi1>, vector<16xf32>
    %eq3A_811 = arith.cmpi eq, %add3A_26, %min3A_797 : vector<16xi32>
    %select_n3A_812 = arith.select %eq3A_811, %max3A_757, %select_n3A_713 : vector<16xi1>, vector<16xf32>
    %jit3A_813 = arith.constant 0xFF800000 : f32
    %broadcast_in_dim3A_814 = vector.broadcast %jit3A_813 : f32 to vector<16xf32>
    %select_n3A_815 = arith.select %eq3A_811, %broadcast_in_dim3A_814, %select_n3A_716 : vector<16xi1>, vector<16xf32>
    %eq3A_816 = arith.cmpi eq, %add3A_29, %min3A_797 : vector<16xi32>
    %select_n3A_817 = arith.select %eq3A_816, %max3A_757, %select_n3A_718 : vector<16xi1>, vector<16xf32>
    %jit3A_818 = arith.constant 0xFF800000 : f32
    %broadcast_in_dim3A_819 = vector.broadcast %jit3A_818 : f32 to vector<16xf32>
    %select_n3A_820 = arith.select %eq3A_816, %broadcast_in_dim3A_819, %select_n3A_721 : vector<16xi1>, vector<16xf32>
    %eq3A_821 = arith.cmpi eq, %add3A_32, %min3A_797 : vector<16xi32>
    %select_n3A_822 = arith.select %eq3A_821, %max3A_757, %select_n3A_723 : vector<16xi1>, vector<16xf32>
    %jit3A_823 = arith.constant 0xFF800000 : f32
    %broadcast_in_dim3A_824 = vector.broadcast %jit3A_823 : f32 to vector<16xf32>
    %select_n3A_825 = arith.select %eq3A_821, %broadcast_in_dim3A_824, %select_n3A_726 : vector<16xi1>, vector<16xf32>
    %swap3A = arith.constant 0 : index
    %swap3A_826 = tpu.vector_load %arg7[%swap3A] {strides = array<i32>} : memref<128xf32, #tpu.memory_space<vmem>>, vector<16xf32>,
    %swap3A_827 = vector.shape_cast %swap3A_826 : vector<16xf32> to vector<16xf32>
    %swap3A_828 = vector.shape_cast %select_n3A_807 : vector<16xf32> to vector<16xf32>
    tpu.vector_store %arg7[%swap3A], %swap3A_828 {strides = array<i32>} : memref<128xf32, #tpu.memory_space<vmem>>, vector<16xf32>,
    %swap3A_829 = arith.constant 16 : index
    %swap3A_830 = tpu.vector_load %arg7[%swap3A_829] {strides = array<i32>} : memref<128xf32, #tpu.memory_space<vmem>>, vector<16xf32>,
    %swap3A_831 = vector.shape_cast %swap3A_830 : vector<16xf32> to vector<16xf32>
    %swap3A_832 = vector.shape_cast %select_n3A_812 : vector<16xf32> to vector<16xf32>
    tpu.vector_store %arg7[%swap3A_829], %swap3A_832 {strides = array<i32>} : memref<128xf32, #tpu.memory_space<vmem>>, vector<16xf32>,
    %swap3A_833 = arith.constant 32 : index
    %swap3A_834 = tpu.vector_load %arg7[%swap3A_833] {strides = array<i32>} : memref<128xf32, #tpu.memory_space<vmem>>, vector<16xf32>,
    %swap3A_835 = vector.shape_cast %swap3A_834 : vector<16xf32> to vector<16xf32>
    %swap3A_836 = vector.shape_cast %select_n3A_817 : vector<16xf32> to vector<16xf32>
    tpu.vector_store %arg7[%swap3A_833], %swap3A_836 {strides = array<i32>} : memref<128xf32, #tpu.memory_space<vmem>>, vector<16xf32>,
    %swap3A_837 = arith.constant 48 : index
    %swap3A_838 = tpu.vector_load %arg7[%swap3A_837] {strides = array<i32>} : memref<128xf32, #tpu.memory_space<vmem>>, vector<16xf32>,
    %swap3A_839 = vector.shape_cast %swap3A_838 : vector<16xf32> to vector<16xf32>
    %swap3A_840 = vector.shape_cast %select_n3A_822 : vector<16xf32> to vector<16xf32>
    tpu.vector_store %arg7[%swap3A_837], %swap3A_840 {strides = array<i32>} : memref<128xf32, #tpu.memory_space<vmem>>, vector<16xf32>,
    %get3A_841 = arith.constant 64 : index
    %get3A_842 = tpu.vector_load %arg6[%get3A_841] {strides = array<i32>} : memref<128xf32, #tpu.memory_space<vmem>>, vector<16xf32>,
    %get3A_843 = vector.shape_cast %get3A_842 : vector<16xf32> to vector<16xf32>
    %get3A_844 = arith.constant 80 : index
    %get3A_845 = tpu.vector_load %arg6[%get3A_844] {strides = array<i32>} : memref<128xf32, #tpu.memory_space<vmem>>, vector<16xf32>,
    %get3A_846 = vector.shape_cast %get3A_845 : vector<16xf32> to vector<16xf32>
    %get3A_847 = arith.constant 96 : index
    %get3A_848 = tpu.vector_load %arg6[%get3A_847] {strides = array<i32>} : memref<128xf32, #tpu.memory_space<vmem>>, vector<16xf32>,
    %get3A_849 = vector.shape_cast %get3A_848 : vector<16xf32> to vector<16xf32>
    %get3A_850 = arith.constant 112 : index
    %get3A_851 = tpu.vector_load %arg6[%get3A_850] {strides = array<i32>} : memref<128xf32, #tpu.memory_space<vmem>>, vector<16xf32>,
    %get3A_852 = vector.shape_cast %get3A_851 : vector<16xf32> to vector<16xf32>
    %add3A_853 = arith.constant 0 : i32
    %add3A_854 = vector.broadcast %add3A_853 : i32 to vector<16xi32>
    %add3A_855 = arith.addi %iota3A, %add3A_854 : vector<16xi32>
    %add3A_856 = arith.constant 16 : i32
    %add3A_857 = vector.broadcast %add3A_856 : i32 to vector<16xi32>
    %add3A_858 = arith.addi %iota3A, %add3A_857 : vector<16xi32>
    %add3A_859 = arith.constant 32 : i32
    %add3A_860 = vector.broadcast %add3A_859 : i32 to vector<16xi32>
    %add3A_861 = arith.addi %iota3A, %add3A_860 : vector<16xi32>
    %add3A_862 = arith.constant 48 : i32
    %add3A_863 = vector.broadcast %add3A_862 : i32 to vector<16xi32>
    %add3A_864 = arith.addi %iota3A, %add3A_863 : vector<16xi32>
    %broadcast_in_dim3A_865 = arith.constant 0.000000e+00 : f32
    %broadcast_in_dim3A_866 = vector.broadcast %broadcast_in_dim3A_865 : f32 to vector<16xf32>
    %broadcast_in_dim3A_867 = arith.constant 0.000000e+00 : f32
    %broadcast_in_dim3A_868 = vector.broadcast %broadcast_in_dim3A_867 : f32 to vector<16xf32>
    %broadcast_in_dim3A_869 = arith.constant 0.000000e+00 : f32
    %broadcast_in_dim3A_870 = vector.broadcast %broadcast_in_dim3A_869 : f32 to vector<16xf32>
    %broadcast_in_dim3A_871 = arith.constant 0.000000e+00 : f32
    %broadcast_in_dim3A_872 = vector.broadcast %broadcast_in_dim3A_871 : f32 to vector<16xf32>
    %max3A_873 = arith.maximumf %get3A_843, %get3A_846 : vector<16xf32>
    %max3A_874 = arith.maximumf %max3A_873, %get3A_849 : vector<16xf32>
    %max3A_875 = arith.maximumf %max3A_874, %get3A_852 : vector<16xf32>
    %xor3A_876 = arith.constant 1 : i32
    %xor3A_877 = vector.broadcast %xor3A_876 : i32 to vector<16xi32>
    %xor3A_878 = arith.xori %iota3A, %xor3A_877 : vector<16xi32>
    %broadcast_in_dim3A_879 = vector.shape_cast %xor3A_878 : vector<16xi32> to vector<16x1xi32>
    %gather3A_880 = vector.shape_cast %broadcast_in_dim3A_879 : vector<16x1xi32> to vector<16xi32>
    %gather3A_881 = tpu.dynamic_gather %max3A_875[%gather3A_880] in [0] : vector<16xf32>, vector<16xi32> -> vector<16xf32>
    %max3A_882 = arith.maximumf %max3A_875, %gather3A_881 : vector<16xf32>
    %xor3A_883 = arith.constant 2 : i32
    %xor3A_884 = vector.broadcast %xor3A_883 : i32 to vector<16xi32>
    %xor3A_885 = arith.xori %iota3A, %xor3A_884 : vector<16xi32>
    %broadcast_in_dim3A_886 = vector.shape_cast %xor3A_885 : vector<16xi32> to vector<16x1xi32>
    %gather3A_887 = vector.shape_cast %broadcast_in_dim3A_886 : vector<16x1xi32> to vector<16xi32>
    %gather3A_888 = tpu.dynamic_gather %max3A_882[%gather3A_887] in [0] : vector<16xf32>, vector<16xi32> -> vector<16xf32>
    %max3A_889 = arith.maximumf %max3A_882, %gather3A_888 : vector<16xf32>
    %xor3A_890 = arith.constant 4 : i32
    %xor3A_891 = vector.broadcast %xor3A_890 : i32 to vector<16xi32>
    %xor3A_892 = arith.xori %iota3A, %xor3A_891 : vector<16xi32>
    %broadcast_in_dim3A_893 = vector.shape_cast %xor3A_892 : vector<16xi32> to vector<16x1xi32>
    %gather3A_894 = vector.shape_cast %broadcast_in_dim3A_893 : vector<16x1xi32> to vector<16xi32>
    %gather3A_895 = tpu.dynamic_gather %max3A_889[%gather3A_894] in [0] : vector<16xf32>, vector<16xi32> -> vector<16xf32>
    %max3A_896 = arith.maximumf %max3A_889, %gather3A_895 : vector<16xf32>
    %xor3A_897 = arith.constant 8 : i32
    %xor3A_898 = vector.broadcast %xor3A_897 : i32 to vector<16xi32>
    %xor3A_899 = arith.xori %iota3A, %xor3A_898 : vector<16xi32>
    %broadcast_in_dim3A_900 = vector.shape_cast %xor3A_899 : vector<16xi32> to vector<16x1xi32>
    %gather3A_901 = vector.shape_cast %broadcast_in_dim3A_900 : vector<16x1xi32> to vector<16xi32>
    %gather3A_902 = tpu.dynamic_gather %max3A_896[%gather3A_901] in [0] : vector<16xf32>, vector<16xi32> -> vector<16xf32>
    %max3A_903 = arith.maximumf %max3A_896, %gather3A_902 : vector<16xf32>
    %eq3A_904 = arith.cmpf oeq, %get3A_843, %max3A_903 : vector<16xf32>
    %select_n3A_905 = arith.select %eq3A_904, %add3A_855, %broadcast_in_dim3A_5 : vector<16xi1>, vector<16xi32>
    %min3A_906 = arith.minsi %broadcast_in_dim3A_5, %select_n3A_905 : vector<16xi32>
    %eq3A_907 = arith.cmpf oeq, %get3A_846, %max3A_903 : vector<16xf32>
    %select_n3A_908 = arith.select %eq3A_907, %add3A_858, %broadcast_in_dim3A_5 : vector<16xi1>, vector<16xi32>
    %min3A_909 = arith.minsi %min3A_906, %select_n3A_908 : vector<16xi32>
    %eq3A_910 = arith.cmpf oeq, %get3A_849, %max3A_903 : vector<16xf32>
    %select_n3A_911 = arith.select %eq3A_910, %add3A_861, %broadcast_in_dim3A_5 : vector<16xi1>, vector<16xi32>
    %min3A_912 = arith.minsi %min3A_909, %select_n3A_911 : vector<16xi32>
    %eq3A_913 = arith.cmpf oeq, %get3A_852, %max3A_903 : vector<16xf32>
    %select_n3A_914 = arith.select %eq3A_913, %add3A_864, %broadcast_in_dim3A_5 : vector<16xi1>, vector<16xi32>
    %min3A_915 = arith.minsi %min3A_912, %select_n3A_914 : vector<16xi32>
    %xor3A_916 = arith.constant 1 : i32
    %xor3A_917 = vector.broadcast %xor3A_916 : i32 to vector<16xi32>
    %xor3A_918 = arith.xori %iota3A, %xor3A_917 : vector<16xi32>
    %broadcast_in_dim3A_919 = vector.shape_cast %xor3A_918 : vector<16xi32> to vector<16x1xi32>
    %gather3A_920 = vector.shape_cast %broadcast_in_dim3A_919 : vector<16x1xi32> to vector<16xi32>
    %gather3A_921 = tpu.dynamic_gather %min3A_915[%gather3A_920] in [0] : vector<16xi32>, vector<16xi32> -> vector<16xi32>
    %min3A_922 = arith.minsi %min3A_915, %gather3A_921 : vector<16xi32>
    %xor3A_923 = arith.constant 2 : i32
    %xor3A_924 = vector.broadcast %xor3A_923 : i32 to vector<16xi32>
    %xor3A_925 = arith.xori %iota3A, %xor3A_924 : vector<16xi32>
    %broadcast_in_dim3A_926 = vector.shape_cast %xor3A_925 : vector<16xi32> to vector<16x1xi32>
    %gather3A_927 = vector.shape_cast %broadcast_in_dim3A_926 : vector<16x1xi32> to vector<16xi32>
    %gather3A_928 = tpu.dynamic_gather %min3A_922[%gather3A_927] in [0] : vector<16xi32>, vector<16xi32> -> vector<16xi32>
    %min3A_929 = arith.minsi %min3A_922, %gather3A_928 : vector<16xi32>
    %xor3A_930 = arith.constant 4 : i32
    %xor3A_931 = vector.broadcast %xor3A_930 : i32 to vector<16xi32>
    %xor3A_932 = arith.xori %iota3A, %xor3A_931 : vector<16xi32>
    %broadcast_in_dim3A_933 = vector.shape_cast %xor3A_932 : vector<16xi32> to vector<16x1xi32>
    %gather3A_934 = vector.shape_cast %broadcast_in_dim3A_933 : vector<16x1xi32> to vector<16xi32>
    %gather3A_935 = tpu.dynamic_gather %min3A_929[%gather3A_934] in [0] : vector<16xi32>, vector<16xi32> -> vector<16xi32>
    %min3A_936 = arith.minsi %min3A_929, %gather3A_935 : vector<16xi32>
    %xor3A_937 = arith.constant 8 : i32
    %xor3A_938 = vector.broadcast %xor3A_937 : i32 to vector<16xi32>
    %xor3A_939 = arith.xori %iota3A, %xor3A_938 : vector<16xi32>
    %broadcast_in_dim3A_940 = vector.shape_cast %xor3A_939 : vector<16xi32> to vector<16x1xi32>
    %gather3A_941 = vector.shape_cast %broadcast_in_dim3A_940 : vector<16x1xi32> to vector<16xi32>
    %gather3A_942 = tpu.dynamic_gather %min3A_936[%gather3A_941] in [0] : vector<16xi32>, vector<16xi32> -> vector<16xi32>
    %min3A_943 = arith.minsi %min3A_936, %gather3A_942 : vector<16xi32>
    %eq3A_944 = arith.constant 8 : i32
    %eq3A_945 = vector.broadcast %eq3A_944 : i32 to vector<16xi32>
    %eq3A_946 = arith.cmpi eq, %iota3A, %eq3A_945 : vector<16xi32>
    %select_n3A_947 = arith.select %eq3A_946, %min3A_943, %select_n3A_801 : vector<16xi1>, vector<16xi32>
    %eq3A_948 = arith.constant 8 : i32
    %eq3A_949 = vector.broadcast %eq3A_948 : i32 to vector<16xi32>
    %eq3A_950 = arith.cmpi eq, %iota3A, %eq3A_949 : vector<16xi32>
    %select_n3A_951 = arith.select %eq3A_950, %max3A_903, %select_n3A_805 : vector<16xi1>, vector<16xf32>
    %eq3A_952 = arith.cmpi eq, %add3A_855, %min3A_943 : vector<16xi32>
    %select_n3A_953 = arith.select %eq3A_952, %max3A_903, %broadcast_in_dim3A_866 : vector<16xi1>, vector<16xf32>
    %jit3A_954 = arith.constant 0xFF800000 : f32
    %broadcast_in_dim3A_955 = vector.broadcast %jit3A_954 : f32 to vector<16xf32>
    %select_n3A_956 = arith.select %eq3A_952, %broadcast_in_dim3A_955, %get3A_843 : vector<16xi1>, vector<16xf32>
    %eq3A_957 = arith.cmpi eq, %add3A_858, %min3A_943 : vector<16xi32>
    %select_n3A_958 = arith.select %eq3A_957, %max3A_903, %broadcast_in_dim3A_868 : vector<16xi1>, vector<16xf32>
    %jit3A_959 = arith.constant 0xFF800000 : f32
    %broadcast_in_dim3A_960 = vector.broadcast %jit3A_959 : f32 to vector<16xf32>
    %select_n3A_961 = arith.select %eq3A_957, %broadcast_in_dim3A_960, %get3A_846 : vector<16xi1>, vector<16xf32>
    %eq3A_962 = arith.cmpi eq, %add3A_861, %min3A_943 : vector<16xi32>
    %select_n3A_963 = arith.select %eq3A_962, %max3A_903, %broadcast_in_dim3A_870 : vector<16xi1>, vector<16xf32>
    %jit3A_964 = arith.constant 0xFF800000 : f32
    %broadcast_in_dim3A_965 = vector.broadcast %jit3A_964 : f32 to vector<16xf32>
    %select_n3A_966 = arith.select %eq3A_962, %broadcast_in_dim3A_965, %get3A_849 : vector<16xi1>, vector<16xf32>
    %eq3A_967 = arith.cmpi eq, %add3A_864, %min3A_943 : vector<16xi32>
    %select_n3A_968 = arith.select %eq3A_967, %max3A_903, %broadcast_in_dim3A_872 : vector<16xi1>, vector<16xf32>
    %jit3A_969 = arith.constant 0xFF800000 : f32
    %broadcast_in_dim3A_970 = vector.broadcast %jit3A_969 : f32 to vector<16xf32>
    %select_n3A_971 = arith.select %eq3A_967, %broadcast_in_dim3A_970, %get3A_852 : vector<16xi1>, vector<16xf32>
    %max3A_972 = arith.maximumf %select_n3A_956, %select_n3A_961 : vector<16xf32>
    %max3A_973 = arith.maximumf %max3A_972, %select_n3A_966 : vector<16xf32>
    %max3A_974 = arith.maximumf %max3A_973, %select_n3A_971 : vector<16xf32>
    %xor3A_975 = arith.constant 1 : i32
    %xor3A_976 = vector.broadcast %xor3A_975 : i32 to vector<16xi32>
    %xor3A_977 = arith.xori %iota3A, %xor3A_976 : vector<16xi32>
    %broadcast_in_dim3A_978 = vector.shape_cast %xor3A_977 : vector<16xi32> to vector<16x1xi32>
    %gather3A_979 = vector.shape_cast %broadcast_in_dim3A_978 : vector<16x1xi32> to vector<16xi32>
    %gather3A_980 = tpu.dynamic_gather %max3A_974[%gather3A_979] in [0] : vector<16xf32>, vector<16xi32> -> vector<16xf32>
    %max3A_981 = arith.maximumf %max3A_974, %gather3A_980 : vector<16xf32>
    %xor3A_982 = arith.constant 2 : i32
    %xor3A_983 = vector.broadcast %xor3A_982 : i32 to vector<16xi32>
    %xor3A_984 = arith.xori %iota3A, %xor3A_983 : vector<16xi32>
    %broadcast_in_dim3A_985 = vector.shape_cast %xor3A_984 : vector<16xi32> to vector<16x1xi32>
    %gather3A_986 = vector.shape_cast %broadcast_in_dim3A_985 : vector<16x1xi32> to vector<16xi32>
    %gather3A_987 = tpu.dynamic_gather %max3A_981[%gather3A_986] in [0] : vector<16xf32>, vector<16xi32> -> vector<16xf32>
    %max3A_988 = arith.maximumf %max3A_981, %gather3A_987 : vector<16xf32>
    %xor3A_989 = arith.constant 4 : i32
    %xor3A_990 = vector.broadcast %xor3A_989 : i32 to vector<16xi32>
    %xor3A_991 = arith.xori %iota3A, %xor3A_990 : vector<16xi32>
    %broadcast_in_dim3A_992 = vector.shape_cast %xor3A_991 : vector<16xi32> to vector<16x1xi32>
    %gather3A_993 = vector.shape_cast %broadcast_in_dim3A_992 : vector<16x1xi32> to vector<16xi32>
    %gather3A_994 = tpu.dynamic_gather %max3A_988[%gather3A_993] in [0] : vector<16xf32>, vector<16xi32> -> vector<16xf32>
    %max3A_995 = arith.maximumf %max3A_988, %gather3A_994 : vector<16xf32>
    %xor3A_996 = arith.constant 8 : i32
    %xor3A_997 = vector.broadcast %xor3A_996 : i32 to vector<16xi32>
    %xor3A_998 = arith.xori %iota3A, %xor3A_997 : vector<16xi32>
    %broadcast_in_dim3A_999 = vector.shape_cast %xor3A_998 : vector<16xi32> to vector<16x1xi32>
    %gather3A_1000 = vector.shape_cast %broadcast_in_dim3A_999 : vector<16x1xi32> to vector<16xi32>
    %gather3A_1001 = tpu.dynamic_gather %max3A_995[%gather3A_1000] in [0] : vector<16xf32>, vector<16xi32> -> vector<16xf32>
    %max3A_1002 = arith.maximumf %max3A_995, %gather3A_1001 : vector<16xf32>
    %eq3A_1003 = arith.cmpf oeq, %select_n3A_956, %max3A_1002 : vector<16xf32>
    %select_n3A_1004 = arith.select %eq3A_1003, %add3A_855, %broadcast_in_dim3A_5 : vector<16xi1>, vector<16xi32>
    %min3A_1005 = arith.minsi %broadcast_in_dim3A_5, %select_n3A_1004 : vector<16xi32>
    %eq3A_1006 = arith.cmpf oeq, %select_n3A_961, %max3A_1002 : vector<16xf32>
    %select_n3A_1007 = arith.select %eq3A_1006, %add3A_858, %broadcast_in_dim3A_5 : vector<16xi1>, vector<16xi32>
    %min3A_1008 = arith.minsi %min3A_1005, %select_n3A_1007 : vector<16xi32>
    %eq3A_1009 = arith.cmpf oeq, %select_n3A_966, %max3A_1002 : vector<16xf32>
    %select_n3A_1010 = arith.select %eq3A_1009, %add3A_861, %broadcast_in_dim3A_5 : vector<16xi1>, vector<16xi32>
    %min3A_1011 = arith.minsi %min3A_1008, %select_n3A_1010 : vector<16xi32>
    %eq3A_1012 = arith.cmpf oeq, %select_n3A_971, %max3A_1002 : vector<16xf32>
    %select_n3A_1013 = arith.select %eq3A_1012, %add3A_864, %broadcast_in_dim3A_5 : vector<16xi1>, vector<16xi32>
    %min3A_1014 = arith.minsi %min3A_1011, %select_n3A_1013 : vector<16xi32>
    %xor3A_1015 = arith.constant 1 : i32
    %xor3A_1016 = vector.broadcast %xor3A_1015 : i32 to vector<16xi32>
    %xor3A_1017 = arith.xori %iota3A, %xor3A_1016 : vector<16xi32>
    %broadcast_in_dim3A_1018 = vector.shape_cast %xor3A_1017 : vector<16xi32> to vector<16x1xi32>
    %gather3A_1019 = vector.shape_cast %broadcast_in_dim3A_1018 : vector<16x1xi32> to vector<16xi32>
    %gather3A_1020 = tpu.dynamic_gather %min3A_1014[%gather3A_1019] in [0] : vector<16xi32>, vector<16xi32> -> vector<16xi32>
    %min3A_1021 = arith.minsi %min3A_1014, %gather3A_1020 : vector<16xi32>
    %xor3A_1022 = arith.constant 2 : i32
    %xor3A_1023 = vector.broadcast %xor3A_1022 : i32 to vector<16xi32>
    %xor3A_1024 = arith.xori %iota3A, %xor3A_1023 : vector<16xi32>
    %broadcast_in_dim3A_1025 = vector.shape_cast %xor3A_1024 : vector<16xi32> to vector<16x1xi32>
    %gather3A_1026 = vector.shape_cast %broadcast_in_dim3A_1025 : vector<16x1xi32> to vector<16xi32>
    %gather3A_1027 = tpu.dynamic_gather %min3A_1021[%gather3A_1026] in [0] : vector<16xi32>, vector<16xi32> -> vector<16xi32>
    %min3A_1028 = arith.minsi %min3A_1021, %gather3A_1027 : vector<16xi32>
    %xor3A_1029 = arith.constant 4 : i32
    %xor3A_1030 = vector.broadcast %xor3A_1029 : i32 to vector<16xi32>
    %xor3A_1031 = arith.xori %iota3A, %xor3A_1030 : vector<16xi32>
    %broadcast_in_dim3A_1032 = vector.shape_cast %xor3A_1031 : vector<16xi32> to vector<16x1xi32>
    %gather3A_1033 = vector.shape_cast %broadcast_in_dim3A_1032 : vector<16x1xi32> to vector<16xi32>
    %gather3A_1034 = tpu.dynamic_gather %min3A_1028[%gather3A_1033] in [0] : vector<16xi32>, vector<16xi32> -> vector<16xi32>
    %min3A_1035 = arith.minsi %min3A_1028, %gather3A_1034 : vector<16xi32>
    %xor3A_1036 = arith.constant 8 : i32
    %xor3A_1037 = vector.broadcast %xor3A_1036 : i32 to vector<16xi32>
    %xor3A_1038 = arith.xori %iota3A, %xor3A_1037 : vector<16xi32>
    %broadcast_in_dim3A_1039 = vector.shape_cast %xor3A_1038 : vector<16xi32> to vector<16x1xi32>
    %gather3A_1040 = vector.shape_cast %broadcast_in_dim3A_1039 : vector<16x1xi32> to vector<16xi32>
    %gather3A_1041 = tpu.dynamic_gather %min3A_1035[%gather3A_1040] in [0] : vector<16xi32>, vector<16xi32> -> vector<16xi32>
    %min3A_1042 = arith.minsi %min3A_1035, %gather3A_1041 : vector<16xi32>
    %eq3A_1043 = arith.constant 9 : i32
    %eq3A_1044 = vector.broadcast %eq3A_1043 : i32 to vector<16xi32>
    %eq3A_1045 = arith.cmpi eq, %iota3A, %eq3A_1044 : vector<16xi32>
    %select_n3A_1046 = arith.select %eq3A_1045, %min3A_1042, %select_n3A_947 : vector<16xi1>, vector<16xi32>
    %eq3A_1047 = arith.constant 9 : i32
    %eq3A_1048 = vector.broadcast %eq3A_1047 : i32 to vector<16xi32>
    %eq3A_1049 = arith.cmpi eq, %iota3A, %eq3A_1048 : vector<16xi32>
    %select_n3A_1050 = arith.select %eq3A_1049, %max3A_1002, %select_n3A_951 : vector<16xi1>, vector<16xf32>
    %eq3A_1051 = arith.cmpi eq, %add3A_855, %min3A_1042 : vector<16xi32>
    %select_n3A_1052 = arith.select %eq3A_1051, %max3A_1002, %select_n3A_953 : vector<16xi1>, vector<16xf32>
    %jit3A_1053 = arith.constant 0xFF800000 : f32
    %broadcast_in_dim3A_1054 = vector.broadcast %jit3A_1053 : f32 to vector<16xf32>
    %select_n3A_1055 = arith.select %eq3A_1051, %broadcast_in_dim3A_1054, %select_n3A_956 : vector<16xi1>, vector<16xf32>
    %eq3A_1056 = arith.cmpi eq, %add3A_858, %min3A_1042 : vector<16xi32>
    %select_n3A_1057 = arith.select %eq3A_1056, %max3A_1002, %select_n3A_958 : vector<16xi1>, vector<16xf32>
    %jit3A_1058 = arith.constant 0xFF800000 : f32
    %broadcast_in_dim3A_1059 = vector.broadcast %jit3A_1058 : f32 to vector<16xf32>
    %select_n3A_1060 = arith.select %eq3A_1056, %broadcast_in_dim3A_1059, %select_n3A_961 : vector<16xi1>, vector<16xf32>
    %eq3A_1061 = arith.cmpi eq, %add3A_861, %min3A_1042 : vector<16xi32>
    %select_n3A_1062 = arith.select %eq3A_1061, %max3A_1002, %select_n3A_963 : vector<16xi1>, vector<16xf32>
    %jit3A_1063 = arith.constant 0xFF800000 : f32
    %broadcast_in_dim3A_1064 = vector.broadcast %jit3A_1063 : f32 to vector<16xf32>
    %select_n3A_1065 = arith.select %eq3A_1061, %broadcast_in_dim3A_1064, %select_n3A_966 : vector<16xi1>, vector<16xf32>
    %eq3A_1066 = arith.cmpi eq, %add3A_864, %min3A_1042 : vector<16xi32>
    %select_n3A_1067 = arith.select %eq3A_1066, %max3A_1002, %select_n3A_968 : vector<16xi1>, vector<16xf32>
    %jit3A_1068 = arith.constant 0xFF800000 : f32
    %broadcast_in_dim3A_1069 = vector.broadcast %jit3A_1068 : f32 to vector<16xf32>
    %select_n3A_1070 = arith.select %eq3A_1066, %broadcast_in_dim3A_1069, %select_n3A_971 : vector<16xi1>, vector<16xf32>
    %max3A_1071 = arith.maximumf %select_n3A_1055, %select_n3A_1060 : vector<16xf32>
    %max3A_1072 = arith.maximumf %max3A_1071, %select_n3A_1065 : vector<16xf32>
    %max3A_1073 = arith.maximumf %max3A_1072, %select_n3A_1070 : vector<16xf32>
    %xor3A_1074 = arith.constant 1 : i32
    %xor3A_1075 = vector.broadcast %xor3A_1074 : i32 to vector<16xi32>
    %xor3A_1076 = arith.xori %iota3A, %xor3A_1075 : vector<16xi32>
    %broadcast_in_dim3A_1077 = vector.shape_cast %xor3A_1076 : vector<16xi32> to vector<16x1xi32>
    %gather3A_1078 = vector.shape_cast %broadcast_in_dim3A_1077 : vector<16x1xi32> to vector<16xi32>
    %gather3A_1079 = tpu.dynamic_gather %max3A_1073[%gather3A_1078] in [0] : vector<16xf32>, vector<16xi32> -> vector<16xf32>
    %max3A_1080 = arith.maximumf %max3A_1073, %gather3A_1079 : vector<16xf32>
    %xor3A_1081 = arith.constant 2 : i32
    %xor3A_1082 = vector.broadcast %xor3A_1081 : i32 to vector<16xi32>
    %xor3A_1083 = arith.xori %iota3A, %xor3A_1082 : vector<16xi32>
    %broadcast_in_dim3A_1084 = vector.shape_cast %xor3A_1083 : vector<16xi32> to vector<16x1xi32>
    %gather3A_1085 = vector.shape_cast %broadcast_in_dim3A_1084 : vector<16x1xi32> to vector<16xi32>
    %gather3A_1086 = tpu.dynamic_gather %max3A_1080[%gather3A_1085] in [0] : vector<16xf32>, vector<16xi32> -> vector<16xf32>
    %max3A_1087 = arith.maximumf %max3A_1080, %gather3A_1086 : vector<16xf32>
    %xor3A_1088 = arith.constant 4 : i32
    %xor3A_1089 = vector.broadcast %xor3A_1088 : i32 to vector<16xi32>
    %xor3A_1090 = arith.xori %iota3A, %xor3A_1089 : vector<16xi32>
    %broadcast_in_dim3A_1091 = vector.shape_cast %xor3A_1090 : vector<16xi32> to vector<16x1xi32>
    %gather3A_1092 = vector.shape_cast %broadcast_in_dim3A_1091 : vector<16x1xi32> to vector<16xi32>
    %gather3A_1093 = tpu.dynamic_gather %max3A_1087[%gather3A_1092] in [0] : vector<16xf32>, vector<16xi32> -> vector<16xf32>
    %max3A_1094 = arith.maximumf %max3A_1087, %gather3A_1093 : vector<16xf32>
    %xor3A_1095 = arith.constant 8 : i32
    %xor3A_1096 = vector.broadcast %xor3A_1095 : i32 to vector<16xi32>
    %xor3A_1097 = arith.xori %iota3A, %xor3A_1096 : vector<16xi32>
    %broadcast_in_dim3A_1098 = vector.shape_cast %xor3A_1097 : vector<16xi32> to vector<16x1xi32>
    %gather3A_1099 = vector.shape_cast %broadcast_in_dim3A_1098 : vector<16x1xi32> to vector<16xi32>
    %gather3A_1100 = tpu.dynamic_gather %max3A_1094[%gather3A_1099] in [0] : vector<16xf32>, vector<16xi32> -> vector<16xf32>
    %max3A_1101 = arith.maximumf %max3A_1094, %gather3A_1100 : vector<16xf32>
    %eq3A_1102 = arith.cmpf oeq, %select_n3A_1055, %max3A_1101 : vector<16xf32>
    %select_n3A_1103 = arith.select %eq3A_1102, %add3A_855, %broadcast_in_dim3A_5 : vector<16xi1>, vector<16xi32>
    %min3A_1104 = arith.minsi %broadcast_in_dim3A_5, %select_n3A_1103 : vector<16xi32>
    %eq3A_1105 = arith.cmpf oeq, %select_n3A_1060, %max3A_1101 : vector<16xf32>
    %select_n3A_1106 = arith.select %eq3A_1105, %add3A_858, %broadcast_in_dim3A_5 : vector<16xi1>, vector<16xi32>
    %min3A_1107 = arith.minsi %min3A_1104, %select_n3A_1106 : vector<16xi32>
    %eq3A_1108 = arith.cmpf oeq, %select_n3A_1065, %max3A_1101 : vector<16xf32>
    %select_n3A_1109 = arith.select %eq3A_1108, %add3A_861, %broadcast_in_dim3A_5 : vector<16xi1>, vector<16xi32>
    %min3A_1110 = arith.minsi %min3A_1107, %select_n3A_1109 : vector<16xi32>
    %eq3A_1111 = arith.cmpf oeq, %select_n3A_1070, %max3A_1101 : vector<16xf32>
    %select_n3A_1112 = arith.select %eq3A_1111, %add3A_864, %broadcast_in_dim3A_5 : vector<16xi1>, vector<16xi32>
    %min3A_1113 = arith.minsi %min3A_1110, %select_n3A_1112 : vector<16xi32>
    %xor3A_1114 = arith.constant 1 : i32
    %xor3A_1115 = vector.broadcast %xor3A_1114 : i32 to vector<16xi32>
    %xor3A_1116 = arith.xori %iota3A, %xor3A_1115 : vector<16xi32>
    %broadcast_in_dim3A_1117 = vector.shape_cast %xor3A_1116 : vector<16xi32> to vector<16x1xi32>
    %gather3A_1118 = vector.shape_cast %broadcast_in_dim3A_1117 : vector<16x1xi32> to vector<16xi32>
    %gather3A_1119 = tpu.dynamic_gather %min3A_1113[%gather3A_1118] in [0] : vector<16xi32>, vector<16xi32> -> vector<16xi32>
    %min3A_1120 = arith.minsi %min3A_1113, %gather3A_1119 : vector<16xi32>
    %xor3A_1121 = arith.constant 2 : i32
    %xor3A_1122 = vector.broadcast %xor3A_1121 : i32 to vector<16xi32>
    %xor3A_1123 = arith.xori %iota3A, %xor3A_1122 : vector<16xi32>
    %broadcast_in_dim3A_1124 = vector.shape_cast %xor3A_1123 : vector<16xi32> to vector<16x1xi32>
    %gather3A_1125 = vector.shape_cast %broadcast_in_dim3A_1124 : vector<16x1xi32> to vector<16xi32>
    %gather3A_1126 = tpu.dynamic_gather %min3A_1120[%gather3A_1125] in [0] : vector<16xi32>, vector<16xi32> -> vector<16xi32>
    %min3A_1127 = arith.minsi %min3A_1120, %gather3A_1126 : vector<16xi32>
    %xor3A_1128 = arith.constant 4 : i32
    %xor3A_1129 = vector.broadcast %xor3A_1128 : i32 to vector<16xi32>
    %xor3A_1130 = arith.xori %iota3A, %xor3A_1129 : vector<16xi32>
    %broadcast_in_dim3A_1131 = vector.shape_cast %xor3A_1130 : vector<16xi32> to vector<16x1xi32>
    %gather3A_1132 = vector.shape_cast %broadcast_in_dim3A_1131 : vector<16x1xi32> to vector<16xi32>
    %gather3A_1133 = tpu.dynamic_gather %min3A_1127[%gather3A_1132] in [0] : vector<16xi32>, vector<16xi32> -> vector<16xi32>
    %min3A_1134 = arith.minsi %min3A_1127, %gather3A_1133 : vector<16xi32>
    %xor3A_1135 = arith.constant 8 : i32
    %xor3A_1136 = vector.broadcast %xor3A_1135 : i32 to vector<16xi32>
    %xor3A_1137 = arith.xori %iota3A, %xor3A_1136 : vector<16xi32>
    %broadcast_in_dim3A_1138 = vector.shape_cast %xor3A_1137 : vector<16xi32> to vector<16x1xi32>
    %gather3A_1139 = vector.shape_cast %broadcast_in_dim3A_1138 : vector<16x1xi32> to vector<16xi32>
    %gather3A_1140 = tpu.dynamic_gather %min3A_1134[%gather3A_1139] in [0] : vector<16xi32>, vector<16xi32> -> vector<16xi32>
    %min3A_1141 = arith.minsi %min3A_1134, %gather3A_1140 : vector<16xi32>
    %eq3A_1142 = arith.constant 10 : i32
    %eq3A_1143 = vector.broadcast %eq3A_1142 : i32 to vector<16xi32>
    %eq3A_1144 = arith.cmpi eq, %iota3A, %eq3A_1143 : vector<16xi32>
    %select_n3A_1145 = arith.select %eq3A_1144, %min3A_1141, %select_n3A_1046 : vector<16xi1>, vector<16xi32>
    %eq3A_1146 = arith.constant 10 : i32
    %eq3A_1147 = vector.broadcast %eq3A_1146 : i32 to vector<16xi32>
    %eq3A_1148 = arith.cmpi eq, %iota3A, %eq3A_1147 : vector<16xi32>
    %select_n3A_1149 = arith.select %eq3A_1148, %max3A_1101, %select_n3A_1050 : vector<16xi1>, vector<16xf32>
    %eq3A_1150 = arith.cmpi eq, %add3A_855, %min3A_1141 : vector<16xi32>
    %select_n3A_1151 = arith.select %eq3A_1150, %max3A_1101, %select_n3A_1052 : vector<16xi1>, vector<16xf32>
    %jit3A_1152 = arith.constant 0xFF800000 : f32
    %broadcast_in_dim3A_1153 = vector.broadcast %jit3A_1152 : f32 to vector<16xf32>
    %select_n3A_1154 = arith.select %eq3A_1150, %broadcast_in_dim3A_1153, %select_n3A_1055 : vector<16xi1>, vector<16xf32>
    %eq3A_1155 = arith.cmpi eq, %add3A_858, %min3A_1141 : vector<16xi32>
    %select_n3A_1156 = arith.select %eq3A_1155, %max3A_1101, %select_n3A_1057 : vector<16xi1>, vector<16xf32>
    %jit3A_1157 = arith.constant 0xFF800000 : f32
    %broadcast_in_dim3A_1158 = vector.broadcast %jit3A_1157 : f32 to vector<16xf32>
    %select_n3A_1159 = arith.select %eq3A_1155, %broadcast_in_dim3A_1158, %select_n3A_1060 : vector<16xi1>, vector<16xf32>
    %eq3A_1160 = arith.cmpi eq, %add3A_861, %min3A_1141 : vector<16xi32>
    %select_n3A_1161 = arith.select %eq3A_1160, %max3A_1101, %select_n3A_1062 : vector<16xi1>, vector<16xf32>
    %jit3A_1162 = arith.constant 0xFF800000 : f32
    %broadcast_in_dim3A_1163 = vector.broadcast %jit3A_1162 : f32 to vector<16xf32>
    %select_n3A_1164 = arith.select %eq3A_1160, %broadcast_in_dim3A_1163, %select_n3A_1065 : vector<16xi1>, vector<16xf32>
    %eq3A_1165 = arith.cmpi eq, %add3A_864, %min3A_1141 : vector<16xi32>
    %select_n3A_1166 = arith.select %eq3A_1165, %max3A_1101, %select_n3A_1067 : vector<16xi1>, vector<16xf32>
    %jit3A_1167 = arith.constant 0xFF800000 : f32
    %broadcast_in_dim3A_1168 = vector.broadcast %jit3A_1167 : f32 to vector<16xf32>
    %select_n3A_1169 = arith.select %eq3A_1165, %broadcast_in_dim3A_1168, %select_n3A_1070 : vector<16xi1>, vector<16xf32>
    %max3A_1170 = arith.maximumf %select_n3A_1154, %select_n3A_1159 : vector<16xf32>
    %max3A_1171 = arith.maximumf %max3A_1170, %select_n3A_1164 : vector<16xf32>
    %max3A_1172 = arith.maximumf %max3A_1171, %select_n3A_1169 : vector<16xf32>
    %xor3A_1173 = arith.constant 1 : i32
    %xor3A_1174 = vector.broadcast %xor3A_1173 : i32 to vector<16xi32>
    %xor3A_1175 = arith.xori %iota3A, %xor3A_1174 : vector<16xi32>
    %broadcast_in_dim3A_1176 = vector.shape_cast %xor3A_1175 : vector<16xi32> to vector<16x1xi32>
    %gather3A_1177 = vector.shape_cast %broadcast_in_dim3A_1176 : vector<16x1xi32> to vector<16xi32>
    %gather3A_1178 = tpu.dynamic_gather %max3A_1172[%gather3A_1177] in [0] : vector<16xf32>, vector<16xi32> -> vector<16xf32>
    %max3A_1179 = arith.maximumf %max3A_1172, %gather3A_1178 : vector<16xf32>
    %xor3A_1180 = arith.constant 2 : i32
    %xor3A_1181 = vector.broadcast %xor3A_1180 : i32 to vector<16xi32>
    %xor3A_1182 = arith.xori %iota3A, %xor3A_1181 : vector<16xi32>
    %broadcast_in_dim3A_1183 = vector.shape_cast %xor3A_1182 : vector<16xi32> to vector<16x1xi32>
    %gather3A_1184 = vector.shape_cast %broadcast_in_dim3A_1183 : vector<16x1xi32> to vector<16xi32>
    %gather3A_1185 = tpu.dynamic_gather %max3A_1179[%gather3A_1184] in [0] : vector<16xf32>, vector<16xi32> -> vector<16xf32>
    %max3A_1186 = arith.maximumf %max3A_1179, %gather3A_1185 : vector<16xf32>
    %xor3A_1187 = arith.constant 4 : i32
    %xor3A_1188 = vector.broadcast %xor3A_1187 : i32 to vector<16xi32>
    %xor3A_1189 = arith.xori %iota3A, %xor3A_1188 : vector<16xi32>
    %broadcast_in_dim3A_1190 = vector.shape_cast %xor3A_1189 : vector<16xi32> to vector<16x1xi32>
    %gather3A_1191 = vector.shape_cast %broadcast_in_dim3A_1190 : vector<16x1xi32> to vector<16xi32>
    %gather3A_1192 = tpu.dynamic_gather %max3A_1186[%gather3A_1191] in [0] : vector<16xf32>, vector<16xi32> -> vector<16xf32>
    %max3A_1193 = arith.maximumf %max3A_1186, %gather3A_1192 : vector<16xf32>
    %xor3A_1194 = arith.constant 8 : i32
    %xor3A_1195 = vector.broadcast %xor3A_1194 : i32 to vector<16xi32>
    %xor3A_1196 = arith.xori %iota3A, %xor3A_1195 : vector<16xi32>
    %broadcast_in_dim3A_1197 = vector.shape_cast %xor3A_1196 : vector<16xi32> to vector<16x1xi32>
    %gather3A_1198 = vector.shape_cast %broadcast_in_dim3A_1197 : vector<16x1xi32> to vector<16xi32>
    %gather3A_1199 = tpu.dynamic_gather %max3A_1193[%gather3A_1198] in [0] : vector<16xf32>, vector<16xi32> -> vector<16xf32>
    %max3A_1200 = arith.maximumf %max3A_1193, %gather3A_1199 : vector<16xf32>
    %eq3A_1201 = arith.cmpf oeq, %select_n3A_1154, %max3A_1200 : vector<16xf32>
    %select_n3A_1202 = arith.select %eq3A_1201, %add3A_855, %broadcast_in_dim3A_5 : vector<16xi1>, vector<16xi32>
    %min3A_1203 = arith.minsi %broadcast_in_dim3A_5, %select_n3A_1202 : vector<16xi32>
    %eq3A_1204 = arith.cmpf oeq, %select_n3A_1159, %max3A_1200 : vector<16xf32>
    %select_n3A_1205 = arith.select %eq3A_1204, %add3A_858, %broadcast_in_dim3A_5 : vector<16xi1>, vector<16xi32>
    %min3A_1206 = arith.minsi %min3A_1203, %select_n3A_1205 : vector<16xi32>
    %eq3A_1207 = arith.cmpf oeq, %select_n3A_1164, %max3A_1200 : vector<16xf32>
    %select_n3A_1208 = arith.select %eq3A_1207, %add3A_861, %broadcast_in_dim3A_5 : vector<16xi1>, vector<16xi32>
    %min3A_1209 = arith.minsi %min3A_1206, %select_n3A_1208 : vector<16xi32>
    %eq3A_1210 = arith.cmpf oeq, %select_n3A_1169, %max3A_1200 : vector<16xf32>
    %select_n3A_1211 = arith.select %eq3A_1210, %add3A_864, %broadcast_in_dim3A_5 : vector<16xi1>, vector<16xi32>
    %min3A_1212 = arith.minsi %min3A_1209, %select_n3A_1211 : vector<16xi32>
    %xor3A_1213 = arith.constant 1 : i32
    %xor3A_1214 = vector.broadcast %xor3A_1213 : i32 to vector<16xi32>
    %xor3A_1215 = arith.xori %iota3A, %xor3A_1214 : vector<16xi32>
    %broadcast_in_dim3A_1216 = vector.shape_cast %xor3A_1215 : vector<16xi32> to vector<16x1xi32>
    %gather3A_1217 = vector.shape_cast %broadcast_in_dim3A_1216 : vector<16x1xi32> to vector<16xi32>
    %gather3A_1218 = tpu.dynamic_gather %min3A_1212[%gather3A_1217] in [0] : vector<16xi32>, vector<16xi32> -> vector<16xi32>
    %min3A_1219 = arith.minsi %min3A_1212, %gather3A_1218 : vector<16xi32>
    %xor3A_1220 = arith.constant 2 : i32
    %xor3A_1221 = vector.broadcast %xor3A_1220 : i32 to vector<16xi32>
    %xor3A_1222 = arith.xori %iota3A, %xor3A_1221 : vector<16xi32>
    %broadcast_in_dim3A_1223 = vector.shape_cast %xor3A_1222 : vector<16xi32> to vector<16x1xi32>
    %gather3A_1224 = vector.shape_cast %broadcast_in_dim3A_1223 : vector<16x1xi32> to vector<16xi32>
    %gather3A_1225 = tpu.dynamic_gather %min3A_1219[%gather3A_1224] in [0] : vector<16xi32>, vector<16xi32> -> vector<16xi32>
    %min3A_1226 = arith.minsi %min3A_1219, %gather3A_1225 : vector<16xi32>
    %xor3A_1227 = arith.constant 4 : i32
    %xor3A_1228 = vector.broadcast %xor3A_1227 : i32 to vector<16xi32>
    %xor3A_1229 = arith.xori %iota3A, %xor3A_1228 : vector<16xi32>
    %broadcast_in_dim3A_1230 = vector.shape_cast %xor3A_1229 : vector<16xi32> to vector<16x1xi32>
    %gather3A_1231 = vector.shape_cast %broadcast_in_dim3A_1230 : vector<16x1xi32> to vector<16xi32>
    %gather3A_1232 = tpu.dynamic_gather %min3A_1226[%gather3A_1231] in [0] : vector<16xi32>, vector<16xi32> -> vector<16xi32>
    %min3A_1233 = arith.minsi %min3A_1226, %gather3A_1232 : vector<16xi32>
    %xor3A_1234 = arith.constant 8 : i32
    %xor3A_1235 = vector.broadcast %xor3A_1234 : i32 to vector<16xi32>
    %xor3A_1236 = arith.xori %iota3A, %xor3A_1235 : vector<16xi32>
    %broadcast_in_dim3A_1237 = vector.shape_cast %xor3A_1236 : vector<16xi32> to vector<16x1xi32>
    %gather3A_1238 = vector.shape_cast %broadcast_in_dim3A_1237 : vector<16x1xi32> to vector<16xi32>
    %gather3A_1239 = tpu.dynamic_gather %min3A_1233[%gather3A_1238] in [0] : vector<16xi32>, vector<16xi32> -> vector<16xi32>
    %min3A_1240 = arith.minsi %min3A_1233, %gather3A_1239 : vector<16xi32>
    %eq3A_1241 = arith.constant 11 : i32
    %eq3A_1242 = vector.broadcast %eq3A_1241 : i32 to vector<16xi32>
    %eq3A_1243 = arith.cmpi eq, %iota3A, %eq3A_1242 : vector<16xi32>
    %select_n3A_1244 = arith.select %eq3A_1243, %min3A_1240, %select_n3A_1145 : vector<16xi1>, vector<16xi32>
    %eq3A_1245 = arith.constant 11 : i32
    %eq3A_1246 = vector.broadcast %eq3A_1245 : i32 to vector<16xi32>
    %eq3A_1247 = arith.cmpi eq, %iota3A, %eq3A_1246 : vector<16xi32>
    %select_n3A_1248 = arith.select %eq3A_1247, %max3A_1200, %select_n3A_1149 : vector<16xi1>, vector<16xf32>
    %eq3A_1249 = arith.cmpi eq, %add3A_855, %min3A_1240 : vector<16xi32>
    %select_n3A_1250 = arith.select %eq3A_1249, %max3A_1200, %select_n3A_1151 : vector<16xi1>, vector<16xf32>
    %jit3A_1251 = arith.constant 0xFF800000 : f32
    %broadcast_in_dim3A_1252 = vector.broadcast %jit3A_1251 : f32 to vector<16xf32>
    %select_n3A_1253 = arith.select %eq3A_1249, %broadcast_in_dim3A_1252, %select_n3A_1154 : vector<16xi1>, vector<16xf32>
    %eq3A_1254 = arith.cmpi eq, %add3A_858, %min3A_1240 : vector<16xi32>
    %select_n3A_1255 = arith.select %eq3A_1254, %max3A_1200, %select_n3A_1156 : vector<16xi1>, vector<16xf32>
    %jit3A_1256 = arith.constant 0xFF800000 : f32
    %broadcast_in_dim3A_1257 = vector.broadcast %jit3A_1256 : f32 to vector<16xf32>
    %select_n3A_1258 = arith.select %eq3A_1254, %broadcast_in_dim3A_1257, %select_n3A_1159 : vector<16xi1>, vector<16xf32>
    %eq3A_1259 = arith.cmpi eq, %add3A_861, %min3A_1240 : vector<16xi32>
    %select_n3A_1260 = arith.select %eq3A_1259, %max3A_1200, %select_n3A_1161 : vector<16xi1>, vector<16xf32>
    %jit3A_1261 = arith.constant 0xFF800000 : f32
    %broadcast_in_dim3A_1262 = vector.broadcast %jit3A_1261 : f32 to vector<16xf32>
    %select_n3A_1263 = arith.select %eq3A_1259, %broadcast_in_dim3A_1262, %select_n3A_1164 : vector<16xi1>, vector<16xf32>
    %eq3A_1264 = arith.cmpi eq, %add3A_864, %min3A_1240 : vector<16xi32>
    %select_n3A_1265 = arith.select %eq3A_1264, %max3A_1200, %select_n3A_1166 : vector<16xi1>, vector<16xf32>
    %jit3A_1266 = arith.constant 0xFF800000 : f32
    %broadcast_in_dim3A_1267 = vector.broadcast %jit3A_1266 : f32 to vector<16xf32>
    %select_n3A_1268 = arith.select %eq3A_1264, %broadcast_in_dim3A_1267, %select_n3A_1169 : vector<16xi1>, vector<16xf32>
    %max3A_1269 = arith.maximumf %select_n3A_1253, %select_n3A_1258 : vector<16xf32>
    %max3A_1270 = arith.maximumf %max3A_1269, %select_n3A_1263 : vector<16xf32>
    %max3A_1271 = arith.maximumf %max3A_1270, %select_n3A_1268 : vector<16xf32>
    %xor3A_1272 = arith.constant 1 : i32
    %xor3A_1273 = vector.broadcast %xor3A_1272 : i32 to vector<16xi32>
    %xor3A_1274 = arith.xori %iota3A, %xor3A_1273 : vector<16xi32>
    %broadcast_in_dim3A_1275 = vector.shape_cast %xor3A_1274 : vector<16xi32> to vector<16x1xi32>
    %gather3A_1276 = vector.shape_cast %broadcast_in_dim3A_1275 : vector<16x1xi32> to vector<16xi32>
    %gather3A_1277 = tpu.dynamic_gather %max3A_1271[%gather3A_1276] in [0] : vector<16xf32>, vector<16xi32> -> vector<16xf32>
    %max3A_1278 = arith.maximumf %max3A_1271, %gather3A_1277 : vector<16xf32>
    %xor3A_1279 = arith.constant 2 : i32
    %xor3A_1280 = vector.broadcast %xor3A_1279 : i32 to vector<16xi32>
    %xor3A_1281 = arith.xori %iota3A, %xor3A_1280 : vector<16xi32>
    %broadcast_in_dim3A_1282 = vector.shape_cast %xor3A_1281 : vector<16xi32> to vector<16x1xi32>
    %gather3A_1283 = vector.shape_cast %broadcast_in_dim3A_1282 : vector<16x1xi32> to vector<16xi32>
    %gather3A_1284 = tpu.dynamic_gather %max3A_1278[%gather3A_1283] in [0] : vector<16xf32>, vector<16xi32> -> vector<16xf32>
    %max3A_1285 = arith.maximumf %max3A_1278, %gather3A_1284 : vector<16xf32>
    %xor3A_1286 = arith.constant 4 : i32
    %xor3A_1287 = vector.broadcast %xor3A_1286 : i32 to vector<16xi32>
    %xor3A_1288 = arith.xori %iota3A, %xor3A_1287 : vector<16xi32>
    %broadcast_in_dim3A_1289 = vector.shape_cast %xor3A_1288 : vector<16xi32> to vector<16x1xi32>
    %gather3A_1290 = vector.shape_cast %broadcast_in_dim3A_1289 : vector<16x1xi32> to vector<16xi32>
    %gather3A_1291 = tpu.dynamic_gather %max3A_1285[%gather3A_1290] in [0] : vector<16xf32>, vector<16xi32> -> vector<16xf32>
    %max3A_1292 = arith.maximumf %max3A_1285, %gather3A_1291 : vector<16xf32>
    %xor3A_1293 = arith.constant 8 : i32
    %xor3A_1294 = vector.broadcast %xor3A_1293 : i32 to vector<16xi32>
    %xor3A_1295 = arith.xori %iota3A, %xor3A_1294 : vector<16xi32>
    %broadcast_in_dim3A_1296 = vector.shape_cast %xor3A_1295 : vector<16xi32> to vector<16x1xi32>
    %gather3A_1297 = vector.shape_cast %broadcast_in_dim3A_1296 : vector<16x1xi32> to vector<16xi32>
    %gather3A_1298 = tpu.dynamic_gather %max3A_1292[%gather3A_1297] in [0] : vector<16xf32>, vector<16xi32> -> vector<16xf32>
    %max3A_1299 = arith.maximumf %max3A_1292, %gather3A_1298 : vector<16xf32>
    %eq3A_1300 = arith.cmpf oeq, %select_n3A_1253, %max3A_1299 : vector<16xf32>
    %select_n3A_1301 = arith.select %eq3A_1300, %add3A_855, %broadcast_in_dim3A_5 : vector<16xi1>, vector<16xi32>
    %min3A_1302 = arith.minsi %broadcast_in_dim3A_5, %select_n3A_1301 : vector<16xi32>
    %eq3A_1303 = arith.cmpf oeq, %select_n3A_1258, %max3A_1299 : vector<16xf32>
    %select_n3A_1304 = arith.select %eq3A_1303, %add3A_858, %broadcast_in_dim3A_5 : vector<16xi1>, vector<16xi32>
    %min3A_1305 = arith.minsi %min3A_1302, %select_n3A_1304 : vector<16xi32>
    %eq3A_1306 = arith.cmpf oeq, %select_n3A_1263, %max3A_1299 : vector<16xf32>
    %select_n3A_1307 = arith.select %eq3A_1306, %add3A_861, %broadcast_in_dim3A_5 : vector<16xi1>, vector<16xi32>
    %min3A_1308 = arith.minsi %min3A_1305, %select_n3A_1307 : vector<16xi32>
    %eq3A_1309 = arith.cmpf oeq, %select_n3A_1268, %max3A_1299 : vector<16xf32>
    %select_n3A_1310 = arith.select %eq3A_1309, %add3A_864, %broadcast_in_dim3A_5 : vector<16xi1>, vector<16xi32>
    %min3A_1311 = arith.minsi %min3A_1308, %select_n3A_1310 : vector<16xi32>
    %xor3A_1312 = arith.constant 1 : i32
    %xor3A_1313 = vector.broadcast %xor3A_1312 : i32 to vector<16xi32>
    %xor3A_1314 = arith.xori %iota3A, %xor3A_1313 : vector<16xi32>
    %broadcast_in_dim3A_1315 = vector.shape_cast %xor3A_1314 : vector<16xi32> to vector<16x1xi32>
    %gather3A_1316 = vector.shape_cast %broadcast_in_dim3A_1315 : vector<16x1xi32> to vector<16xi32>
    %gather3A_1317 = tpu.dynamic_gather %min3A_1311[%gather3A_1316] in [0] : vector<16xi32>, vector<16xi32> -> vector<16xi32>
    %min3A_1318 = arith.minsi %min3A_1311, %gather3A_1317 : vector<16xi32>
    %xor3A_1319 = arith.constant 2 : i32
    %xor3A_1320 = vector.broadcast %xor3A_1319 : i32 to vector<16xi32>
    %xor3A_1321 = arith.xori %iota3A, %xor3A_1320 : vector<16xi32>
    %broadcast_in_dim3A_1322 = vector.shape_cast %xor3A_1321 : vector<16xi32> to vector<16x1xi32>
    %gather3A_1323 = vector.shape_cast %broadcast_in_dim3A_1322 : vector<16x1xi32> to vector<16xi32>
    %gather3A_1324 = tpu.dynamic_gather %min3A_1318[%gather3A_1323] in [0] : vector<16xi32>, vector<16xi32> -> vector<16xi32>
    %min3A_1325 = arith.minsi %min3A_1318, %gather3A_1324 : vector<16xi32>
    %xor3A_1326 = arith.constant 4 : i32
    %xor3A_1327 = vector.broadcast %xor3A_1326 : i32 to vector<16xi32>
    %xor3A_1328 = arith.xori %iota3A, %xor3A_1327 : vector<16xi32>
    %broadcast_in_dim3A_1329 = vector.shape_cast %xor3A_1328 : vector<16xi32> to vector<16x1xi32>
    %gather3A_1330 = vector.shape_cast %broadcast_in_dim3A_1329 : vector<16x1xi32> to vector<16xi32>
    %gather3A_1331 = tpu.dynamic_gather %min3A_1325[%gather3A_1330] in [0] : vector<16xi32>, vector<16xi32> -> vector<16xi32>
    %min3A_1332 = arith.minsi %min3A_1325, %gather3A_1331 : vector<16xi32>
    %xor3A_1333 = arith.constant 8 : i32
    %xor3A_1334 = vector.broadcast %xor3A_1333 : i32 to vector<16xi32>
    %xor3A_1335 = arith.xori %iota3A, %xor3A_1334 : vector<16xi32>
    %broadcast_in_dim3A_1336 = vector.shape_cast %xor3A_1335 : vector<16xi32> to vector<16x1xi32>
    %gather3A_1337 = vector.shape_cast %broadcast_in_dim3A_1336 : vector<16x1xi32> to vector<16xi32>
    %gather3A_1338 = tpu.dynamic_gather %min3A_1332[%gather3A_1337] in [0] : vector<16xi32>, vector<16xi32> -> vector<16xi32>
    %min3A_1339 = arith.minsi %min3A_1332, %gather3A_1338 : vector<16xi32>
    %eq3A_1340 = arith.constant 12 : i32
    %eq3A_1341 = vector.broadcast %eq3A_1340 : i32 to vector<16xi32>
    %eq3A_1342 = arith.cmpi eq, %iota3A, %eq3A_1341 : vector<16xi32>
    %select_n3A_1343 = arith.select %eq3A_1342, %min3A_1339, %select_n3A_1244 : vector<16xi1>, vector<16xi32>
    %eq3A_1344 = arith.constant 12 : i32
    %eq3A_1345 = vector.broadcast %eq3A_1344 : i32 to vector<16xi32>
    %eq3A_1346 = arith.cmpi eq, %iota3A, %eq3A_1345 : vector<16xi32>
    %select_n3A_1347 = arith.select %eq3A_1346, %max3A_1299, %select_n3A_1248 : vector<16xi1>, vector<16xf32>
    %eq3A_1348 = arith.cmpi eq, %add3A_855, %min3A_1339 : vector<16xi32>
    %select_n3A_1349 = arith.select %eq3A_1348, %max3A_1299, %select_n3A_1250 : vector<16xi1>, vector<16xf32>
    %jit3A_1350 = arith.constant 0xFF800000 : f32
    %broadcast_in_dim3A_1351 = vector.broadcast %jit3A_1350 : f32 to vector<16xf32>
    %select_n3A_1352 = arith.select %eq3A_1348, %broadcast_in_dim3A_1351, %select_n3A_1253 : vector<16xi1>, vector<16xf32>
    %eq3A_1353 = arith.cmpi eq, %add3A_858, %min3A_1339 : vector<16xi32>
    %select_n3A_1354 = arith.select %eq3A_1353, %max3A_1299, %select_n3A_1255 : vector<16xi1>, vector<16xf32>
    %jit3A_1355 = arith.constant 0xFF800000 : f32
    %broadcast_in_dim3A_1356 = vector.broadcast %jit3A_1355 : f32 to vector<16xf32>
    %select_n3A_1357 = arith.select %eq3A_1353, %broadcast_in_dim3A_1356, %select_n3A_1258 : vector<16xi1>, vector<16xf32>
    %eq3A_1358 = arith.cmpi eq, %add3A_861, %min3A_1339 : vector<16xi32>
    %select_n3A_1359 = arith.select %eq3A_1358, %max3A_1299, %select_n3A_1260 : vector<16xi1>, vector<16xf32>
    %jit3A_1360 = arith.constant 0xFF800000 : f32
    %broadcast_in_dim3A_1361 = vector.broadcast %jit3A_1360 : f32 to vector<16xf32>
    %select_n3A_1362 = arith.select %eq3A_1358, %broadcast_in_dim3A_1361, %select_n3A_1263 : vector<16xi1>, vector<16xf32>
    %eq3A_1363 = arith.cmpi eq, %add3A_864, %min3A_1339 : vector<16xi32>
    %select_n3A_1364 = arith.select %eq3A_1363, %max3A_1299, %select_n3A_1265 : vector<16xi1>, vector<16xf32>
    %jit3A_1365 = arith.constant 0xFF800000 : f32
    %broadcast_in_dim3A_1366 = vector.broadcast %jit3A_1365 : f32 to vector<16xf32>
    %select_n3A_1367 = arith.select %eq3A_1363, %broadcast_in_dim3A_1366, %select_n3A_1268 : vector<16xi1>, vector<16xf32>
    %max3A_1368 = arith.maximumf %select_n3A_1352, %select_n3A_1357 : vector<16xf32>
    %max3A_1369 = arith.maximumf %max3A_1368, %select_n3A_1362 : vector<16xf32>
    %max3A_1370 = arith.maximumf %max3A_1369, %select_n3A_1367 : vector<16xf32>
    %xor3A_1371 = arith.constant 1 : i32
    %xor3A_1372 = vector.broadcast %xor3A_1371 : i32 to vector<16xi32>
    %xor3A_1373 = arith.xori %iota3A, %xor3A_1372 : vector<16xi32>
    %broadcast_in_dim3A_1374 = vector.shape_cast %xor3A_1373 : vector<16xi32> to vector<16x1xi32>
    %gather3A_1375 = vector.shape_cast %broadcast_in_dim3A_1374 : vector<16x1xi32> to vector<16xi32>
    %gather3A_1376 = tpu.dynamic_gather %max3A_1370[%gather3A_1375] in [0] : vector<16xf32>, vector<16xi32> -> vector<16xf32>
    %max3A_1377 = arith.maximumf %max3A_1370, %gather3A_1376 : vector<16xf32>
    %xor3A_1378 = arith.constant 2 : i32
    %xor3A_1379 = vector.broadcast %xor3A_1378 : i32 to vector<16xi32>
    %xor3A_1380 = arith.xori %iota3A, %xor3A_1379 : vector<16xi32>
    %broadcast_in_dim3A_1381 = vector.shape_cast %xor3A_1380 : vector<16xi32> to vector<16x1xi32>
    %gather3A_1382 = vector.shape_cast %broadcast_in_dim3A_1381 : vector<16x1xi32> to vector<16xi32>
    %gather3A_1383 = tpu.dynamic_gather %max3A_1377[%gather3A_1382] in [0] : vector<16xf32>, vector<16xi32> -> vector<16xf32>
    %max3A_1384 = arith.maximumf %max3A_1377, %gather3A_1383 : vector<16xf32>
    %xor3A_1385 = arith.constant 4 : i32
    %xor3A_1386 = vector.broadcast %xor3A_1385 : i32 to vector<16xi32>
    %xor3A_1387 = arith.xori %iota3A, %xor3A_1386 : vector<16xi32>
    %broadcast_in_dim3A_1388 = vector.shape_cast %xor3A_1387 : vector<16xi32> to vector<16x1xi32>
    %gather3A_1389 = vector.shape_cast %broadcast_in_dim3A_1388 : vector<16x1xi32> to vector<16xi32>
    %gather3A_1390 = tpu.dynamic_gather %max3A_1384[%gather3A_1389] in [0] : vector<16xf32>, vector<16xi32> -> vector<16xf32>
    %max3A_1391 = arith.maximumf %max3A_1384, %gather3A_1390 : vector<16xf32>
    %xor3A_1392 = arith.constant 8 : i32
    %xor3A_1393 = vector.broadcast %xor3A_1392 : i32 to vector<16xi32>
    %xor3A_1394 = arith.xori %iota3A, %xor3A_1393 : vector<16xi32>
    %broadcast_in_dim3A_1395 = vector.shape_cast %xor3A_1394 : vector<16xi32> to vector<16x1xi32>
    %gather3A_1396 = vector.shape_cast %broadcast_in_dim3A_1395 : vector<16x1xi32> to vector<16xi32>
    %gather3A_1397 = tpu.dynamic_gather %max3A_1391[%gather3A_1396] in [0] : vector<16xf32>, vector<16xi32> -> vector<16xf32>
    %max3A_1398 = arith.maximumf %max3A_1391, %gather3A_1397 : vector<16xf32>
    %eq3A_1399 = arith.cmpf oeq, %select_n3A_1352, %max3A_1398 : vector<16xf32>
    %select_n3A_1400 = arith.select %eq3A_1399, %add3A_855, %broadcast_in_dim3A_5 : vector<16xi1>, vector<16xi32>
    %min3A_1401 = arith.minsi %broadcast_in_dim3A_5, %select_n3A_1400 : vector<16xi32>
    %eq3A_1402 = arith.cmpf oeq, %select_n3A_1357, %max3A_1398 : vector<16xf32>
    %select_n3A_1403 = arith.select %eq3A_1402, %add3A_858, %broadcast_in_dim3A_5 : vector<16xi1>, vector<16xi32>
    %min3A_1404 = arith.minsi %min3A_1401, %select_n3A_1403 : vector<16xi32>
    %eq3A_1405 = arith.cmpf oeq, %select_n3A_1362, %max3A_1398 : vector<16xf32>
    %select_n3A_1406 = arith.select %eq3A_1405, %add3A_861, %broadcast_in_dim3A_5 : vector<16xi1>, vector<16xi32>
    %min3A_1407 = arith.minsi %min3A_1404, %select_n3A_1406 : vector<16xi32>
    %eq3A_1408 = arith.cmpf oeq, %select_n3A_1367, %max3A_1398 : vector<16xf32>
    %select_n3A_1409 = arith.select %eq3A_1408, %add3A_864, %broadcast_in_dim3A_5 : vector<16xi1>, vector<16xi32>
    %min3A_1410 = arith.minsi %min3A_1407, %select_n3A_1409 : vector<16xi32>
    %xor3A_1411 = arith.constant 1 : i32
    %xor3A_1412 = vector.broadcast %xor3A_1411 : i32 to vector<16xi32>
    %xor3A_1413 = arith.xori %iota3A, %xor3A_1412 : vector<16xi32>
    %broadcast_in_dim3A_1414 = vector.shape_cast %xor3A_1413 : vector<16xi32> to vector<16x1xi32>
    %gather3A_1415 = vector.shape_cast %broadcast_in_dim3A_1414 : vector<16x1xi32> to vector<16xi32>
    %gather3A_1416 = tpu.dynamic_gather %min3A_1410[%gather3A_1415] in [0] : vector<16xi32>, vector<16xi32> -> vector<16xi32>
    %min3A_1417 = arith.minsi %min3A_1410, %gather3A_1416 : vector<16xi32>
    %xor3A_1418 = arith.constant 2 : i32
    %xor3A_1419 = vector.broadcast %xor3A_1418 : i32 to vector<16xi32>
    %xor3A_1420 = arith.xori %iota3A, %xor3A_1419 : vector<16xi32>
    %broadcast_in_dim3A_1421 = vector.shape_cast %xor3A_1420 : vector<16xi32> to vector<16x1xi32>
    %gather3A_1422 = vector.shape_cast %broadcast_in_dim3A_1421 : vector<16x1xi32> to vector<16xi32>
    %gather3A_1423 = tpu.dynamic_gather %min3A_1417[%gather3A_1422] in [0] : vector<16xi32>, vector<16xi32> -> vector<16xi32>
    %min3A_1424 = arith.minsi %min3A_1417, %gather3A_1423 : vector<16xi32>
    %xor3A_1425 = arith.constant 4 : i32
    %xor3A_1426 = vector.broadcast %xor3A_1425 : i32 to vector<16xi32>
    %xor3A_1427 = arith.xori %iota3A, %xor3A_1426 : vector<16xi32>
    %broadcast_in_dim3A_1428 = vector.shape_cast %xor3A_1427 : vector<16xi32> to vector<16x1xi32>
    %gather3A_1429 = vector.shape_cast %broadcast_in_dim3A_1428 : vector<16x1xi32> to vector<16xi32>
    %gather3A_1430 = tpu.dynamic_gather %min3A_1424[%gather3A_1429] in [0] : vector<16xi32>, vector<16xi32> -> vector<16xi32>
    %min3A_1431 = arith.minsi %min3A_1424, %gather3A_1430 : vector<16xi32>
    %xor3A_1432 = arith.constant 8 : i32
    %xor3A_1433 = vector.broadcast %xor3A_1432 : i32 to vector<16xi32>
    %xor3A_1434 = arith.xori %iota3A, %xor3A_1433 : vector<16xi32>
    %broadcast_in_dim3A_1435 = vector.shape_cast %xor3A_1434 : vector<16xi32> to vector<16x1xi32>
    %gather3A_1436 = vector.shape_cast %broadcast_in_dim3A_1435 : vector<16x1xi32> to vector<16xi32>
    %gather3A_1437 = tpu.dynamic_gather %min3A_1431[%gather3A_1436] in [0] : vector<16xi32>, vector<16xi32> -> vector<16xi32>
    %min3A_1438 = arith.minsi %min3A_1431, %gather3A_1437 : vector<16xi32>
    %eq3A_1439 = arith.constant 13 : i32
    %eq3A_1440 = vector.broadcast %eq3A_1439 : i32 to vector<16xi32>
    %eq3A_1441 = arith.cmpi eq, %iota3A, %eq3A_1440 : vector<16xi32>
    %select_n3A_1442 = arith.select %eq3A_1441, %min3A_1438, %select_n3A_1343 : vector<16xi1>, vector<16xi32>
    %eq3A_1443 = arith.constant 13 : i32
    %eq3A_1444 = vector.broadcast %eq3A_1443 : i32 to vector<16xi32>
    %eq3A_1445 = arith.cmpi eq, %iota3A, %eq3A_1444 : vector<16xi32>
    %select_n3A_1446 = arith.select %eq3A_1445, %max3A_1398, %select_n3A_1347 : vector<16xi1>, vector<16xf32>
    %eq3A_1447 = arith.cmpi eq, %add3A_855, %min3A_1438 : vector<16xi32>
    %select_n3A_1448 = arith.select %eq3A_1447, %max3A_1398, %select_n3A_1349 : vector<16xi1>, vector<16xf32>
    %jit3A_1449 = arith.constant 0xFF800000 : f32
    %broadcast_in_dim3A_1450 = vector.broadcast %jit3A_1449 : f32 to vector<16xf32>
    %select_n3A_1451 = arith.select %eq3A_1447, %broadcast_in_dim3A_1450, %select_n3A_1352 : vector<16xi1>, vector<16xf32>
    %eq3A_1452 = arith.cmpi eq, %add3A_858, %min3A_1438 : vector<16xi32>
    %select_n3A_1453 = arith.select %eq3A_1452, %max3A_1398, %select_n3A_1354 : vector<16xi1>, vector<16xf32>
    %jit3A_1454 = arith.constant 0xFF800000 : f32
    %broadcast_in_dim3A_1455 = vector.broadcast %jit3A_1454 : f32 to vector<16xf32>
    %select_n3A_1456 = arith.select %eq3A_1452, %broadcast_in_dim3A_1455, %select_n3A_1357 : vector<16xi1>, vector<16xf32>
    %eq3A_1457 = arith.cmpi eq, %add3A_861, %min3A_1438 : vector<16xi32>
    %select_n3A_1458 = arith.select %eq3A_1457, %max3A_1398, %select_n3A_1359 : vector<16xi1>, vector<16xf32>
    %jit3A_1459 = arith.constant 0xFF800000 : f32
    %broadcast_in_dim3A_1460 = vector.broadcast %jit3A_1459 : f32 to vector<16xf32>
    %select_n3A_1461 = arith.select %eq3A_1457, %broadcast_in_dim3A_1460, %select_n3A_1362 : vector<16xi1>, vector<16xf32>
    %eq3A_1462 = arith.cmpi eq, %add3A_864, %min3A_1438 : vector<16xi32>
    %select_n3A_1463 = arith.select %eq3A_1462, %max3A_1398, %select_n3A_1364 : vector<16xi1>, vector<16xf32>
    %jit3A_1464 = arith.constant 0xFF800000 : f32
    %broadcast_in_dim3A_1465 = vector.broadcast %jit3A_1464 : f32 to vector<16xf32>
    %select_n3A_1466 = arith.select %eq3A_1462, %broadcast_in_dim3A_1465, %select_n3A_1367 : vector<16xi1>, vector<16xf32>
    %max3A_1467 = arith.maximumf %select_n3A_1451, %select_n3A_1456 : vector<16xf32>
    %max3A_1468 = arith.maximumf %max3A_1467, %select_n3A_1461 : vector<16xf32>
    %max3A_1469 = arith.maximumf %max3A_1468, %select_n3A_1466 : vector<16xf32>
    %xor3A_1470 = arith.constant 1 : i32
    %xor3A_1471 = vector.broadcast %xor3A_1470 : i32 to vector<16xi32>
    %xor3A_1472 = arith.xori %iota3A, %xor3A_1471 : vector<16xi32>
    %broadcast_in_dim3A_1473 = vector.shape_cast %xor3A_1472 : vector<16xi32> to vector<16x1xi32>
    %gather3A_1474 = vector.shape_cast %broadcast_in_dim3A_1473 : vector<16x1xi32> to vector<16xi32>
    %gather3A_1475 = tpu.dynamic_gather %max3A_1469[%gather3A_1474] in [0] : vector<16xf32>, vector<16xi32> -> vector<16xf32>
    %max3A_1476 = arith.maximumf %max3A_1469, %gather3A_1475 : vector<16xf32>
    %xor3A_1477 = arith.constant 2 : i32
    %xor3A_1478 = vector.broadcast %xor3A_1477 : i32 to vector<16xi32>
    %xor3A_1479 = arith.xori %iota3A, %xor3A_1478 : vector<16xi32>
    %broadcast_in_dim3A_1480 = vector.shape_cast %xor3A_1479 : vector<16xi32> to vector<16x1xi32>
    %gather3A_1481 = vector.shape_cast %broadcast_in_dim3A_1480 : vector<16x1xi32> to vector<16xi32>
    %gather3A_1482 = tpu.dynamic_gather %max3A_1476[%gather3A_1481] in [0] : vector<16xf32>, vector<16xi32> -> vector<16xf32>
    %max3A_1483 = arith.maximumf %max3A_1476, %gather3A_1482 : vector<16xf32>
    %xor3A_1484 = arith.constant 4 : i32
    %xor3A_1485 = vector.broadcast %xor3A_1484 : i32 to vector<16xi32>
    %xor3A_1486 = arith.xori %iota3A, %xor3A_1485 : vector<16xi32>
    %broadcast_in_dim3A_1487 = vector.shape_cast %xor3A_1486 : vector<16xi32> to vector<16x1xi32>
    %gather3A_1488 = vector.shape_cast %broadcast_in_dim3A_1487 : vector<16x1xi32> to vector<16xi32>
    %gather3A_1489 = tpu.dynamic_gather %max3A_1483[%gather3A_1488] in [0] : vector<16xf32>, vector<16xi32> -> vector<16xf32>
    %max3A_1490 = arith.maximumf %max3A_1483, %gather3A_1489 : vector<16xf32>
    %xor3A_1491 = arith.constant 8 : i32
    %xor3A_1492 = vector.broadcast %xor3A_1491 : i32 to vector<16xi32>
    %xor3A_1493 = arith.xori %iota3A, %xor3A_1492 : vector<16xi32>
    %broadcast_in_dim3A_1494 = vector.shape_cast %xor3A_1493 : vector<16xi32> to vector<16x1xi32>
    %gather3A_1495 = vector.shape_cast %broadcast_in_dim3A_1494 : vector<16x1xi32> to vector<16xi32>
    %gather3A_1496 = tpu.dynamic_gather %max3A_1490[%gather3A_1495] in [0] : vector<16xf32>, vector<16xi32> -> vector<16xf32>
    %max3A_1497 = arith.maximumf %max3A_1490, %gather3A_1496 : vector<16xf32>
    %eq3A_1498 = arith.cmpf oeq, %select_n3A_1451, %max3A_1497 : vector<16xf32>
    %select_n3A_1499 = arith.select %eq3A_1498, %add3A_855, %broadcast_in_dim3A_5 : vector<16xi1>, vector<16xi32>
    %min3A_1500 = arith.minsi %broadcast_in_dim3A_5, %select_n3A_1499 : vector<16xi32>
    %eq3A_1501 = arith.cmpf oeq, %select_n3A_1456, %max3A_1497 : vector<16xf32>
    %select_n3A_1502 = arith.select %eq3A_1501, %add3A_858, %broadcast_in_dim3A_5 : vector<16xi1>, vector<16xi32>
    %min3A_1503 = arith.minsi %min3A_1500, %select_n3A_1502 : vector<16xi32>
    %eq3A_1504 = arith.cmpf oeq, %select_n3A_1461, %max3A_1497 : vector<16xf32>
    %select_n3A_1505 = arith.select %eq3A_1504, %add3A_861, %broadcast_in_dim3A_5 : vector<16xi1>, vector<16xi32>
    %min3A_1506 = arith.minsi %min3A_1503, %select_n3A_1505 : vector<16xi32>
    %eq3A_1507 = arith.cmpf oeq, %select_n3A_1466, %max3A_1497 : vector<16xf32>
    %select_n3A_1508 = arith.select %eq3A_1507, %add3A_864, %broadcast_in_dim3A_5 : vector<16xi1>, vector<16xi32>
    %min3A_1509 = arith.minsi %min3A_1506, %select_n3A_1508 : vector<16xi32>
    %xor3A_1510 = arith.constant 1 : i32
    %xor3A_1511 = vector.broadcast %xor3A_1510 : i32 to vector<16xi32>
    %xor3A_1512 = arith.xori %iota3A, %xor3A_1511 : vector<16xi32>
    %broadcast_in_dim3A_1513 = vector.shape_cast %xor3A_1512 : vector<16xi32> to vector<16x1xi32>
    %gather3A_1514 = vector.shape_cast %broadcast_in_dim3A_1513 : vector<16x1xi32> to vector<16xi32>
    %gather3A_1515 = tpu.dynamic_gather %min3A_1509[%gather3A_1514] in [0] : vector<16xi32>, vector<16xi32> -> vector<16xi32>
    %min3A_1516 = arith.minsi %min3A_1509, %gather3A_1515 : vector<16xi32>
    %xor3A_1517 = arith.constant 2 : i32
    %xor3A_1518 = vector.broadcast %xor3A_1517 : i32 to vector<16xi32>
    %xor3A_1519 = arith.xori %iota3A, %xor3A_1518 : vector<16xi32>
    %broadcast_in_dim3A_1520 = vector.shape_cast %xor3A_1519 : vector<16xi32> to vector<16x1xi32>
    %gather3A_1521 = vector.shape_cast %broadcast_in_dim3A_1520 : vector<16x1xi32> to vector<16xi32>
    %gather3A_1522 = tpu.dynamic_gather %min3A_1516[%gather3A_1521] in [0] : vector<16xi32>, vector<16xi32> -> vector<16xi32>
    %min3A_1523 = arith.minsi %min3A_1516, %gather3A_1522 : vector<16xi32>
    %xor3A_1524 = arith.constant 4 : i32
    %xor3A_1525 = vector.broadcast %xor3A_1524 : i32 to vector<16xi32>
    %xor3A_1526 = arith.xori %iota3A, %xor3A_1525 : vector<16xi32>
    %broadcast_in_dim3A_1527 = vector.shape_cast %xor3A_1526 : vector<16xi32> to vector<16x1xi32>
    %gather3A_1528 = vector.shape_cast %broadcast_in_dim3A_1527 : vector<16x1xi32> to vector<16xi32>
    %gather3A_1529 = tpu.dynamic_gather %min3A_1523[%gather3A_1528] in [0] : vector<16xi32>, vector<16xi32> -> vector<16xi32>
    %min3A_1530 = arith.minsi %min3A_1523, %gather3A_1529 : vector<16xi32>
    %xor3A_1531 = arith.constant 8 : i32
    %xor3A_1532 = vector.broadcast %xor3A_1531 : i32 to vector<16xi32>
    %xor3A_1533 = arith.xori %iota3A, %xor3A_1532 : vector<16xi32>
    %broadcast_in_dim3A_1534 = vector.shape_cast %xor3A_1533 : vector<16xi32> to vector<16x1xi32>
    %gather3A_1535 = vector.shape_cast %broadcast_in_dim3A_1534 : vector<16x1xi32> to vector<16xi32>
    %gather3A_1536 = tpu.dynamic_gather %min3A_1530[%gather3A_1535] in [0] : vector<16xi32>, vector<16xi32> -> vector<16xi32>
    %min3A_1537 = arith.minsi %min3A_1530, %gather3A_1536 : vector<16xi32>
    %eq3A_1538 = arith.constant 14 : i32
    %eq3A_1539 = vector.broadcast %eq3A_1538 : i32 to vector<16xi32>
    %eq3A_1540 = arith.cmpi eq, %iota3A, %eq3A_1539 : vector<16xi32>
    %select_n3A_1541 = arith.select %eq3A_1540, %min3A_1537, %select_n3A_1442 : vector<16xi1>, vector<16xi32>
    %eq3A_1542 = arith.constant 14 : i32
    %eq3A_1543 = vector.broadcast %eq3A_1542 : i32 to vector<16xi32>
    %eq3A_1544 = arith.cmpi eq, %iota3A, %eq3A_1543 : vector<16xi32>
    %select_n3A_1545 = arith.select %eq3A_1544, %max3A_1497, %select_n3A_1446 : vector<16xi1>, vector<16xf32>
    %eq3A_1546 = arith.cmpi eq, %add3A_855, %min3A_1537 : vector<16xi32>
    %select_n3A_1547 = arith.select %eq3A_1546, %max3A_1497, %select_n3A_1448 : vector<16xi1>, vector<16xf32>
    %jit3A_1548 = arith.constant 0xFF800000 : f32
    %broadcast_in_dim3A_1549 = vector.broadcast %jit3A_1548 : f32 to vector<16xf32>
    %select_n3A_1550 = arith.select %eq3A_1546, %broadcast_in_dim3A_1549, %select_n3A_1451 : vector<16xi1>, vector<16xf32>
    %eq3A_1551 = arith.cmpi eq, %add3A_858, %min3A_1537 : vector<16xi32>
    %select_n3A_1552 = arith.select %eq3A_1551, %max3A_1497, %select_n3A_1453 : vector<16xi1>, vector<16xf32>
    %jit3A_1553 = arith.constant 0xFF800000 : f32
    %broadcast_in_dim3A_1554 = vector.broadcast %jit3A_1553 : f32 to vector<16xf32>
    %select_n3A_1555 = arith.select %eq3A_1551, %broadcast_in_dim3A_1554, %select_n3A_1456 : vector<16xi1>, vector<16xf32>
    %eq3A_1556 = arith.cmpi eq, %add3A_861, %min3A_1537 : vector<16xi32>
    %select_n3A_1557 = arith.select %eq3A_1556, %max3A_1497, %select_n3A_1458 : vector<16xi1>, vector<16xf32>
    %jit3A_1558 = arith.constant 0xFF800000 : f32
    %broadcast_in_dim3A_1559 = vector.broadcast %jit3A_1558 : f32 to vector<16xf32>
    %select_n3A_1560 = arith.select %eq3A_1556, %broadcast_in_dim3A_1559, %select_n3A_1461 : vector<16xi1>, vector<16xf32>
    %eq3A_1561 = arith.cmpi eq, %add3A_864, %min3A_1537 : vector<16xi32>
    %select_n3A_1562 = arith.select %eq3A_1561, %max3A_1497, %select_n3A_1463 : vector<16xi1>, vector<16xf32>
    %jit3A_1563 = arith.constant 0xFF800000 : f32
    %broadcast_in_dim3A_1564 = vector.broadcast %jit3A_1563 : f32 to vector<16xf32>
    %select_n3A_1565 = arith.select %eq3A_1561, %broadcast_in_dim3A_1564, %select_n3A_1466 : vector<16xi1>, vector<16xf32>
    %max3A_1566 = arith.maximumf %select_n3A_1550, %select_n3A_1555 : vector<16xf32>
    %max3A_1567 = arith.maximumf %max3A_1566, %select_n3A_1560 : vector<16xf32>
    %max3A_1568 = arith.maximumf %max3A_1567, %select_n3A_1565 : vector<16xf32>
    %xor3A_1569 = arith.constant 1 : i32
    %xor3A_1570 = vector.broadcast %xor3A_1569 : i32 to vector<16xi32>
    %xor3A_1571 = arith.xori %iota3A, %xor3A_1570 : vector<16xi32>
    %broadcast_in_dim3A_1572 = vector.shape_cast %xor3A_1571 : vector<16xi32> to vector<16x1xi32>
    %gather3A_1573 = vector.shape_cast %broadcast_in_dim3A_1572 : vector<16x1xi32> to vector<16xi32>
    %gather3A_1574 = tpu.dynamic_gather %max3A_1568[%gather3A_1573] in [0] : vector<16xf32>, vector<16xi32> -> vector<16xf32>
    %max3A_1575 = arith.maximumf %max3A_1568, %gather3A_1574 : vector<16xf32>
    %xor3A_1576 = arith.constant 2 : i32
    %xor3A_1577 = vector.broadcast %xor3A_1576 : i32 to vector<16xi32>
    %xor3A_1578 = arith.xori %iota3A, %xor3A_1577 : vector<16xi32>
    %broadcast_in_dim3A_1579 = vector.shape_cast %xor3A_1578 : vector<16xi32> to vector<16x1xi32>
    %gather3A_1580 = vector.shape_cast %broadcast_in_dim3A_1579 : vector<16x1xi32> to vector<16xi32>
    %gather3A_1581 = tpu.dynamic_gather %max3A_1575[%gather3A_1580] in [0] : vector<16xf32>, vector<16xi32> -> vector<16xf32>
    %max3A_1582 = arith.maximumf %max3A_1575, %gather3A_1581 : vector<16xf32>
    %xor3A_1583 = arith.constant 4 : i32
    %xor3A_1584 = vector.broadcast %xor3A_1583 : i32 to vector<16xi32>
    %xor3A_1585 = arith.xori %iota3A, %xor3A_1584 : vector<16xi32>
    %broadcast_in_dim3A_1586 = vector.shape_cast %xor3A_1585 : vector<16xi32> to vector<16x1xi32>
    %gather3A_1587 = vector.shape_cast %broadcast_in_dim3A_1586 : vector<16x1xi32> to vector<16xi32>
    %gather3A_1588 = tpu.dynamic_gather %max3A_1582[%gather3A_1587] in [0] : vector<16xf32>, vector<16xi32> -> vector<16xf32>
    %max3A_1589 = arith.maximumf %max3A_1582, %gather3A_1588 : vector<16xf32>
    %xor3A_1590 = arith.constant 8 : i32
    %xor3A_1591 = vector.broadcast %xor3A_1590 : i32 to vector<16xi32>
    %xor3A_1592 = arith.xori %iota3A, %xor3A_1591 : vector<16xi32>
    %broadcast_in_dim3A_1593 = vector.shape_cast %xor3A_1592 : vector<16xi32> to vector<16x1xi32>
    %gather3A_1594 = vector.shape_cast %broadcast_in_dim3A_1593 : vector<16x1xi32> to vector<16xi32>
    %gather3A_1595 = tpu.dynamic_gather %max3A_1589[%gather3A_1594] in [0] : vector<16xf32>, vector<16xi32> -> vector<16xf32>
    %max3A_1596 = arith.maximumf %max3A_1589, %gather3A_1595 : vector<16xf32>
    %eq3A_1597 = arith.cmpf oeq, %select_n3A_1550, %max3A_1596 : vector<16xf32>
    %select_n3A_1598 = arith.select %eq3A_1597, %add3A_855, %broadcast_in_dim3A_5 : vector<16xi1>, vector<16xi32>
    %min3A_1599 = arith.minsi %broadcast_in_dim3A_5, %select_n3A_1598 : vector<16xi32>
    %eq3A_1600 = arith.cmpf oeq, %select_n3A_1555, %max3A_1596 : vector<16xf32>
    %select_n3A_1601 = arith.select %eq3A_1600, %add3A_858, %broadcast_in_dim3A_5 : vector<16xi1>, vector<16xi32>
    %min3A_1602 = arith.minsi %min3A_1599, %select_n3A_1601 : vector<16xi32>
    %eq3A_1603 = arith.cmpf oeq, %select_n3A_1560, %max3A_1596 : vector<16xf32>
    %select_n3A_1604 = arith.select %eq3A_1603, %add3A_861, %broadcast_in_dim3A_5 : vector<16xi1>, vector<16xi32>
    %min3A_1605 = arith.minsi %min3A_1602, %select_n3A_1604 : vector<16xi32>
    %eq3A_1606 = arith.cmpf oeq, %select_n3A_1565, %max3A_1596 : vector<16xf32>
    %select_n3A_1607 = arith.select %eq3A_1606, %add3A_864, %broadcast_in_dim3A_5 : vector<16xi1>, vector<16xi32>
    %min3A_1608 = arith.minsi %min3A_1605, %select_n3A_1607 : vector<16xi32>
    %xor3A_1609 = arith.constant 1 : i32
    %xor3A_1610 = vector.broadcast %xor3A_1609 : i32 to vector<16xi32>
    %xor3A_1611 = arith.xori %iota3A, %xor3A_1610 : vector<16xi32>
    %broadcast_in_dim3A_1612 = vector.shape_cast %xor3A_1611 : vector<16xi32> to vector<16x1xi32>
    %gather3A_1613 = vector.shape_cast %broadcast_in_dim3A_1612 : vector<16x1xi32> to vector<16xi32>
    %gather3A_1614 = tpu.dynamic_gather %min3A_1608[%gather3A_1613] in [0] : vector<16xi32>, vector<16xi32> -> vector<16xi32>
    %min3A_1615 = arith.minsi %min3A_1608, %gather3A_1614 : vector<16xi32>
    %xor3A_1616 = arith.constant 2 : i32
    %xor3A_1617 = vector.broadcast %xor3A_1616 : i32 to vector<16xi32>
    %xor3A_1618 = arith.xori %iota3A, %xor3A_1617 : vector<16xi32>
    %broadcast_in_dim3A_1619 = vector.shape_cast %xor3A_1618 : vector<16xi32> to vector<16x1xi32>
    %gather3A_1620 = vector.shape_cast %broadcast_in_dim3A_1619 : vector<16x1xi32> to vector<16xi32>
    %gather3A_1621 = tpu.dynamic_gather %min3A_1615[%gather3A_1620] in [0] : vector<16xi32>, vector<16xi32> -> vector<16xi32>
    %min3A_1622 = arith.minsi %min3A_1615, %gather3A_1621 : vector<16xi32>
    %xor3A_1623 = arith.constant 4 : i32
    %xor3A_1624 = vector.broadcast %xor3A_1623 : i32 to vector<16xi32>
    %xor3A_1625 = arith.xori %iota3A, %xor3A_1624 : vector<16xi32>
    %broadcast_in_dim3A_1626 = vector.shape_cast %xor3A_1625 : vector<16xi32> to vector<16x1xi32>
    %gather3A_1627 = vector.shape_cast %broadcast_in_dim3A_1626 : vector<16x1xi32> to vector<16xi32>
    %gather3A_1628 = tpu.dynamic_gather %min3A_1622[%gather3A_1627] in [0] : vector<16xi32>, vector<16xi32> -> vector<16xi32>
    %min3A_1629 = arith.minsi %min3A_1622, %gather3A_1628 : vector<16xi32>
    %xor3A_1630 = arith.constant 8 : i32
    %xor3A_1631 = vector.broadcast %xor3A_1630 : i32 to vector<16xi32>
    %xor3A_1632 = arith.xori %iota3A, %xor3A_1631 : vector<16xi32>
    %broadcast_in_dim3A_1633 = vector.shape_cast %xor3A_1632 : vector<16xi32> to vector<16x1xi32>
    %gather3A_1634 = vector.shape_cast %broadcast_in_dim3A_1633 : vector<16x1xi32> to vector<16xi32>
    %gather3A_1635 = tpu.dynamic_gather %min3A_1629[%gather3A_1634] in [0] : vector<16xi32>, vector<16xi32> -> vector<16xi32>
    %min3A_1636 = arith.minsi %min3A_1629, %gather3A_1635 : vector<16xi32>
    %eq3A_1637 = arith.constant 15 : i32
    %eq3A_1638 = vector.broadcast %eq3A_1637 : i32 to vector<16xi32>
    %eq3A_1639 = arith.cmpi eq, %iota3A, %eq3A_1638 : vector<16xi32>
    %select_n3A_1640 = arith.select %eq3A_1639, %min3A_1636, %select_n3A_1541 : vector<16xi1>, vector<16xi32>
    %eq3A_1641 = arith.constant 15 : i32
    %eq3A_1642 = vector.broadcast %eq3A_1641 : i32 to vector<16xi32>
    %eq3A_1643 = arith.cmpi eq, %iota3A, %eq3A_1642 : vector<16xi32>
    %select_n3A_1644 = arith.select %eq3A_1643, %max3A_1596, %select_n3A_1545 : vector<16xi1>, vector<16xf32>
    %eq3A_1645 = arith.cmpi eq, %add3A_855, %min3A_1636 : vector<16xi32>
    %select_n3A_1646 = arith.select %eq3A_1645, %max3A_1596, %select_n3A_1547 : vector<16xi1>, vector<16xf32>
    %jit3A_1647 = arith.constant 0xFF800000 : f32
    %broadcast_in_dim3A_1648 = vector.broadcast %jit3A_1647 : f32 to vector<16xf32>
    %select_n3A_1649 = arith.select %eq3A_1645, %broadcast_in_dim3A_1648, %select_n3A_1550 : vector<16xi1>, vector<16xf32>
    %eq3A_1650 = arith.cmpi eq, %add3A_858, %min3A_1636 : vector<16xi32>
    %select_n3A_1651 = arith.select %eq3A_1650, %max3A_1596, %select_n3A_1552 : vector<16xi1>, vector<16xf32>
    %jit3A_1652 = arith.constant 0xFF800000 : f32
    %broadcast_in_dim3A_1653 = vector.broadcast %jit3A_1652 : f32 to vector<16xf32>
    %select_n3A_1654 = arith.select %eq3A_1650, %broadcast_in_dim3A_1653, %select_n3A_1555 : vector<16xi1>, vector<16xf32>
    %eq3A_1655 = arith.cmpi eq, %add3A_861, %min3A_1636 : vector<16xi32>
    %select_n3A_1656 = arith.select %eq3A_1655, %max3A_1596, %select_n3A_1557 : vector<16xi1>, vector<16xf32>
    %jit3A_1657 = arith.constant 0xFF800000 : f32
    %broadcast_in_dim3A_1658 = vector.broadcast %jit3A_1657 : f32 to vector<16xf32>
    %select_n3A_1659 = arith.select %eq3A_1655, %broadcast_in_dim3A_1658, %select_n3A_1560 : vector<16xi1>, vector<16xf32>
    %eq3A_1660 = arith.cmpi eq, %add3A_864, %min3A_1636 : vector<16xi32>
    %select_n3A_1661 = arith.select %eq3A_1660, %max3A_1596, %select_n3A_1562 : vector<16xi1>, vector<16xf32>
    %jit3A_1662 = arith.constant 0xFF800000 : f32
    %broadcast_in_dim3A_1663 = vector.broadcast %jit3A_1662 : f32 to vector<16xf32>
    %select_n3A_1664 = arith.select %eq3A_1660, %broadcast_in_dim3A_1663, %select_n3A_1565 : vector<16xi1>, vector<16xf32>
    %swap3A_1665 = arith.constant 64 : index
    %swap3A_1666 = tpu.vector_load %arg7[%swap3A_1665] {strides = array<i32>} : memref<128xf32, #tpu.memory_space<vmem>>, vector<16xf32>,
    %swap3A_1667 = vector.shape_cast %swap3A_1666 : vector<16xf32> to vector<16xf32>
    %swap3A_1668 = vector.shape_cast %select_n3A_1646 : vector<16xf32> to vector<16xf32>
    tpu.vector_store %arg7[%swap3A_1665], %swap3A_1668 {strides = array<i32>} : memref<128xf32, #tpu.memory_space<vmem>>, vector<16xf32>,
    %swap3A_1669 = arith.constant 80 : index
    %swap3A_1670 = tpu.vector_load %arg7[%swap3A_1669] {strides = array<i32>} : memref<128xf32, #tpu.memory_space<vmem>>, vector<16xf32>,
    %swap3A_1671 = vector.shape_cast %swap3A_1670 : vector<16xf32> to vector<16xf32>
    %swap3A_1672 = vector.shape_cast %select_n3A_1651 : vector<16xf32> to vector<16xf32>
    tpu.vector_store %arg7[%swap3A_1669], %swap3A_1672 {strides = array<i32>} : memref<128xf32, #tpu.memory_space<vmem>>, vector<16xf32>,
    %swap3A_1673 = arith.constant 96 : index
    %swap3A_1674 = tpu.vector_load %arg7[%swap3A_1673] {strides = array<i32>} : memref<128xf32, #tpu.memory_space<vmem>>, vector<16xf32>,
    %swap3A_1675 = vector.shape_cast %swap3A_1674 : vector<16xf32> to vector<16xf32>
    %swap3A_1676 = vector.shape_cast %select_n3A_1656 : vector<16xf32> to vector<16xf32>
    tpu.vector_store %arg7[%swap3A_1673], %swap3A_1676 {strides = array<i32>} : memref<128xf32, #tpu.memory_space<vmem>>, vector<16xf32>,
    %swap3A_1677 = arith.constant 112 : index
    %swap3A_1678 = tpu.vector_load %arg7[%swap3A_1677] {strides = array<i32>} : memref<128xf32, #tpu.memory_space<vmem>>, vector<16xf32>,
    %swap3A_1679 = vector.shape_cast %swap3A_1678 : vector<16xf32> to vector<16xf32>
    %swap3A_1680 = vector.shape_cast %select_n3A_1661 : vector<16xf32> to vector<16xf32>
    tpu.vector_store %arg7[%swap3A_1677], %swap3A_1680 {strides = array<i32>} : memref<128xf32, #tpu.memory_space<vmem>>, vector<16xf32>,
    %swap3A_1681 = arith.constant 0 : index
    %swap3A_1682 = tpu.vector_load %arg8[%swap3A_1681] {strides = array<i32>} : memref<16xi32, #tpu.memory_space<vmem>>, vector<16xi32>,
    %swap3A_1683 = vector.shape_cast %swap3A_1682 : vector<16xi32> to vector<16xi32>
    %swap3A_1684 = vector.shape_cast %select_n3A_1640 : vector<16xi32> to vector<16xi32>
    tpu.vector_store %arg8[%swap3A_1681], %swap3A_1684 {strides = array<i32>} : memref<16xi32, #tpu.memory_space<vmem>>, vector<16xi32>,
    %swap3A_1685 = arith.constant 0 : index
    %swap3A_1686 = tpu.vector_load %arg9[%swap3A_1685] {strides = array<i32>} : memref<16xf32, #tpu.memory_space<vmem>>, vector<16xf32>,
    %swap3A_1687 = vector.shape_cast %swap3A_1686 : vector<16xf32> to vector<16xf32>
    %swap3A_1688 = vector.shape_cast %select_n3A_1644 : vector<16xf32> to vector<16xf32>
    tpu.vector_store %arg9[%swap3A_1685], %swap3A_1688 {strides = array<i32>} : memref<16xf32, #tpu.memory_space<vmem>>, vector<16xf32>,
    %mul3A_1689 = arith.constant 64 : i32
    %mul3A_1690 = arith.muli %mul3A_2, %mul3A_1689 : i32
    "tpu.region"() ({
      %run_scoped3A = tpu.sem_alloc : memref<!tpu.dma_semaphore, #tpu.memory_space<semaphore_mem>>
      %dma_start3A = tpu.memref_slice %arg3[%mul3A_1690] : memref<4096xf32, #tpu.memory_space<hbm>> -> memref<128xf32, #tpu.memory_space<hbm>>
      %dma_start3A_1695 = tpu.memref_slice %arg3[%mul3A_1690] : memref<4096xf32, #tpu.memory_space<hbm>> -> memref<128xf32, #tpu.memory_space<hbm>>
      tpu.enqueue_dma source(%arg7 : memref<128xf32, #tpu.memory_space<vmem>>) target(%dma_start3A_1695 : memref<128xf32, #tpu.memory_space<hbm>>) target_semaphore(%run_scoped3A : memref<!tpu.dma_semaphore, #tpu.memory_space<semaphore_mem>>)
      %dma_wait3A = tpu.memref_slice %arg3[%mul3A_1690] : memref<4096xf32, #tpu.memory_space<hbm>> -> memref<128xf32, #tpu.memory_space<hbm>>
      %dma_wait3A_1696 = tpu.memref_slice %arg3[%mul3A_1690] : memref<4096xf32, #tpu.memory_space<hbm>> -> memref<128xf32, #tpu.memory_space<hbm>>
      tpu.wait_dma2 semaphore(%run_scoped3A : memref<!tpu.dma_semaphore, #tpu.memory_space<semaphore_mem>>) src(%arg7 : memref<128xf32, #tpu.memory_space<vmem>>) dst(%dma_wait3A_1696 : memref<128xf32, #tpu.memory_space<hbm>>)
      tpu.yield
    }) : () -> ()
    %mul3A_1691 = arith.constant 8 : i32
    %mul3A_1692 = arith.muli %mul3A_2, %mul3A_1691 : i32
    "tpu.region"() ({
      %run_scoped3A = tpu.sem_alloc : memref<!tpu.dma_semaphore, #tpu.memory_space<semaphore_mem>>
      %dma_start3A = tpu.memref_slice %arg4[%mul3A_1692] : memref<512xi32, #tpu.memory_space<hbm>> -> memref<16xi32, #tpu.memory_space<hbm>>
      %dma_start3A_1695 = tpu.memref_slice %arg4[%mul3A_1692] : memref<512xi32, #tpu.memory_space<hbm>> -> memref<16xi32, #tpu.memory_space<hbm>>
      tpu.enqueue_dma source(%arg8 : memref<16xi32, #tpu.memory_space<vmem>>) target(%dma_start3A_1695 : memref<16xi32, #tpu.memory_space<hbm>>) target_semaphore(%run_scoped3A : memref<!tpu.dma_semaphore, #tpu.memory_space<semaphore_mem>>)
      %dma_wait3A = tpu.memref_slice %arg4[%mul3A_1692] : memref<512xi32, #tpu.memory_space<hbm>> -> memref<16xi32, #tpu.memory_space<hbm>>
      %dma_wait3A_1696 = tpu.memref_slice %arg4[%mul3A_1692] : memref<512xi32, #tpu.memory_space<hbm>> -> memref<16xi32, #tpu.memory_space<hbm>>
      tpu.wait_dma2 semaphore(%run_scoped3A : memref<!tpu.dma_semaphore, #tpu.memory_space<semaphore_mem>>) src(%arg8 : memref<16xi32, #tpu.memory_space<vmem>>) dst(%dma_wait3A_1696 : memref<16xi32, #tpu.memory_space<hbm>>)
      tpu.yield
    }) : () -> ()
    %mul3A_1693 = arith.constant 8 : i32
    %mul3A_1694 = arith.muli %mul3A_2, %mul3A_1693 : i32
    "tpu.region"() ({
      %run_scoped3A = tpu.sem_alloc : memref<!tpu.dma_semaphore, #tpu.memory_space<semaphore_mem>>
      %dma_start3A = tpu.memref_slice %arg5[%mul3A_1694] : memref<512xf32, #tpu.memory_space<hbm>> -> memref<16xf32, #tpu.memory_space<hbm>>
      %dma_start3A_1695 = tpu.memref_slice %arg5[%mul3A_1694] : memref<512xf32, #tpu.memory_space<hbm>> -> memref<16xf32, #tpu.memory_space<hbm>>
      tpu.enqueue_dma source(%arg9 : memref<16xf32, #tpu.memory_space<vmem>>) target(%dma_start3A_1695 : memref<16xf32, #tpu.memory_space<hbm>>) target_semaphore(%run_scoped3A : memref<!tpu.dma_semaphore, #tpu.memory_space<semaphore_mem>>)
      %dma_wait3A = tpu.memref_slice %arg5[%mul3A_1694] : memref<512xf32, #tpu.memory_space<hbm>> -> memref<16xf32, #tpu.memory_space<hbm>>
      %dma_wait3A_1696 = tpu.memref_slice %arg5[%mul3A_1694] : memref<512xf32, #tpu.memory_space<hbm>> -> memref<16xf32, #tpu.memory_space<hbm>>
      tpu.wait_dma2 semaphore(%run_scoped3A : memref<!tpu.dma_semaphore, #tpu.memory_space<semaphore_mem>>) src(%arg9 : memref<16xf32, #tpu.memory_space<vmem>>) dst(%dma_wait3A_1696 : memref<16xf32, #tpu.memory_space<hbm>>)
      tpu.yield
    }) : () -> ()
    return
  }
}

module attributes {stable_mosaic.version = 14 : i64} {
  func.func @_pool_body(%arg0: i32, %arg1: memref<14x64x768xf32, #tpu.memory_space<vmem>>, %arg2: memref<14x64x768xf32, #tpu.memory_space<vmem>>, %arg3: memref<64x256xf32, #tpu.memory_space<vmem>>, %arg4: memref<64x768xf32, #tpu.memory_space<vmem>>, %arg5: memref<64x256xf32, #tpu.memory_space<vmem>>, %arg6: memref<64x64xf32, #tpu.memory_space<vmem>>, %arg7: memref<64x768xf32, #tpu.memory_space<vmem>>) attributes {dimension_semantics = [#tpu.dimension_semantics<arbitrary>], iteration_bounds = array<i64: 7>, scalar_prefetch = 0 : i64, scratch_operands = 1 : i64, tpu.core_type = #tpu.core_type<tc>, window_params = [{transform_indices = @transform_0, window_bounds = array<i64: 14, 64, 768>}, {transform_indices = @transform_1, window_bounds = array<i64: 14, 64, 768>}, {pipeline_mode = #tpu.pipeline_mode<synchronous>, transform_indices = @transform_2, window_bounds = array<i64: 64, 256>}, {pipeline_mode = #tpu.pipeline_mode<synchronous>, transform_indices = @transform_3, window_bounds = array<i64: 64, 768>}, {pipeline_mode = #tpu.pipeline_mode<synchronous>, transform_indices = @transform_4, window_bounds = array<i64: 64, 256>}, {pipeline_mode = #tpu.pipeline_mode<synchronous>, transform_indices = @transform_5, window_bounds = array<i64: 64, 64>}]} {
    %eq3A = arith.constant 0 : i32
    %eq3A_0 = arith.cmpi eq, %arg0, %eq3A : i32
    %convert_element_type3A = arith.extui %eq3A_0 : i1 to i32
    %cond3A = arith.constant 0 : i32
    %cond3A_1 = arith.cmpi ne, %convert_element_type3A, %cond3A : i32
    scf.if %cond3A_1 {
      %broadcast_in_dim3A = arith.constant 0.000000e+00 : f32
      %broadcast_in_dim3A_23 = vector.broadcast %broadcast_in_dim3A : f32 to vector<64x768xf32>
      %swap3A_24 = arith.constant 0 : index
      %swap3A_25 = arith.constant 0 : index
      %swap3A_26 = vector.load %arg7[%swap3A_24, %swap3A_25] : memref<64x768xf32, #tpu.memory_space<vmem>>, vector<64x768xf32>
      tpu.vector_store %arg7[%swap3A_24, %swap3A_25], %broadcast_in_dim3A_23 {strides = array<i32>} : memref<64x768xf32, #tpu.memory_space<vmem>>, vector<64x768xf32>,
    } else {
    }
    %get3A = arith.constant 0 : index
    %get3A_2 = arith.constant 0 : index
    %get3A_3 = vector.load %arg7[%get3A, %get3A_2] : memref<64x768xf32, #tpu.memory_space<vmem>>, vector<64x768xf32>
    %get3A_4 = arith.constant 0 : index
    %get3A_5 = arith.constant 0 : index
    %get3A_6 = arith.constant 0 : index
    %get3A_7 = vector.load %arg1[%get3A_4, %get3A_5, %get3A_6] : memref<14x64x768xf32, #tpu.memory_space<vmem>>, vector<14x64x768xf32>
    %reduce_sum3A = arith.constant dense<0.000000e+00> : vector<64x768xf32>
    %reduce_sum3A_8 = vector.multi_reduction <add>, %get3A_7, %reduce_sum3A [0] : vector<14x64x768xf32> to vector<64x768xf32>
    %get3A_9 = arith.constant 0 : index
    %get3A_10 = arith.constant 0 : index
    %get3A_11 = arith.constant 0 : index
    %get3A_12 = vector.load %arg2[%get3A_9, %get3A_10, %get3A_11] : memref<14x64x768xf32, #tpu.memory_space<vmem>>, vector<14x64x768xf32>
    %reduce_sum3A_13 = arith.constant dense<0.000000e+00> : vector<64x768xf32>
    %reduce_sum3A_14 = vector.multi_reduction <add>, %get3A_12, %reduce_sum3A_13 [0] : vector<14x64x768xf32> to vector<64x768xf32>
    %add3A = arith.addf %reduce_sum3A_8, %reduce_sum3A_14 : vector<64x768xf32>
    %add3A_15 = arith.addf %get3A_3, %add3A : vector<64x768xf32>
    %swap3A = arith.constant 0 : index
    %swap3A_16 = arith.constant 0 : index
    %swap3A_17 = vector.load %arg7[%swap3A, %swap3A_16] : memref<64x768xf32, #tpu.memory_space<vmem>>, vector<64x768xf32>
    tpu.vector_store %arg7[%swap3A, %swap3A_16], %add3A_15 {strides = array<i32>} : memref<64x768xf32, #tpu.memory_space<vmem>>, vector<64x768xf32>,
    %eq3A_18 = arith.constant 6 : i32
    %eq3A_19 = arith.cmpi eq, %arg0, %eq3A_18 : i32
    %convert_element_type3A_20 = arith.extui %eq3A_19 : i1 to i32
    %cond3A_21 = arith.constant 0 : i32
    %cond3A_22 = arith.cmpi ne, %convert_element_type3A_20, %cond3A_21 : i32
    scf.if %cond3A_22 {
      %get3A_23 = arith.constant 0 : index
      %get3A_24 = arith.constant 0 : index
      %get3A_25 = vector.load %arg7[%get3A_23, %get3A_24] : memref<64x768xf32, #tpu.memory_space<vmem>>, vector<64x768xf32>
      %mul3A = arith.constant 0.00510204071 : f32
      %mul3A_26 = vector.broadcast %mul3A : f32 to vector<64x768xf32>
      %mul3A_27 = arith.mulf %get3A_25, %mul3A_26 : vector<64x768xf32>
      %get3A_28 = arith.constant 0 : index
      %get3A_29 = arith.constant 0 : index
      %get3A_30 = vector.load %arg4[%get3A_28, %get3A_29] : memref<64x768xf32, #tpu.memory_space<vmem>>, vector<64x768xf32>
      %dot_general3A = arith.constant dense<0.000000e+00> : vector<64x64xf32>
      %dot_general3A_31 = tpu.matmul %mul3A_27, %get3A_30, %dot_general3A {dimension_numbers = #tpu.dot_dimension_numbers<[1], [1], [0], [0], [0, 0, 1, 0], [], []>, transpose_lhs_hint = false} : vector<64x768xf32>, vector<64x768xf32>, vector<64x64xf32> -> vector<64x64xf32>
      %get3A_32 = arith.constant 0 : index
      %get3A_33 = arith.constant 0 : index
      %get3A_34 = vector.load %arg3[%get3A_32, %get3A_33] : memref<64x256xf32, #tpu.memory_space<vmem>>, vector<64x256xf32>
      %get3A_35 = arith.constant 0 : index
      %get3A_36 = arith.constant 0 : index
      %get3A_37 = vector.load %arg5[%get3A_35, %get3A_36] : memref<64x256xf32, #tpu.memory_space<vmem>>, vector<64x256xf32>
      %dot_general3A_38 = arith.constant dense<0.000000e+00> : vector<64x64xf32>
      %dot_general3A_39 = tpu.matmul %get3A_34, %get3A_37, %dot_general3A_38 {dimension_numbers = #tpu.dot_dimension_numbers<[1], [1], [0], [0], [0, 0, 1, 0], [], []>, transpose_lhs_hint = false} : vector<64x256xf32>, vector<64x256xf32>, vector<64x64xf32> -> vector<64x64xf32>
      %add3A_40 = arith.addf %dot_general3A_31, %dot_general3A_39 : vector<64x64xf32>
      %reduce_max3A = arith.constant dense<0xFF800000> : vector<64xf32>
      %reduce_max3A_41 = vector.multi_reduction <maximumf>, %add3A_40, %reduce_max3A [1] : vector<64x64xf32> to vector<64xf32>
      %broadcast_in_dim3A = vector.shape_cast %reduce_max3A_41 : vector<64xf32> to vector<64x1xf32>
      %sub3A = vector.broadcast %broadcast_in_dim3A : vector<64x1xf32> to vector<64x64xf32>
      %sub3A_42 = arith.subf %add3A_40, %sub3A : vector<64x64xf32>
      %exp3A = math.exp %sub3A_42 : vector<64x64xf32>
      %reduce_sum3A_43 = arith.constant dense<0.000000e+00> : vector<64xf32>
      %reduce_sum3A_44 = vector.multi_reduction <add>, %exp3A, %reduce_sum3A_43 [1] : vector<64x64xf32> to vector<64xf32>
      %broadcast_in_dim3A_45 = vector.shape_cast %reduce_sum3A_44 : vector<64xf32> to vector<64x1xf32>
      %div3A = vector.broadcast %broadcast_in_dim3A_45 : vector<64x1xf32> to vector<64x64xf32>
      %div3A_46 = arith.divf %exp3A, %div3A : vector<64x64xf32>
      %swap3A_47 = arith.constant 0 : index
      %swap3A_48 = arith.constant 0 : index
      %swap3A_49 = vector.load %arg6[%swap3A_47, %swap3A_48] : memref<64x64xf32, #tpu.memory_space<vmem>>, vector<64x64xf32>
      tpu.vector_store %arg6[%swap3A_47, %swap3A_48], %div3A_46 {strides = array<i32>} : memref<64x64xf32, #tpu.memory_space<vmem>>, vector<64x64xf32>,
    } else {
    }
    return
  }
  func.func @transform_0(%arg0: i32) -> (i32, i32, i32) {
    %mul3A = arith.constant 2 : i32
    %mul3A_0 = arith.muli %mul3A, %arg0 : i32
    %c0_i32 = arith.constant 0 : i32
    %c0_i32_1 = arith.constant 0 : i32
    %c0_i32_2 = arith.constant 0 : i32
    return %mul3A_0, %c0_i32, %c0_i32_1 : i32, i32, i32
  }
  func.func @transform_1(%arg0: i32) -> (i32, i32, i32) {
    %mul3A = arith.constant 2 : i32
    %mul3A_0 = arith.muli %mul3A, %arg0 : i32
    %add3A = arith.constant 1 : i32
    %add3A_1 = arith.addi %mul3A_0, %add3A : i32
    %c0_i32 = arith.constant 0 : i32
    %c0_i32_2 = arith.constant 0 : i32
    %c0_i32_3 = arith.constant 0 : i32
    return %add3A_1, %c0_i32, %c0_i32_2 : i32, i32, i32
  }
  func.func @transform_2(%arg0: i32) -> (i32, i32) {
    %c0_i32 = arith.constant 0 : i32
    %c0_i32_0 = arith.constant 0 : i32
    %c0_i32_1 = arith.constant 0 : i32
    return %c0_i32, %c0_i32_0 : i32, i32
  }
  func.func @transform_3(%arg0: i32) -> (i32, i32) {
    %c0_i32 = arith.constant 0 : i32
    %c0_i32_0 = arith.constant 0 : i32
    %c0_i32_1 = arith.constant 0 : i32
    return %c0_i32, %c0_i32_0 : i32, i32
  }
  func.func @transform_4(%arg0: i32) -> (i32, i32) {
    %c0_i32 = arith.constant 0 : i32
    %c0_i32_0 = arith.constant 0 : i32
    %c0_i32_1 = arith.constant 0 : i32
    return %c0_i32, %c0_i32_0 : i32, i32
  }
  func.func @transform_5(%arg0: i32) -> (i32, i32) {
    %c0_i32 = arith.constant 0 : i32
    %c0_i32_0 = arith.constant 0 : i32
    %c0_i32_1 = arith.constant 0 : i32
    return %c0_i32, %c0_i32_0 : i32, i32
  }
}

</mosaic_0001>

<sc_bundles>
// kernel: kernel.4.cloned.1.call-start
scs
__scs_entry_jumppad:
0x0: {  	(pc) =	sbr.rel $0x88, $3  }
0x1: {  	(tag) =	ssettag $0x0;
	lr =	simm.s32 $0x1  }
0x2: {  	[smem:$0x3F9D] =	sst lr;
	_ =	strace $0xD0000000  }
0x3: {  	_ = 	snop  }
0x4: {  	_ = 	snop  }
0x5: {  	_ = 	snop  }
0x6: {  	_ = 	snop  }
0x7: {  	_ = 	snop  }
__scs_overlays_trampoline_lowered:
0x8: {  	[smem:$0x3FAC] =	sst s0  }
0x9: {  	[smem:$0x3FAD] =	sst s1  }
0xa: {  	[smem:$0x3FAE] =	sst s2  }
0xb: {  	[smem:$0x3FAF] =	sst s3  }
0xc: {  	[smem:$0x3FB0] =	sst s4  }
0xd: {  	[smem:$0x3FB1] =	sst s5  }
0xe: {  	[smem:$0x3FB2] =	sst s6  }
0xf: {  	[smem:$0x3FB3] =	sst s7  }
0x10: {  	[smem:$0x3FB4] =	sst s8  }
0x11: {  	[smem:$0x3FB5] =	sst s9;
	s0 =	simm.s32 @!p0 $0x0  }
0x12: {  	s1 =	sld [smem:$0x3F9B];
	s0 =	simm.s32 @p0 $0x1  }
0x13: {  	[smem:$0x3FB6] =	sst s0;
	s0 =	simm.s32 @!p1 $0x0  }
0x14: {  	s2 =	sld [smem:$0x3F9A];
	s0 =	simm.s32 @p1 $0x1  }
0x15: {  	[smem:$0x3FB7] =	sst s0;
	s0 =	simm.s32 @!p2 $0x0  }
0x16: {  	s3 =	sld [smem:$0x3FDB];
	s0 =	simm.s32 @p2 $0x1  }
0x17: {  	s4 =	simm.s32 $0x1BF5;
	[smem:$0x3FB9] =	sst s0  }
0x18: {  	s0 =	sld [smem:$0x3F9C];
	_ =	swait.ge [sflag:s4], $0x0  }
0x19: {  	s7 =	sld [smem:$0x3F9D]  }
0x1a: {  	s8 =	sadd.s32 $0xFFFFE003, lr  }
0x1b: {  	s9 =	sadd.s32 $0xFFFFFEF7, lr;
	s5 =	simm.s32 $0xFFFFFFFF;
	p2 =	slt.u32 s8, $0xFFFFF086  }
0x1c: {  	p1 =	slt.u32 s9, $0xF7A;
	s5 =	simm.s32 @!p2 $0x0  }
0x1d: {  	s5 =	simm.s32 @p1 $0x1;
	p0 =	seq.s32 s7, s2  }
0x1e: {  	s7 =	smul.u32 @!p0 $0xF7A, s2;
	p2 =	seq.s32 @!p0 s5, $0x0  }
0x1f: {  	s9 =	smul.u32 $0xF7A, s1;
	s8 =	simm.s32 @!p0 $0x1BF5;
	p2 =	por !p2, p0  }
0x20: {  	[sflag:s8] =	ssyncset.s32 @!p0 $0xFFFFF086;
	s6 =	sadd.s32 @!p0 s3, s7;
	s7 =	simm.s32 @!p0 $0x108  }
0x21: {  	s3 =	sadd.s32 s3, s9;
	s6 =	sadd.s32 @!p0 $0x88, s6;
	s7 =	simm.s32 @p2 $0x1082  }
0x22: {  	[simem:s7], [sflag:s8] =	dma.local @!p0 [hbm:s6], $0xF7A  }
0x23: {  	s9 =	sor.u32 $0xD0000000, s2;
	s6 =	simm.s32 $0x108;
	_ =	swait.ge @!p0 [sflag:s8], $0x0  }
0x24: {  	s3 =	sadd.s32 $0x88, s3;
	s6 =	simm.s32 @!p1 $0x1082;
	[sflag:s4] =	ssyncset.s32 $0xFFFFF086  }
0x25: {  	[simem:s6], [sflag:s4] =	dma.local [hbm:s3], $0xF7A  }
0x26: {  	[smem:$0x3F9D] =	sst s1;
	(tag) =	ssettag s2;
	_ =	strace s9  }
0x27: {  	s1 =	sld [smem:$0x3FAD]  }
0x28: {  	s2 =	sld [smem:$0x3FAE]  }
0x29: {  	s4 =	sld [smem:$0x3FB0]  }
0x2a: {  	p0 =	seq.s32 s5, $0x0;
	s5 =	sld [smem:$0x3FB1]  }
0x2b: {  	s6 =	sld [smem:$0x3FB2]  }
0x2c: {  	s7 =	sld [smem:$0x3FB3]  }
0x2d: {  	s3 =	simm.s32 $0x108;
	s8 =	sld [smem:$0x3FB4]  }
0x2e: {  	s3 =	simm.s32 @!p0 $0x1082;
	s9 =	sld [smem:$0x3FB5]  }
0x2f: {  	lr =	sadd.s32 s0, s3;
	s0 =	sld [smem:$0x3FAC]  }
0x30: {  	s3 =	sld [smem:$0x3FAF]  }
0x31: {  	[smem:$0x3FB8] =	sst s10  }
0x32: {  	s10 =	sld [smem:$0x3FB6];
	_ =	sdelay $0x3  }
0x33: {  	p0 =	seq.s32 s10, $0x1;
	s10 =	sld [smem:$0x3FB8];
	_ =	sdelay $0x3  }
0x34: {  	[smem:$0x3FB8] =	sst s10  }
0x35: {  	s10 =	sld [smem:$0x3FB7];
	_ =	sdelay $0x3  }
0x36: {  	p1 =	seq.s32 s10, $0x1;
	s10 =	sld [smem:$0x3FB8];
	_ =	sdelay $0x3  }
0x37: {  	[smem:$0x3FB8] =	sst s10  }
0x38: {  	s10 =	sld [smem:$0x3FB9]  }
0x39: {  	_ = 	snop;
	(pc) =	sbr.ind lr, $3  }
0x3a: {  	_ = 	snop  }
0x3b: {  	_ = 	snop  }
0x3c: {  	p2 =	seq.s32 s10, $0x1;
	s10 =	sld [smem:$0x3FB8]  }
0x3d: {  	_ =	shalt  }
0x3e: {  	_ =	shalt  }
0x3f: {  	_ =	shalt  }
0x40: {  	_ =	shalt  }
0x41: {  	_ =	shalt  }
0x42: {  	_ =	shalt  }
0x43: {  	_ =	shalt  }
0x44: {  	_ =	shalt  }
0x45: {  	_ =	shalt  }
0x46: {  	_ =	shalt  }
0x47: {  	_ =	shalt  }
0x48: {  	_ =	shalt  }
0x49: {  	_ =	shalt  }
0x4a: {  	_ =	shalt  }
0x4b: {  	_ =	shalt  }
0x4c: {  	_ =	shalt  }
0x4d: {  	_ =	shalt  }
0x4e: {  	_ =	shalt  }
0x4f: {  	_ =	shalt  }
0x50: {  	_ =	shalt  }
0x51: {  	_ =	shalt  }
0x52: {  	_ =	shalt  }
0x53: {  	_ =	shalt  }
0x54: {  	_ =	shalt  }
0x55: {  	_ =	shalt  }
0x56: {  	_ =	shalt  }
0x57: {  	_ =	shalt  }
0x58: {  	_ =	shalt  }
0x59: {  	_ =	shalt  }
0x5a: {  	_ =	shalt  }
0x5b: {  	_ =	shalt  }
0x5c: {  	_ =	shalt  }
0x5d: {  	_ =	shalt  }
0x5e: {  	_ =	shalt  }
0x5f: {  	_ =	shalt  }
0x60: {  	_ =	shalt  }
0x61: {  	_ =	shalt  }
0x62: {  	_ =	shalt  }
0x63: {  	_ =	shalt  }
0x64: {  	_ =	shalt  }
0x65: {  	_ =	shalt  }
0x66: {  	_ =	shalt  }
0x67: {  	_ =	shalt  }
0x68: {  	_ =	shalt  }
0x69: {  	_ =	shalt  }
0x6a: {  	_ =	shalt  }
0x6b: {  	_ =	shalt  }
0x6c: {  	_ =	shalt  }
0x6d: {  	_ =	shalt  }
0x6e: {  	_ =	shalt  }
0x6f: {  	_ =	shalt  }
0x70: {  	_ =	shalt  }
0x71: {  	_ =	shalt  }
0x72: {  	_ =	shalt  }
0x73: {  	_ =	shalt  }
0x74: {  	_ =	shalt  }
0x75: {  	_ =	shalt  }
0x76: {  	_ =	shalt  }
0x77: {  	_ =	shalt  }
0x78: {  	_ =	shalt  }
0x79: {  	_ =	shalt  }
0x7a: {  	_ =	shalt  }
0x7b: {  	_ =	shalt  }
0x7c: {  	_ =	shalt  }
0x7d: {  	_ =	shalt  }
0x7e: {  	_ =	shalt  }
0x7f: {  	_ =	shalt  }
0x80: {  	_ =	shalt  }
0x81: {  	_ =	shalt  }
0x82: {  	_ =	shalt  }
0x83: {  	_ =	shalt  }
0x84: {  	_ =	shalt  }
0x85: {  	_ =	shalt  }
0x86: {  	_ =	shalt  }
0x87: {  	_ =	shalt  }
.Lfunc_end0:
.L_simem_size_0:
called_computation_lowered:
.L_overlay_start_0:
0x88: {  	s2 =	sld [smem:$0x3FD9]  }
0x89: {  	s3 =	sld [smem:$0x3FFE];
	_ =	sdelay $0x1  }
0x8a: {  	s1 =	srdreg.scid  }
0x8b: {  	s0 =	sand.u32 $0x1, s1  }
0x8c: {  	s14 =	sshll.u32 s0, $0xA;
	s2 =	sadd.s32 s3, s2  }
0x8d: {  	s2 =	sadd.s32 s2, s14  }
0x8e: {  	[smem:$0x3FC4] =	sst s2  }
0x8f: {  	_ = 	snop  }
0x90: {  	s2 =	sld [smem:$0x3FD0];
	_ =	sdelay $0x2  }
0x91: {  	s15 =	simm.s32 $0xA;
	s4 =	simm.s32 $0x10  }
0x92: {  	[smem:s4], [sflag:s15] =	dma.local [hbm:s2], $0x1  }
0x93: {  	_ =	swait.eq [sflag:s15], $0x1  }
0x94: {  	[sflag:s15] =	ssyncset.done $0x0  }
0x95: {  	s16 =	sld [smem:$0x10];
	[sflag:s15] =	ssyncadd.s32 $0xFFFFFFFF  }
0x96: {  	s17 =	sld [smem:$0x12];
	(tm) =	ssettm $0x1  }
0x97: {  	s18 =	sld [smem:$0x3FFB];
	_ =	sdelay $0x3  }
0x98: {  	_ =	strace s18  }
0x99: {  	s4 =	sld [smem:$0x3FFC];
	_ =	sdelay $0x3  }
0x9a: {  	_ =	strace s4  }
0x9b: {  	s4 =	sld [smem:$0x3FFD];
	_ =	sdelay $0x3  }
0x9c: {  	_ =	strace s4  }
0x9d: {  	_ =	strace $0x8FFFFFFF  }
0x9e: {  	s19 =	sld [smem:$0x3FDB];
	_ =	sdelay $0x1  }
0x9f: {  	s5 =	simm.s32 $_scs_section_size  }
0xa0: {  	s6 =	simm.s32 $_size__tile_overlayer_lowered;
	s7 =	simm.s32 $_tile_overlayer_lowered  }
0xa1: {  	s22 =	simm.s32 $0x1BFF;
	s21 =	sshll.u32 s7, $0x1;
	s4 =	sadd.s32 s5, s19  }
0xa2: {  	s8 =	simm.s32 $0x0;
	s20 =	sshll.u32 s6, $0x1;
	s6 =	sadd.s32 s21, s4  }
0xa3: {  	[timem:s8], [sflag:s22] =	dma.local [hbm:s6], s20  }
0xa4: {  	_ =	swait.ge [sflag:s22], s20  }
0xa5: {  	s5 =	ssub.s32 $0x0, s20;
	[sflag:s22] =	ssyncset.done $0x0  }
0xa6: {  	[sflag:s22] =	ssyncadd.s32 s5;
	_ =	sdelay $0x1  }
0xa7: {  	s23 =	simm.s32 $0x1B8B  }
0xa8: {  	_ =	swait.ge [sflag:s23], $0x1  }
0xa9: {  	[sflag:s23] =	ssyncset.done $0x0  }
0xaa: {  	s25 =	simm.s32 $0x1B8E;
	s24 =	sld [smem:$0x3FFE];
	[sflag:s23] =	ssyncadd.s32 $0xFFFFFFFF  }
0xab: {  	s26 =	simm.s32 $execute0_lowered;
	[smem:$0x3FD2] =	sst s25  }
0xac: {  	s6 =	sshll.u32 s26, $0x1;
	_ =	strace $0x80000046;
	[dreg:$0x1] =	wrdreg $0xFFFFFFFF  }
0xad: {  	s28 =	simm.s32 $_size_execute0_lowered;
	s4 =	sadd.s32 s4, s6;
	[dreg:$0x0] =	wrdreg $0x0  }
0xae: {  	s6 =	sshll.u32 s28, $0x1;
	[dreg:$0x2] =	wrdreg s4  }
0xaf: {  	[dreg:$0x3] =	wrdreg s6  }
0xb0: {  	[dreg:$0x4] =	wrdreg $0xC0  }
0xb1: {  	_ =	task [dreg:s8], $0x5FFFF  }
0xb2: {  	[dreg:$0x1] =	wrdreg $0xFFFFFFFF  }
0xb3: {  	[dreg:$0x0] =	wrdreg $0x60  }
0xb4: {  	[dreg:$0x2] =	wrdreg s16  }
0xb5: {  	[dreg:$0x3] =	wrdreg s24  }
0xb6: {  	[dreg:$0x4] =	wrdreg s17  }
0xb7: {  	[dreg:$0x5] =	wrdreg $0x9  }
0xb8: {  	_ =	task.clear_ibuf [dreg:s8], $0x6FFFF;
	_ =	strace $0x90000046  }
0xb9: {  	s29 =	simm.s32 $0x9;
	_ =	strace $0x80000048  }
0xba: {  	_ =	swait.ge [sflag:s29], $0x1  }
0xbb: {  	[sflag:s29] =	ssyncadd.s32 $0xFFFFFFFF  }
0xbc: {  	_ =	strace $0x90000048  }
0xbd: {  	_ =	sfence  }
0xbe: {  	s30 =	sld [smem:$0x0];
	_ =	sdelay $0x2  }
0xbf: {  	s31 =	sshll.u32 s1, $0xD;
	s1 =	sshrl.u32 s1, $0x2  }
0xc0: {  	s3 =	sand.u32 $0x4000, s31;
	s1 =	sadd.s32 s1, s30  }
0xc1: {  	s0 =	sor.u32 s3, s0;
	s1 =	sshll.u32 s1, $0x11  }
0xc2: {  	s0 =	sor.u32 s1, s0  }
0xc3: {  	s0 =	sadd.s32 $0x8F2B, s0  }
0xc4: {  	[sflag:s0] =	ssyncadd.remote.s32 $0x1  }
0xc5: {  	_ =	sfence.sel $0xFFFF  }
0xc6: {  	[dreg:$0x0] =	wrdreg $0xFFFFFFFF;
	(pc) =	sbr.abs _section_cstart, $3  }
0xc7: {  	[dreg:$0x1] =	wrdreg $0xFFFFFFFF  }
0xc8: {  	_ =	task.clear_ibuf [dreg:s8], $0x2FFFF;
	_ =	strace $0x9FFFFFFF  }
0xc9: {  	(tm) =	ssettm $0x7FFFFFFF  }
tec
execute0_lowered:
.L_overlay_start_1:
0x0: {  	(tag) =	ssettag $0x1  }
0x1: {  	s3 =	rddreg [dreg:$0x0]  }
0x2: {  	s4 =	rddreg [dreg:$0x1]  }
0x3: {  	s5 =	rddreg [dreg:$0x2];
	s2 =	simm.s32 $0x0;
	vm0 =	vmmov $0x1;
	v8 =	vimm.s32 $0x0  }
0x4: {  	[smem:$0x7FF] =	sst s2;
	v8 =	vsel vm0, $0xFFFFFFFF, v8  }
0x5: {  	s0 =	rddreg [dreg:$0x3];
	vm14 =	vmmov $0x3;
	_ =	strace $0x80000047;
	[tilespmem:$0x1FF10] =	vst v8;
	v8 =	vimm.s32 $0x0  }
0x6: {  	v8 =	vsel vm14, $0xFFFFFFFF, v8  }
0x7: {  	vm15 =	vmmov $0x7;
	[tilespmem:$0x1FF20] =	vst v8;
	v8 =	vimm.s32 $0x0  }
0x8: {  	v8 =	vsel vm15, $0xFFFFFFFF, v8  }
0x9: {  	vm4 =	vmmov $0xf;
	[tilespmem:$0x1FF30] =	vst v8;
	v8 =	vimm.s32 $0x0  }
0xa: {  	v8 =	vsel vm4, $0xFFFFFFFF, v8  }
0xb: {  	v0 =	vimm.s32 $0xEFCDAB89;
	vm5 =	vmmov $0x1f;
	[tilespmem:$0x1FF40] =	vst v8;
	v8 =	vimm.s32 $0x0  }
0xc: {  	v1 =	vimm.s32 $0x67452301;
	v2 =	vimm.s32 $0xDCFE98BA;
	v8 =	vsel vm5, $0xFFFFFFFF, v8  }
0xd: {  	v3 =	vimm.s32 $0x54761032;
	vm6 =	vmmov $0x3f;
	[tilespmem:$0x1FF50] =	vst v8;
	v8 =	vimm.s32 $0x0  }
0xe: {  	v4 =	vimm.s32 $0xBA98FEDC;
	v5 =	vimm.s32 $0x32107654;
	v8 =	vsel vm6, $0xFFFFFFFF, v8  }
0xf: {  	v6 =	vimm.s32 $0xFEDCBA98;
	vm7 =	vmmov $0x7f;
	[tilespmem:$0x1FF60] =	vst v8;
	v8 =	vimm.s32 $0x0  }
0x10: {  	v7 =	vimm.s32 $0x76543210;
	vm8 =	vmmov $0xff;
	v8 =	vsel vm7, $0xFFFFFFFF, v8  }
0x11: {  	vm9 =	vmmov $0x1ff;
	vm10 =	vmmov $0x3ff;
	[tilespmem:$0x1FF70] =	vst v8;
	v8 =	vimm.s32 $0x0  }
0x12: {  	vm11 =	vmmov $0x7ff;
	vm12 =	vmmov $0xfff;
	v8 =	vsel vm8, $0xFFFFFFFF, v8  }
0x13: {  	vm13 =	vmmov $0x1fff;
	v0 =	vunpack.c.l.s4.s8 v0;
	[tilespmem:$0x1FF80] =	vst v8;
	v8 =	vimm.s32 $0x0  }
0x14: {  	v1 =	vunpack.c.l.s4.s8 v1;
	v2 =	vunpack.c.l.s4.s8 v2;
	v8 =	vsel vm9, $0xFFFFFFFF, v8  }
0x15: {  	v3 =	vunpack.c.l.s4.s8 v3;
	v4 =	vunpack.c.l.s4.s8 v4;
	[tilespmem:$0x1FF90] =	vst v8;
	v8 =	vimm.s32 $0x0  }
0x16: {  	v5 =	vunpack.c.l.s4.s8 v5;
	v6 =	vunpack.c.l.s4.s8 v6;
	v8 =	vsel vm10, $0xFFFFFFFF, v8  }
0x17: {  	v7 =	vunpack.c.l.s4.s8 v7;
	v0 =	vunpack.c.0.s8.s32 v0;
	[tilespmem:$0x1FFA0] =	vst v8;
	v8 =	vimm.s32 $0x0  }
0x18: {  	v1 =	vunpack.c.0.s8.s32 v1;
	v2 =	vunpack.c.0.s8.s32 v2;
	v8 =	vsel vm11, $0xFFFFFFFF, v8  }
0x19: {  	v3 =	vunpack.c.0.s8.s32 v3;
	v4 =	vunpack.c.0.s8.s32 v4;
	[tilespmem:$0x1FFB0] =	vst v8;
	v8 =	vimm.s32 $0x0  }
0x1a: {  	s6 =	srdreg.scid;
	s1 =	stileid.u32;
	v5 =	vunpack.c.0.s8.s32 v5;
	vm14 =	vmmov $0x3fff;
	v8 =	vsel vm12, $0xFFFFFFFF, v8  }
0x1b: {  	s6 =	sand.u32 $0x1, s6;
	s7 =	sshll.u32 s1, $0x1;
	v0 =	vcombine.low v1, v0;
	v1 =	vcombine.low v3, v2;
	[tilespmem:$0x1FFC0] =	vst v8;
	v8 =	vimm.s32 $0x0  }
0x1c: {  	s7 =	sor.u32 s6, s7;
	s6 =	ssub.s32 $0x2, s6;
	v2 =	vunpack.c.0.s8.s32 v6;
	v3 =	vcombine.low v5, v4;
	v8 =	vsel vm13, $0xFFFFFFFF, v8  }
0x1d: {  	s8 =	sshll.u32 s7, $0x4;
	s7 =	sshll.u32 s7, $0x1;
	s9 =	sshrl.u32 s6, $0x1;
	v4 =	vunpack.c.0.s8.s32 v7;
	vm15 =	vmmov $0x7fff;
	[tilespmem:$0x1FFD0] =	vst v8;
	v8 =	vimm.s32 $0x0  }
0x1e: {  	s10 =	sadd.s32 s8, s4;
	s11 =	sadd.s32 s7, s4;
	s9 =	ssub.s32 s6, s9;
	v0 =	vand.u32 $0xF, v0;
	v1 =	vand.u32 $0xF, v1;
	v8 =	vsel vm14, $0xFFFFFFFF, v8  }
0x1f: {  	s3 =	sadd.s32 s3, s8;
	s5 =	sadd.s32 s5, s7;
	s8 =	simm.s32 $0x1;
	v5 =	vand.u32 $0xF, v2;
	v2 =	vand.u32 $0xF, v3;
	[tilespmem:$0x1FFE0] =	vst v8;
	v8 =	vimm.s32 $0x0  }
0x20: {  	s4 =	sadd.s32 $0x1000, s10;
	s6 =	sadd.s32 $0xE00, s11;
	s7 =	smax.u32 s9, $0x1;
	v3 =	vcombine.low v5, v4;
	v4 =	vlaneseq.u32;
	v8 =	vsel vm15, $0xFFFFFFFF, v8  }
0x21: {  	s9 =	simm.s32 $0x80;
	s10 =	simm.s32 $0x100;
	s11 =	simm.s32 $0x180;
	v5 =	vor.u32 $0x30, v4;
	v6 =	vor.u32 $0x20, v4;
	v7 =	vor.u32 $0x10, v4;
	[tilespmem:$0x1FFF0] =	vst v8  }
.LBB2_1:
0x22: {  	[tilespmem:s2], [sflag:$0x1] =	stream.linear.gather [hbm4b:s3+s2], $0x80, $0x38;
	[tilespmem:$0x200] =	vst v63  }
0x23: {  	_ =	swait.ge [sflag:s8], $0x80  }
0x24: {  	[sflag:s8] =	ssyncset.done $0x0  }
0x25: {  	[sflag:s8] =	ssyncadd.s32 $0xFFFFFF80  }
0x26: {  	v9 =	vld [tilespmem:$0x0]  }
0x27: {  	v11 =	vld [tilespmem:$0x10]  }
0x28: {  	v12 =	vld [tilespmem:$0x20]  }
0x29: {  	v13 =	vld [tilespmem:$0x30];
	_ =	sdelay $0x2  }
0x2a: {  	v8 =	vmax.f32 v9, v11  }
0x2b: {  	v8 =	vmax.f32 v8, v12  }
0x2c: {  	v8 =	vmax.f32 v8, v13  }
0x2d: {  	v10 =	vperm.xlane v8, v0;
	_ =	sdelay $0x1  }
0x2e: {  	v8 =	vmax.f32 v8, v10  }
0x2f: {  	v10 =	vperm.xlane v8, v1;
	_ =	sdelay $0x1  }
0x30: {  	v8 =	vmax.f32 v8, v10  }
0x31: {  	v10 =	vperm.xlane v8, v2;
	_ =	sdelay $0x1  }
0x32: {  	v8 =	vmax.f32 v8, v10  }
0x33: {  	v10 =	vperm.xlane v8, v3;
	_ =	sdelay $0x1  }
0x34: {  	v8 =	vmax.f32 v8, v10  }
0x35: {  	vm0 =	veq.f32 v13, v8  }
0x36: {  	vm1 =	veq.f32 v12, v8;
	v54 =	vnsel vm0, $0x40, v5  }
0x37: {  	vm12 =	veq.f32 v11, v8;
	v10 =	vsel vm1, v6, v54  }
0x38: {  	vm13 =	veq.f32 v9, v8;
	v10 =	vsel vm12, v7, v10  }
0x39: {  	v10 =	vsel vm13, v4, v10  }
0x3a: {  	v14 =	vperm.xlane v10, v0;
	_ =	sdelay $0x1  }
0x3b: {  	vm14 =	vlt.s32 v10, v14  }
0x3c: {  	v10 =	vsel vm14, v10, v14  }
0x3d: {  	v15 =	vld [tilespmem:$0x40];
	v14 =	vperm.xlane v10, v1  }
0x3e: {  	v16 =	vld [tilespmem:$0x50]  }
0x3f: {  	v55 =	vld [tilespmem:$0x60];
	vm0 =	vlt.s32 v10, v14  }
0x40: {  	v18 =	vld [tilespmem:$0x70];
	v10 =	vsel vm0, v10, v14  }
0x41: {  	v17 =	vperm.xlane v10, v2;
	_ =	sdelay $0x1  }
0x42: {  	v56 =	vmax.f32 v15, v16;
	vm0 =	vlt.s32 v10, v17  }
0x43: {  	v10 =	vsel vm0, v10, v17;
	v17 =	vmax.f32 v56, v55  }
0x44: {  	v19 =	vperm.xlane v10, v3;
	v17 =	vmax.f32 v17, v18  }
0x45: {  	v20 =	vperm.xlane v17, v0  }
0x46: {  	vm0 =	vlt.s32 v10, v19  }
0x47: {  	v10 =	vsel vm0, v10, v19;
	v17 =	vmax.f32 v17, v20  }
0x48: {  	vm0 =	veq.s32 v10, v4;
	vm15 =	veq.s32 v10, v7;
	vm7 =	veq.s32 v10, v6  }
0x49: {  	v59 =	vperm.xlane v17, v1;
	v60 =	vsel vm0, $0xFF800000, v9;
	v21 =	vsel vm15, $0xFF800000, v11  }
0x4a: {  	vm8 =	veq.s32 v10, v5;
	v22 =	vsel vm7, $0xFF800000, v12;
	v9 =	vmax.f32 v60, v21  }
0x4b: {  	v13 =	vsel vm8, $0xFF800000, v13;
	v61 =	vmax.f32 v17, v59;
	v9 =	vmax.f32 v9, v22  }
0x4c: {  	v62 =	vperm.xlane v61, v2;
	v9 =	vmax.f32 v9, v13  }
0x4d: {  	v63 =	vperm.xlane v9, v0  }
0x4e: {  	v11 =	vmax.f32 v61, v62  }
0x4f: {  	v12 =	vperm.xlane v11, v3;
	v17 =	vmax.f32 v9, v63  }
0x50: {  	v23 =	vperm.xlane v17, v1  }
0x51: {  	v9 =	vmax.f32 v11, v12  }
0x52: {  	vm6 =	veq.f32 v18, v9;
	v24 =	vmax.f32 v17, v23  }
0x53: {  	vm9 =	veq.f32 v55, v9;
	v25 =	vnsel vm6, $0x40, v5;
	v17 =	vperm.xlane v24, v2  }
0x54: {  	vm10 =	veq.f32 v16, v9;
	v12 =	vsel vm9, v6, v25  }
0x55: {  	vm11 =	veq.f32 v15, v9;
	v12 =	vsel vm10, v7, v12;
	v11 =	vmax.f32 v24, v17  }
0x56: {  	v12 =	vsel vm11, v4, v12;
	v17 =	vperm.xlane v11, v3  }
0x57: {  	v57 =	vimm.s32 $0x0;
	v26 =	vperm.xlane v12, v0  }
0x58: {  	v58 =	vimm.s32 $0x0;
	v19 =	vsel vm0, $0xFFFFFFFF, v57;
	v11 =	vmax.f32 v11, v17  }
0x59: {  	[tilespmem:$0x1FCA0] =	vst v19;
	v19 =	vsel vm15, $0xFFFFFFFF, v58;
	vm12 =	vlt.s32 v12, v26;
	vm13 =	veq.f32 v13, v11  }
0x5a: {  	v12 =	vsel vm12, v12, v26;
	vm14 =	veq.f32 v22, v11;
	v27 =	vnsel vm13, $0x40, v5  }
0x5b: {  	[tilespmem:$0x1FCB0] =	vst v19;
	vm15 =	veq.f32 v21, v11;
	v19 =	vperm.xlane v12, v1;
	v17 =	vsel vm14, v6, v27  }
0x5c: {  	vm4 =	veq.f32 v60, v11;
	v17 =	vsel vm15, v7, v17  }
0x5d: {  	vm5 =	vlt.s32 v12, v19;
	v17 =	vsel vm4, v4, v17  }
0x5e: {  	v12 =	vsel vm5, v12, v19;
	v28 =	vperm.xlane v17, v0  }
0x5f: {  	v23 =	vperm.xlane v12, v2  }
0x60: {  	vm0 =	vlt.s32 v17, v28  }
0x61: {  	vm1 =	vlt.s32 v12, v23;
	v17 =	vsel vm0, v17, v28  }
0x62: {  	v12 =	vsel vm1, v12, v23;
	v19 =	vperm.xlane v17, v1  }
0x63: {  	v23 =	vperm.xlane v12, v3  }
0x64: {  	vm0 =	vlt.s32 v17, v19  }
0x65: {  	vm1 =	vlt.s32 v12, v23;
	v17 =	vsel vm0, v17, v19  }
0x66: {  	v33 =	vimm.s32 $0x0;
	v12 =	vsel vm1, v12, v23;
	v19 =	vperm.xlane v17, v2  }
0x67: {  	vm1 =	veq.s32 v12, v4;
	vm6 =	veq.s32 v12, v7;
	vm9 =	veq.s32 v12, v6  }
0x68: {  	vm10 =	veq.s32 v12, v5;
	v31 =	vsel vm1, $0xFF800000, v15;
	v24 =	vsel vm6, $0xFF800000, v16  }
0x69: {  	v25 =	vsel vm9, $0xFF800000, v55;
	v14 =	vsel vm10, $0xFFFFFFFF, v33;
	v34 =	vmax.f32 v31, v24  }
0x6a: {  	v18 =	vsel vm10, $0xFF800000, v18;
	[tilespmem:$0x1FDE0] =	vst v14;
	vm11 =	vlt.s32 v17, v19;
	v14 =	vmax.f32 v34, v25  }
0x6b: {  	v35 =	vsel vm11, v17, v19;
	v14 =	vmax.f32 v14, v18  }
0x6c: {  	v36 =	vperm.xlane v35, v3;
	v37 =	vperm.xlane v14, v0  }
0x6d: {  	v29 =	vimm.s32 $0x0;
	v30 =	vimm.s32 $0x0;
	v32 =	vimm.s32 $0x0  }
0x6e: {  	v39 =	vimm.s32 $0x0;
	vm0 =	vlt.s32 v35, v36;
	v17 =	vmax.f32 v14, v37  }
0x6f: {  	v41 =	vimm.s32 $0x0;
	v14 =	vsel vm0, v35, v36;
	v38 =	vperm.xlane v17, v1  }
0x70: {  	v43 =	vimm.s32 $0x0;
	v15 =	vsel vm9, $0xFFFFFFFF, v32;
	vm0 =	veq.s32 v14, v4  }
0x71: {  	[tilespmem:$0x1FDD0] =	vst v15;
	vm12 =	veq.s32 v14, v7;
	vm13 =	veq.s32 v14, v6;
	v15 =	vmax.f32 v17, v38  }
0x72: {  	v40 =	vsel vm0, $0xFF800000, v60;
	v42 =	vsel vm12, $0xFF800000, v21;
	v44 =	vperm.xlane v15, v2  }
0x73: {  	vm14 =	veq.s32 v14, v5;
	v45 =	vsel vm13, $0xFF800000, v22;
	v47 =	vmax.f32 v40, v42  }
0x74: {  	v48 =	vsel vm14, $0xFF800000, v13;
	v49 =	vmax.f32 v47, v45;
	v15 =	vmax.f32 v15, v44  }
0x75: {  	v23 =	vsel vm1, $0xFFFFFFFF, v29;
	v50 =	vmax.f32 v49, v48;
	v51 =	vperm.xlane v15, v3  }
0x76: {  	v46 =	vimm.s32 $0x0;
	[tilespmem:$0x1FDB0] =	vst v23;
	v16 =	vsel vm0, $0xFFFFFFFF, v39;
	v52 =	vperm.xlane v50, v0  }
0x77: {  	v21 =	vsel vm14, $0xFFFFFFFF, v46;
	[tilespmem:$0x1FCC0] =	vst v16;
	v16 =	vsel vm12, $0xFFFFFFFF, v41;
	v13 =	vmax.f32 v15, v51  }
0x78: {  	[tilespmem:$0x1FCD0] =	vst v16;
	v16 =	vsel vm13, $0xFFFFFFFF, v43;
	v53 =	vmax.f32 v50, v52;
	vm15 =	veq.f32 v18, v13  }
0x79: {  	[tilespmem:$0x1FCE0] =	vst v16;
	v16 =	vperm.xlane v53, v1;
	vm4 =	veq.f32 v25, v13;
	v54 =	vnsel vm15, $0x40, v5  }
0x7a: {  	v23 =	vsel vm6, $0xFFFFFFFF, v30;
	[tilespmem:$0x1FCF0] =	vst v21;
	vm5 =	veq.f32 v24, v13;
	v21 =	vsel vm4, v6, v54  }
0x7b: {  	vm6 =	veq.f32 v31, v13;
	v15 =	vmax.f32 v53, v16;
	v55 =	vsel vm5, v7, v21  }
0x7c: {  	v56 =	vperm.xlane v15, v2;
	v16 =	vsel vm6, v4, v55  }
0x7d: {  	v26 =	vperm.xlane v16, v0  }
0x7e: {  	v15 =	vmax.f32 v15, v56  }
0x7f: {  	v21 =	vperm.xlane v15, v3;
	vm9 =	vlt.s32 v16, v26  }
0x80: {  	v26 =	vsel vm9, v16, v26  }
0x81: {  	v16 =	vmax.f32 v15, v21;
	v57 =	vperm.xlane v26, v1  }
0x82: {  	vm10 =	veq.f32 v48, v16  }
0x83: {  	vm11 =	veq.f32 v45, v16;
	v58 =	vnsel vm10, $0x40, v5;
	vm12 =	vlt.s32 v26, v57  }
0x84: {  	vm2 =	veq.f32 v42, v16;
	v21 =	vsel vm11, v6, v58;
	v15 =	vsel vm12, v26, v57  }
0x85: {  	vm13 =	veq.f32 v40, v16;
	v21 =	vsel vm2, v7, v21;
	v26 =	vperm.xlane v15, v2  }
0x86: {  	v21 =	vsel vm13, v4, v21  }
0x87: {  	v27 =	vperm.xlane v21, v0;
	vm14 =	vlt.s32 v15, v26  }
0x88: {  	v15 =	vsel vm14, v15, v26  }
0x89: {  	vm15 =	vlt.s32 v21, v27;
	v26 =	vperm.xlane v15, v3  }
0x8a: {  	v21 =	vsel vm15, v21, v27  }
0x8b: {  	v27 =	vperm.xlane v21, v1;
	vm4 =	vlt.s32 v15, v26  }
0x8c: {  	v59 =	vimm.s32 $0x0;
	v28 =	vimm.s32 $0x0;
	v15 =	vsel vm4, v15, v26  }
0x8d: {  	vm5 =	vlt.s32 v21, v27;
	vm6 =	veq.s32 v15, v4;
	vm9 =	veq.s32 v15, v7  }
0x8e: {  	[tilespmem:$0x1FDC0] =	vst v23;
	vm10 =	veq.s32 v15, v6;
	v23 =	vsel vm6, $0xFF800000, v31;
	v24 =	vsel vm9, $0xFF800000, v24  }
0x8f: {  	vm11 =	veq.s32 v15, v5;
	v25 =	vsel vm10, $0xFF800000, v25;
	v62 =	vmax.f32 v23, v24  }
0x90: {  	v21 =	vsel vm5, v21, v27;
	v63 =	vsel vm11, $0xFF800000, v18;
	v31 =	vmax.f32 v62, v25  }
0x91: {  	v26 =	vsel vm6, $0xFFFFFFFF, v59;
	v32 =	vperm.xlane v21, v2;
	v18 =	vmax.f32 v31, v63  }
0x92: {  	v60 =	vimm.s32 $0x0;
	v28 =	vsel vm11, $0xFFFFFFFF, v28;
	[tilespmem:$0x1FDF0] =	vst v26;
	v33 =	vperm.xlane v18, v0  }
0x93: {  	v61 =	vimm.s32 $0x0;
	v26 =	vsel vm9, $0xFFFFFFFF, v60;
	[tilespmem:$0x1FE20] =	vst v28;
	vm0 =	vlt.s32 v21, v32  }
0x94: {  	[tilespmem:$0x1FE00] =	vst v26;
	v26 =	vsel vm10, $0xFFFFFFFF, v61;
	v21 =	vsel vm0, v21, v32;
	v18 =	vmax.f32 v18, v33  }
0x95: {  	[tilespmem:$0x1FE10] =	vst v26;
	v26 =	vperm.xlane v21, v3;
	v28 =	vperm.xlane v18, v1;
	_ =	sdelay $0x1  }
0x96: {  	vm0 =	vlt.s32 v21, v26;
	v28 =	vmax.f32 v18, v28  }
0x97: {  	v18 =	vsel vm0, v21, v26;
	v34 =	vperm.xlane v28, v2  }
0x98: {  	vm15 =	veq.s32 v18, v4;
	vm12 =	veq.s32 v18, v7;
	vm0 =	veq.s32 v18, v6  }
0x99: {  	vm13 =	veq.s32 v18, v5;
	v37 =	vsel vm15, $0xFF800000, v40;
	v29 =	vsel vm12, $0xFF800000, v42  }
0x9a: {  	v30 =	vsel vm0, $0xFF800000, v45;
	v17 =	vmax.f32 v37, v29;
	v38 =	vmax.f32 v28, v34  }
0x9b: {  	v40 =	vsel vm13, $0xFF800000, v48;
	v17 =	vmax.f32 v17, v30;
	v41 =	vperm.xlane v38, v3  }
0x9c: {  	v22 =	vmax.f32 v17, v40  }
0x9d: {  	v42 =	vperm.xlane v22, v0;
	v17 =	vmax.f32 v38, v41  }
0x9e: {  	v39 =	vimm.s32 $0x0;
	vm14 =	veq.f32 v63, v17  }
0x9f: {  	vm4 =	veq.f32 v25, v17;
	v43 =	vnsel vm14, $0x40, v5;
	v44 =	vmax.f32 v22, v42  }
0xa0: {  	vm5 =	veq.f32 v24, v17;
	v19 =	vsel vm4, v6, v43;
	v22 =	vperm.xlane v44, v1  }
0xa1: {  	v20 =	vsel vm13, $0xFFFFFFFF, v39;
	vm6 =	veq.f32 v23, v17;
	v19 =	vsel vm5, v7, v19  }
0xa2: {  	[tilespmem:$0x1FD20] =	vst v20;
	v19 =	vsel vm6, v4, v19;
	v20 =	vmax.f32 v44, v22  }
0xa3: {  	v35 =	vimm.s32 $0x0;
	v22 =	vperm.xlane v20, v2;
	v45 =	vperm.xlane v19, v0  }
0xa4: {  	v36 =	vimm.s32 $0x0;
	v26 =	vsel vm12, $0xFFFFFFFF, v35  }
0xa5: {  	[tilespmem:$0x1FD00] =	vst v26;
	v26 =	vsel vm0, $0xFFFFFFFF, v36;
	v20 =	vmax.f32 v20, v22;
	vm0 =	vlt.s32 v19, v45  }
0xa6: {  	v19 =	vsel vm0, v19, v45;
	v22 =	vperm.xlane v20, v3  }
0xa7: {  	v28 =	vperm.xlane v19, v1  }
0xa8: {  	v20 =	vmax.f32 v20, v22  }
0xa9: {  	vm9 =	veq.f32 v40, v20;
	vm10 =	vlt.s32 v19, v28  }
0xaa: {  	vm11 =	veq.f32 v30, v20;
	v46 =	vnsel vm9, $0x40, v5;
	v19 =	vsel vm10, v19, v28  }
0xab: {  	vm12 =	veq.f32 v29, v20;
	v22 =	vsel vm11, v6, v46;
	v28 =	vperm.xlane v19, v2  }
0xac: {  	vm13 =	veq.f32 v37, v20;
	v22 =	vsel vm12, v7, v22  }
0xad: {  	v22 =	vsel vm13, v4, v22;
	vm14 =	vlt.s32 v19, v28  }
0xae: {  	v19 =	vsel vm14, v19, v28;
	v47 =	vperm.xlane v22, v0  }
0xaf: {  	v31 =	vperm.xlane v19, v3  }
0xb0: {  	vm4 =	vlt.s32 v22, v47  }
0xb1: {  	v49 =	vimm.s32 $0x0;
	v22 =	vsel vm4, v22, v47;
	vm5 =	vlt.s32 v19, v31  }
0xb2: {  	v48 =	vimm.s32 $0x0;
	v19 =	vsel vm5, v19, v31;
	v28 =	vperm.xlane v22, v1  }
0xb3: {  	vm6 =	veq.s32 v19, v4;
	vm9 =	veq.s32 v19, v7;
	vm0 =	veq.s32 v19, v6  }
0xb4: {  	vm11 =	veq.s32 v19, v5;
	v51 =	vsel vm6, $0xFF800000, v23;
	v32 =	vsel vm9, $0xFF800000, v24  }
0xb5: {  	v25 =	vsel vm0, $0xFF800000, v25;
	vm10 =	vlt.s32 v22, v28;
	v23 =	vmax.f32 v51, v32  }
0xb6: {  	v27 =	vsel vm11, $0xFF800000, v63;
	v22 =	vsel vm10, v22, v28;
	v23 =	vmax.f32 v23, v25  }
0xb7: {  	v31 =	vsel vm6, $0xFFFFFFFF, v48;
	v53 =	vperm.xlane v22, v2;
	v23 =	vmax.f32 v23, v27  }
0xb8: {  	v50 =	vimm.s32 $0x0;
	[tilespmem:$0x1FE30] =	vst v31;
	v31 =	vsel vm9, $0xFFFFFFFF, v49;
	v54 =	vperm.xlane v23, v0  }
0xb9: {  	v52 =	vimm.s32 $0x0;
	[tilespmem:$0x1FE40] =	vst v31;
	v31 =	vsel vm0, $0xFFFFFFFF, v50;
	vm0 =	vlt.s32 v22, v53  }
0xba: {  	v24 =	vsel vm11, $0xFFFFFFFF, v52;
	v22 =	vsel vm0, v22, v53;
	v23 =	vmax.f32 v23, v54  }
0xbb: {  	[tilespmem:$0x1FE60] =	vst v24;
	v24 =	vperm.xlane v22, v3;
	v28 =	vperm.xlane v23, v1;
	_ =	sdelay $0x1  }
0xbc: {  	vm0 =	vlt.s32 v22, v24;
	v23 =	vmax.f32 v23, v28  }
0xbd: {  	v22 =	vsel vm0, v22, v24;
	v55 =	vperm.xlane v23, v2  }
0xbe: {  	vm12 =	veq.s32 v22, v4;
	vm13 =	veq.s32 v22, v7;
	vm0 =	veq.s32 v22, v6  }
0xbf: {  	vm14 =	veq.s32 v22, v5;
	v59 =	vsel vm12, $0xFF800000, v37;
	v29 =	vsel vm13, $0xFF800000, v29  }
0xc0: {  	[tilespmem:$0x1FD10] =	vst v26;
	v30 =	vsel vm0, $0xFF800000, v30;
	v26 =	vmax.f32 v59, v29;
	v23 =	vmax.f32 v23, v55  }
0xc1: {  	v33 =	vsel vm14, $0xFF800000, v40;
	v61 =	vmax.f32 v26, v30;
	v62 =	vperm.xlane v23, v3  }
0xc2: {  	v26 =	vmax.f32 v61, v33  }
0xc3: {  	v34 =	vperm.xlane v26, v0;
	v21 =	vmax.f32 v23, v62  }
0xc4: {  	v56 =	vimm.s32 $0x0;
	v60 =	vimm.s32 $0x0;
	vm4 =	veq.f32 v27, v21  }
0xc5: {  	vm5 =	veq.f32 v25, v21;
	v63 =	vnsel vm4, $0x40, v5;
	v35 =	vmax.f32 v26, v34  }
0xc6: {  	vm6 =	veq.f32 v32, v21;
	v23 =	vsel vm5, v6, v63;
	v26 =	vperm.xlane v35, v1  }
0xc7: {  	v24 =	vsel vm14, $0xFFFFFFFF, v60;
	vm9 =	veq.f32 v51, v21;
	v23 =	vsel vm6, v7, v23  }
0xc8: {  	v57 =	vimm.s32 $0x0;
	[tilespmem:$0x1FD60] =	vst v24;
	v23 =	vsel vm9, v4, v23;
	v24 =	vmax.f32 v35, v26  }
0xc9: {  	v28 =	vsel vm12, $0xFFFFFFFF, v56;
	v26 =	vperm.xlane v24, v2;
	v36 =	vperm.xlane v23, v0  }
0xca: {  	v58 =	vimm.s32 $0x0;
	[tilespmem:$0x1FD30] =	vst v28;
	v28 =	vsel vm13, $0xFFFFFFFF, v57  }
0xcb: {  	[tilespmem:$0x1FD40] =	vst v28;
	v28 =	vsel vm0, $0xFFFFFFFF, v58;
	v24 =	vmax.f32 v24, v26;
	vm0 =	vlt.s32 v23, v36  }
0xcc: {  	v23 =	vsel vm0, v23, v36;
	v26 =	vperm.xlane v24, v3  }
0xcd: {  	v34 =	vperm.xlane v23, v1  }
0xce: {  	v24 =	vmax.f32 v24, v26  }
0xcf: {  	vm10 =	veq.f32 v33, v24;
	vm11 =	vlt.s32 v23, v34  }
0xd0: {  	vm12 =	veq.f32 v30, v24;
	v37 =	vnsel vm10, $0x40, v5;
	v23 =	vsel vm11, v23, v34  }
0xd1: {  	vm13 =	veq.f32 v29, v24;
	v26 =	vsel vm12, v6, v37;
	v34 =	vperm.xlane v23, v2  }
0xd2: {  	vm14 =	veq.f32 v59, v24;
	v26 =	vsel vm13, v7, v26  }
0xd3: {  	v26 =	vsel vm14, v4, v26;
	vm4 =	vlt.s32 v23, v34  }
0xd4: {  	v23 =	vsel vm4, v23, v34;
	v38 =	vperm.xlane v26, v0  }
0xd5: {  	v35 =	vperm.xlane v23, v3  }
0xd6: {  	vm5 =	vlt.s32 v26, v38  }
0xd7: {  	v39 =	vimm.s32 $0x0;
	v26 =	vsel vm5, v26, v38;
	vm6 =	vlt.s32 v23, v35  }
0xd8: {  	v41 =	vimm.s32 $0x0;
	v23 =	vsel vm6, v23, v35;
	v34 =	vperm.xlane v26, v1  }
0xd9: {  	v40 =	vimm.s32 $0x0;
	vm9 =	veq.s32 v23, v4;
	vm10 =	veq.s32 v23, v7  }
0xda: {  	[tilespmem:$0x1FE50] =	vst v31;
	vm0 =	veq.s32 v23, v6;
	v35 =	vsel vm9, $0xFFFFFFFF, v39;
	vm11 =	vlt.s32 v26, v34  }
0xdb: {  	v31 =	vsel vm9, $0xFF800000, v51;
	[tilespmem:$0x1FE70] =	vst v35;
	v35 =	vsel vm10, $0xFFFFFFFF, v40;
	v26 =	vsel vm11, v26, v34  }
0xdc: {  	v32 =	vsel vm10, $0xFF800000, v32;
	[tilespmem:$0x1FE80] =	vst v35;
	v35 =	vsel vm0, $0xFFFFFFFF, v41;
	v43 =	vperm.xlane v26, v2  }
0xdd: {  	vm12 =	veq.s32 v23, v5;
	v42 =	vmax.f32 v31, v32;
	[tilespmem:$0x1FE90] =	vst v35;
	v35 =	vsel vm0, $0xFF800000, v25  }
0xde: {  	v34 =	vsel vm12, $0xFF800000, v27;
	v25 =	vmax.f32 v42, v35;
	vm0 =	vlt.s32 v26, v43  }
0xdf: {  	v25 =	vmax.f32 v25, v34;
	v26 =	vsel vm0, v26, v43  }
0xe0: {  	v44 =	vperm.xlane v25, v0;
	v27 =	vperm.xlane v26, v3  }
0xe1: {  	v36 =	vimm.s32 $0x0  }
0xe2: {  	v36 =	vsel vm12, $0xFFFFFFFF, v36;
	v25 =	vmax.f32 v25, v44;
	vm0 =	vlt.s32 v26, v27  }
0xe3: {  	[tilespmem:$0x1FEA0] =	vst v36;
	v36 =	vperm.xlane v25, v1;
	v26 =	vsel vm0, v26, v27  }
0xe4: {  	v50 =	vimm.s32 $0x0;
	vm13 =	veq.s32 v26, v4;
	vm0 =	veq.s32 v26, v7  }
0xe5: {  	vm14 =	veq.s32 v26, v6;
	vm4 =	veq.s32 v26, v5;
	v25 =	vmax.f32 v25, v36  }
0xe6: {  	v49 =	vsel vm13, $0xFF800000, v59;
	v29 =	vsel vm0, $0xFF800000, v29;
	v45 =	vperm.xlane v25, v2  }
0xe7: {  	[tilespmem:$0x1FD50] =	vst v28;
	v37 =	vsel vm14, $0xFF800000, v30;
	v27 =	vsel vm4, $0xFFFFFFFF, v50;
	v28 =	vmax.f32 v49, v29  }
0xe8: {  	v33 =	vsel vm4, $0xFF800000, v33;
	v51 =	vmax.f32 v28, v37;
	v25 =	vmax.f32 v25, v45  }
0xe9: {  	[tilespmem:$0x1FDA0] =	vst v27;
	v27 =	vmax.f32 v51, v33;
	v52 =	vperm.xlane v25, v3  }
0xea: {  	v53 =	vperm.xlane v27, v0  }
0xeb: {  	v25 =	vmax.f32 v25, v52  }
0xec: {  	v27 =	vmax.f32 v27, v53;
	vm5 =	veq.f32 v34, v25  }
0xed: {  	vm6 =	veq.f32 v35, v25;
	v30 =	vperm.xlane v27, v1;
	v54 =	vnsel vm5, $0x40, v5  }
0xee: {  	vm9 =	veq.f32 v32, v25;
	v28 =	vsel vm6, v6, v54  }
0xef: {  	vm10 =	veq.f32 v31, v25;
	v27 =	vmax.f32 v27, v30;
	v28 =	vsel vm9, v7, v28  }
0xf0: {  	v30 =	vperm.xlane v27, v2;
	v28 =	vsel vm10, v4, v28  }
0xf1: {  	v46 =	vimm.s32 $0x0;
	v38 =	vperm.xlane v28, v0  }
0xf2: {  	v47 =	vimm.s32 $0x0;
	v36 =	vsel vm13, $0xFFFFFFFF, v46;
	v27 =	vmax.f32 v27, v30  }
0xf3: {  	[tilespmem:$0x1FD70] =	vst v36;
	v36 =	vsel vm0, $0xFFFFFFFF, v47;
	v56 =	vperm.xlane v27, v3;
	vm0 =	vlt.s32 v28, v38  }
0xf4: {  	v55 =	vsel vm0, v28, v38  }
0xf5: {  	v48 =	vimm.s32 $0x0;
	v28 =	vmax.f32 v27, v56;
	v38 =	vperm.xlane v55, v1  }
0xf6: {  	[tilespmem:$0x1FD80] =	vst v36;
	v36 =	vsel vm14, $0xFFFFFFFF, v48;
	vm11 =	veq.f32 v33, v28  }
0xf7: {  	vm13 =	veq.f32 v37, v28;
	v57 =	vnsel vm11, $0x40, v5;
	vm12 =	vlt.s32 v55, v38  }
0xf8: {  	vm14 =	veq.f32 v29, v28;
	v27 =	vsel vm13, v6, v57;
	v30 =	vsel vm12, v55, v38  }
0xf9: {  	vm4 =	veq.f32 v49, v28;
	v27 =	vsel vm14, v7, v27;
	v38 =	vperm.xlane v30, v2  }
0xfa: {  	v27 =	vsel vm4, v4, v27  }
0xfb: {  	v58 =	vperm.xlane v27, v0;
	vm5 =	vlt.s32 v30, v38  }
0xfc: {  	v30 =	vsel vm5, v30, v38  }
0xfd: {  	vm6 =	vlt.s32 v27, v58;
	v39 =	vperm.xlane v30, v3  }
0xfe: {  	v38 =	vsel vm6, v27, v58  }
0xff: {  	v59 =	vperm.xlane v38, v1;
	vm9 =	vlt.s32 v30, v39  }
0x100: {  	v60 =	vimm.s32 $0x0;
	v27 =	vsel vm9, v30, v39  }
0x101: {  	v44 =	vimm.s32 $0x0;
	vm12 =	vlt.s32 v38, v59;
	vm0 =	veq.s32 v27, v4  }
0x102: {  	vm10 =	veq.s32 v27, v7;
	vm11 =	veq.s32 v27, v6;
	v30 =	vsel vm12, v38, v59  }
0x103: {  	vm13 =	veq.s32 v27, v5;
	v39 =	vsel vm0, $0xFFFFFFFF, v60;
	v45 =	vperm.xlane v30, v2  }
0x104: {  	v63 =	vsel vm0, $0xFF800000, v31;
	v40 =	vsel vm10, $0xFF800000, v32;
	v35 =	vsel vm11, $0xFF800000, v35  }
0x105: {  	v32 =	vsel vm13, $0xFFFFFFFF, v44;
	v31 =	vmax.f32 v63, v40;
	vm0 =	vlt.s32 v30, v45  }
0x106: {  	v34 =	vsel vm13, $0xFF800000, v34;
	v31 =	vmax.f32 v31, v35;
	v30 =	vsel vm0, v30, v45  }
0x107: {  	[tilespmem:$0x1FEE0] =	vst v32;
	v31 =	vmax.f32 v31, v34;
	v32 =	vperm.xlane v30, v3  }
0x108: {  	v46 =	vperm.xlane v31, v0  }
0x109: {  	v61 =	vimm.s32 $0x0;
	v62 =	vimm.s32 $0x0;
	vm0 =	vlt.s32 v30, v32  }
0x10a: {  	[tilespmem:$0x1FEB0] =	vst v39;
	v39 =	vsel vm10, $0xFFFFFFFF, v61;
	v31 =	vmax.f32 v31, v46;
	v30 =	vsel vm0, v30, v32  }
0x10b: {  	[tilespmem:$0x1FEC0] =	vst v39;
	v39 =	vsel vm11, $0xFFFFFFFF, v62;
	v38 =	vperm.xlane v31, v1;
	vm10 =	veq.s32 v30, v4  }
0x10c: {  	vm11 =	veq.s32 v30, v7;
	vm12 =	veq.s32 v30, v6;
	vm9 =	veq.s32 v30, v5  }
0x10d: {  	[tilespmem:$0x1FD90] =	vst v36;
	v31 =	vmax.f32 v31, v38;
	v36 =	vsel vm10, $0xFF800000, v49;
	v48 =	vsel vm11, $0xFF800000, v29  }
0x10e: {  	v37 =	vsel vm12, $0xFF800000, v37;
	v47 =	vperm.xlane v31, v2;
	v29 =	vmax.f32 v36, v48  }
0x10f: {  	v33 =	vsel vm9, $0xFF800000, v33;
	v29 =	vmax.f32 v29, v37  }
0x110: {  	v31 =	vmax.f32 v31, v47;
	v41 =	vmax.f32 v29, v33  }
0x111: {  	v32 =	vperm.xlane v31, v3;
	v42 =	vperm.xlane v41, v0;
	_ =	sdelay $0x1  }
0x112: {  	v29 =	vmax.f32 v31, v32;
	v50 =	vmax.f32 v41, v42  }
0x113: {  	vm14 =	veq.f32 v34, v29;
	v41 =	vperm.xlane v50, v1  }
0x114: {  	vm4 =	veq.f32 v35, v29;
	v49 =	vnsel vm14, $0x40, v5  }
0x115: {  	vm5 =	veq.f32 v40, v29;
	v31 =	vsel vm4, v6, v49;
	v32 =	vmax.f32 v50, v41  }
0x116: {  	vm6 =	veq.f32 v63, v29;
	v31 =	vsel vm5, v7, v31;
	v41 =	vperm.xlane v32, v2  }
0x117: {  	v31 =	vsel vm6, v4, v31  }
0x118: {  	v51 =	vperm.xlane v31, v0;
	v32 =	vmax.f32 v32, v41  }
0x119: {  	v41 =	vperm.xlane v32, v3  }
0x11a: {  	vm0 =	vlt.s32 v31, v51  }
0x11b: {  	v31 =	vsel vm0, v31, v51;
	v32 =	vmax.f32 v32, v41  }
0x11c: {  	v42 =	vperm.xlane v31, v1;
	vm13 =	veq.f32 v33, v32  }
0x11d: {  	vm4 =	veq.f32 v37, v32;
	v52 =	vnsel vm13, $0x40, v5  }
0x11e: {  	vm5 =	veq.f32 v48, v32;
	vm14 =	vlt.s32 v31, v42;
	v41 =	vsel vm4, v6, v52  }
0x11f: {  	vm6 =	veq.f32 v36, v32;
	v31 =	vsel vm14, v31, v42;
	v41 =	vsel vm5, v7, v41  }
0x120: {  	v42 =	vperm.xlane v31, v2;
	v41 =	vsel vm6, v4, v41  }
0x121: {  	v53 =	vperm.xlane v41, v0  }
0x122: {  	vm13 =	vlt.s32 v31, v42  }
0x123: {  	v31 =	vsel vm13, v31, v42;
	vm14 =	vlt.s32 v41, v53  }
0x124: {  	v43 =	vperm.xlane v31, v3;
	v41 =	vsel vm14, v41, v53  }
0x125: {  	v42 =	vperm.xlane v41, v1  }
0x126: {  	vm4 =	vlt.s32 v31, v43  }
0x127: {  	v54 =	vimm.s32 $0x0;
	v31 =	vsel vm4, v31, v43;
	vm5 =	vlt.s32 v41, v42  }
0x128: {  	vm13 =	veq.s32 v31, v4;
	vm14 =	veq.s32 v31, v7;
	vm0 =	veq.s32 v31, v6  }
0x129: {  	[tilespmem:$0x1FED0] =	vst v39;
	v43 =	vsel vm0, $0xFFFFFFFF, v54;
	v39 =	vsel vm13, $0xFF800000, v63;
	v40 =	vsel vm14, $0xFF800000, v40  }
0x12a: {  	vm6 =	veq.s32 v31, v5;
	[tilespmem:$0x1FEF0] =	vst v43;
	v43 =	vsel vm0, $0xFF800000, v35;
	v55 =	vmax.f32 v39, v40  }
0x12b: {  	v41 =	vsel vm5, v41, v42;
	v42 =	vsel vm6, $0xFF800000, v34;
	v56 =	vmax.f32 v55, v43  }
0x12c: {  	v57 =	vperm.xlane v41, v2;
	v34 =	vmax.f32 v56, v42  }
0x12d: {  	v58 =	vperm.xlane v34, v0  }
0x12e: {  	v44 =	vimm.s32 $0x0;
	vm0 =	vlt.s32 v41, v57  }
0x12f: {  	v44 =	vsel vm6, $0xFFFFFFFF, v44;
	v35 =	vsel vm0, v41, v57;
	v34 =	vmax.f32 v34, v58  }
0x130: {  	[tilespmem:$0x1FF00] =	vst v44;
	v41 =	vperm.xlane v35, v3;
	v44 =	vperm.xlane v34, v1;
	_ =	sdelay $0x1  }
0x131: {  	vm0 =	vlt.s32 v35, v41;
	v44 =	vmax.f32 v34, v44  }
0x132: {  	v34 =	vsel vm0, v35, v41;
	v59 =	vperm.xlane v44, v2  }
0x133: {  	vm2 =	veq.s32 v34, v4;
	vm3 =	veq.s32 v34, v7;
	vm6 =	veq.s32 v34, v6  }
0x134: {  	vm1 =	veq.s32 v34, v5;
	v60 =	vsel vm2, $0xFF800000, v36;
	v38 =	vsel vm3, $0xFF800000, v48  }
0x135: {  	v37 =	vsel vm6, $0xFF800000, v37;
	v36 =	vmax.f32 v60, v38;
	v35 =	vmax.f32 v44, v59  }
0x136: {  	v61 =	vsel vm1, $0xFF800000, v33;
	v62 =	vmax.f32 v36, v37;
	v63 =	vperm.xlane v35, v3  }
0x137: {  	v45 =	vmax.f32 v62, v61  }
0x138: {  	v46 =	vperm.xlane v45, v0;
	v33 =	vmax.f32 v35, v63  }
0x139: {  	vm4 =	veq.f32 v42, v33  }
0x13a: {  	vm0 =	veq.f32 v43, v33;
	v47 =	vnsel vm4, $0x40, v5;
	v48 =	vmax.f32 v45, v46  }
0x13b: {  	v35 =	vsel vm0, v6, v47;
	v45 =	vperm.xlane v48, v1;
	vm0 =	veq.f32 v40, v33  }
0x13c: {  	v35 =	vsel vm0, v7, v35;
	vm0 =	veq.f32 v39, v33  }
0x13d: {  	v58 =	vld [tilespmem:$0x1FCF0];
	v35 =	vsel vm0, v4, v35;
	v36 =	vmax.f32 v48, v45  }
0x13e: {  	v57 =	vld [tilespmem:$0x1FCE0];
	v45 =	vperm.xlane v36, v2;
	v49 =	vperm.xlane v35, v0  }
0x13f: {  	v51 =	vld [tilespmem:$0x1FCA0]  }
0x140: {  	v36 =	vmax.f32 v36, v45;
	vm4 =	vlt.s32 v35, v49  }
0x141: {  	v52 =	vld [tilespmem:$0x1FCB0];
	v53 =	vnsel vm7, $0x0, v8;
	v35 =	vsel vm4, v35, v49;
	v45 =	vperm.xlane v36, v3  }
0x142: {  	v54 =	vnsel vm8, $0x0, v8;
	vm8 =	vnez.u8 v58;
	v46 =	vperm.xlane v35, v1  }
0x143: {  	vm7 =	vnez.u8 v57;
	v41 =	vsel vm8, v11, v54;
	v36 =	vmax.f32 v36, v45  }
0x144: {  	v48 =	vld [tilespmem:$0x1FCC0];
	vm4 =	vnez.u8 v51;
	vm0 =	veq.f32 v61, v36;
	vm5 =	vlt.s32 v35, v46  }
0x145: {  	v45 =	vnsel vm4, $0x0, v8;
	v35 =	vsel vm5, v35, v46;
	v44 =	vnsel vm0, $0x40, v5  }
0x146: {  	v56 =	vld [tilespmem:$0x1FCD0];
	vm0 =	veq.f32 v37, v36;
	vm5 =	vnez.u8 v52;
	v50 =	vperm.xlane v35, v2  }
0x147: {  	v37 =	vsel vm0, v6, v44;
	v46 =	vnsel vm5, $0x0, v8;
	vm0 =	veq.f32 v38, v36  }
0x148: {  	v37 =	vsel vm0, v7, v37;
	vm0 =	veq.f32 v60, v36;
	v60 =	vld [tilespmem:$0x1FD00];
	vm5 =	vlt.s32 v35, v50  }
0x149: {  	vm4 =	vnez.u8 v48;
	v61 =	vld [tilespmem:$0x1FD10];
	v37 =	vsel vm0, v4, v37;
	v35 =	vsel vm5, v35, v50  }
0x14a: {  	v45 =	vsel vm4, v11, v45;
	v55 =	vperm.xlane v37, v0;
	v47 =	vperm.xlane v35, v3  }
0x14b: {  	v62 =	vld [tilespmem:$0x1FD20];
	v45 =	vsel vm15, v16, v45;
	v38 =	vsel vm7, v11, v53;
	vm5 =	vnez.u8 v56  }
0x14c: {  	v46 =	vsel vm5, v11, v46;
	vm4 =	vlt.s32 v37, v55;
	vm5 =	vlt.s32 v35, v47  }
0x14d: {  	v37 =	vsel vm4, v37, v55;
	vm15 =	vnez.u8 v60;
	v35 =	vsel vm5, v35, v47  }
0x14e: {  	v52 =	vld [tilespmem:$0x1FD30];
	v44 =	vperm.xlane v37, v1;
	v46 =	vsel vm15, v16, v46;
	vm15 =	vnez.u8 v61  }
0x14f: {  	v53 =	vld [tilespmem:$0x1FD40];
	vm4 =	veq.s32 v35, v4;
	vm5 =	veq.s32 v35, v7;
	vm7 =	veq.s32 v35, v6  }
0x150: {  	v49 =	vld [tilespmem:$0x1FD50];
	vm8 =	veq.s32 v35, v5;
	v38 =	vsel vm15, v16, v38;
	vm15 =	vnez.u8 v62  }
0x151: {  	v55 =	vld [tilespmem:$0x1FD60];
	v39 =	vsel vm4, $0xFF800000, v39;
	v40 =	vsel vm5, $0xFF800000, v40;
	v43 =	vsel vm7, $0xFF800000, v43  }
0x152: {  	v56 =	vld [tilespmem:$0x1FD70];
	v42 =	vsel vm8, $0xFF800000, v42;
	vm0 =	vlt.s32 v37, v44;
	v41 =	vsel vm15, v16, v41  }
0x153: {  	vm15 =	vnez.u8 v52;
	v59 =	vmax.f32 v39, v40;
	v37 =	vsel vm0, v37, v44  }
0x154: {  	v58 =	vld [tilespmem:$0x1FD80];
	v45 =	vsel vm15, v20, v45;
	vm15 =	vnez.u8 v53;
	v47 =	vmax.f32 v59, v43  }
0x155: {  	v46 =	vsel vm15, v20, v46;
	v54 =	vperm.xlane v37, v2;
	vm15 =	vnez.u8 v49  }
0x156: {  	v59 =	vld [tilespmem:$0x1FD90];
	v47 =	vmax.f32 v47, v42;
	v38 =	vsel vm15, v20, v38;
	vm15 =	vnez.u8 v55  }
0x157: {  	v60 =	vld [tilespmem:$0x1FDA0];
	v63 =	vperm.xlane v47, v0;
	v41 =	vsel vm15, v20, v41;
	vm15 =	vnez.u8 v56  }
0x158: {  	vm0 =	vlt.s32 v37, v54;
	v45 =	vsel vm15, v24, v45  }
0x159: {  	vm15 =	vnez.u8 v58;
	v37 =	vsel vm0, v37, v54;
	v44 =	vmax.f32 v47, v63  }
0x15a: {  	v46 =	vsel vm15, v24, v46;
	v61 =	vperm.xlane v37, v3;
	v45 =	vsel vm10, v28, v45  }
0x15b: {  	v51 =	vld [tilespmem:$0x1FDE0];
	v57 =	vperm.xlane v44, v1;
	vm15 =	vnez.u8 v59;
	v46 =	vsel vm11, v28, v46  }
0x15c: {  	v48 =	vld [tilespmem:$0x1FDB0];
	v45 =	vsel vm2, v32, v45;
	v38 =	vsel vm15, v24, v38;
	vm15 =	vnez.u8 v60  }
0x15d: {  	v50 =	vld [tilespmem:$0x1FDD0];
	vm11 =	vlt.s32 v37, v61;
	v46 =	vsel vm3, v32, v46;
	v44 =	vmax.f32 v44, v57  }
0x15e: {  	v52 =	vld [tilespmem:$0x1FDF0];
	v41 =	vsel vm15, v24, v41;
	v37 =	vsel vm11, v37, v61;
	v62 =	vperm.xlane v44, v2  }
0x15f: {  	v49 =	vld [tilespmem:$0x1FDC0];
	v38 =	vsel vm12, v28, v38;
	v41 =	vsel vm9, v28, v41;
	vm0 =	veq.s32 v37, v4  }
0x160: {  	v55 =	vld [tilespmem:$0x1FE10];
	v38 =	vsel vm6, v32, v38;
	vm12 =	veq.s32 v37, v7;
	v44 =	vmax.f32 v44, v62  }
0x161: {  	v56 =	vld [tilespmem:$0x1FE20];
	vm15 =	veq.s32 v37, v6;
	vm9 =	veq.s32 v37, v5;
	v63 =	vperm.xlane v44, v3  }
0x162: {  	v57 =	vld [tilespmem:$0x1FE30];
	v41 =	vsel vm1, v32, v41;
	v45 =	vsel vm0, v36, v45;
	v46 =	vsel vm12, v36, v46  }
0x163: {  	v54 =	vld [tilespmem:$0x1FE00];
	v38 =	vsel vm15, v36, v38;
	vm12 =	vnez.u8 v48;
	v44 =	vmax.f32 v44, v63  }
0x164: {  	v58 =	vld [tilespmem:$0x1FE40];
	v41 =	vsel vm9, v36, v41;
	vm9 =	vnez.u8 v50;
	vm6 =	veq.f32 v42, v44  }
0x165: {  	v59 =	vld [tilespmem:$0x1FE50];
	vm10 =	veq.f32 v43, v44;
	vm11 =	veq.f32 v40, v44;
	vm15 =	veq.f32 v39, v44  }
0x166: {  	v60 =	vld [tilespmem:$0x1FE60];
	v43 =	vnsel vm9, $0x0, v9;
	v42 =	vnsel vm6, $0x40, v5;
	vm6 =	vnez.u8 v49  }
0x167: {  	v61 =	vld [tilespmem:$0x1FE70];
	vm9 =	vnez.u8 v57;
	v42 =	vsel vm10, v6, v42;
	v39 =	vnsel vm6, $0x0, v9  }
0x168: {  	v62 =	vld [tilespmem:$0x1FE80];
	vm10 =	vnez.u8 v51;
	vm6 =	vnez.u8 v56;
	v40 =	vsel vm11, v7, v42  }
0x169: {  	v57 =	vld [tilespmem:$0x1FEE0];
	v42 =	vnsel vm12, $0x0, v9;
	v47 =	vnsel vm10, $0x0, v9;
	vm11 =	vnez.u8 v52  }
0x16a: {  	v56 =	vld [tilespmem:$0x1FED0];
	vm12 =	vnez.u8 v54;
	vm10 =	vnez.u8 v58;
	v40 =	vsel vm15, v4, v40  }
0x16b: {  	v52 =	vld [tilespmem:$0x1FE90];
	v42 =	vsel vm11, v13, v42;
	v39 =	vsel vm12, v13, v39;
	vm15 =	vnez.u8 v55  }
0x16c: {  	v54 =	vld [tilespmem:$0x1FEB0];
	v47 =	vsel vm6, v13, v47;
	vm12 =	vnez.u8 v59;
	vm6 =	vnez.u8 v61  }
0x16d: {  	v55 =	vld [tilespmem:$0x1FEC0];
	v53 =	vperm.xlane v40, v0;
	v43 =	vsel vm15, v13, v43;
	v42 =	vsel vm9, v17, v42  }
0x16e: {  	v59 =	vld [tilespmem:$0x1FF20];
	v39 =	vsel vm10, v17, v39;
	vm15 =	vnez.u8 v60;
	vm9 =	vnez.u8 v62  }
0x16f: {  	v48 =	vld [tilespmem:$0x1FF70];
	v43 =	vsel vm12, v17, v43;
	v47 =	vsel vm15, v17, v47;
	v42 =	vsel vm6, v21, v42  }
0x170: {  	v62 =	vld [tilespmem:$0x1FF30];
	v39 =	vsel vm9, v21, v39;
	vm11 =	vlt.s32 v40, v53;
	vm6 =	vnez.u8 v56  }
0x171: {  	v40 =	vsel vm11, v40, v53;
	vm10 =	vnez.u8 v52;
	v53 =	vld [tilespmem:$0x1FEA0];
	vm12 =	vnez.u8 v54  }
0x172: {  	v58 =	vld [tilespmem:$0x1FF10];
	v63 =	vperm.xlane v40, v1;
	v43 =	vsel vm10, v21, v43;
	v42 =	vsel vm12, v25, v42  }
0x173: {  	v50 =	vld [tilespmem:$0x1FF80];
	vm15 =	vnez.u8 v55;
	vm10 =	vnez.u8 v57;
	vm12 =	vnez.u8 v59  }
0x174: {  	v39 =	vsel vm15, v25, v39;
	v43 =	vsel vm6, v25, v43;
	v61 =	vsel vm13, v29, v42;
	v42 =	vld [tilespmem:$0x1FEF0]  }
0x175: {  	v49 =	vld [tilespmem:$0x1FF00];
	vm13 =	vnez.u8 v62;
	vm9 =	vlt.s32 v40, v63;
	v51 =	vsel vm4, v33, v61  }
0x176: {  	v56 =	vld [tilespmem:$0x1FFB0];
	v40 =	vsel vm9, v40, v63;
	v63 =	vsel vm14, v29, v39;
	vm11 =	vnez.u8 v53  }
0x177: {  	v52 =	vld [tilespmem:$0x1FF90];
	v60 =	vperm.xlane v40, v2;
	v47 =	vsel vm11, v21, v47;
	vm11 =	vnez.u8 v58  }
0x178: {  	v39 =	vld [tilespmem:$0x1FF50];
	v47 =	vsel vm10, v25, v47;
	v10 =	vsel vm11, v10, v14;
	v8 =	vsel vm11, v8, v11  }
0x179: {  	v62 =	vld [tilespmem:$0x1FFE0];
	vm15 =	vlt.s32 v40, v60;
	vm10 =	vnez.u8 v42;
	v10 =	vsel vm12, v10, v18  }
0x17a: {  	v8 =	vsel vm12, v8, v16;
	v11 =	vsel vm15, v40, v60;
	v10 =	vsel vm13, v10, v22;
	v22 =	vld [tilespmem:$0x1FF40]  }
0x17b: {  	v8 =	vsel vm13, v8, v20;
	v40 =	vperm.xlane v11, v3;
	v20 =	vsel vm10, v29, v43;
	v43 =	vld [tilespmem:$0x1FF60]  }
0x17c: {  	vm4 =	vnez.u8 v52;
	v53 =	vsel vm5, v33, v63;
	vm12 =	vnez.u8 v48  }
0x17d: {  	v54 =	vld [tilespmem:$0x1FFA0];
	vm15 =	vnez.u8 v50;
	vm9 =	vnez.u8 v39;
	vm14 =	vlt.s32 v11, v40  }
0x17e: {  	vm13 =	vnez.u8 v49;
	v55 =	vsel vm7, v33, v20;
	v11 =	vsel vm14, v11, v40  }
0x17f: {  	v58 =	vld [tilespmem:$0x1FFC0];
	vm7 =	vnez.u8 v56;
	vm14 =	vnez.u8 v62;
	vm10 =	veq.s32 v11, v7  }
0x180: {  	vm6 =	vnez.u8 v22;
	vm11 =	vnez.u8 v43;
	v22 =	vsel vm13, v29, v47  }
0x181: {  	vm13 =	veq.s32 v11, v5;
	v10 =	vsel vm6, v10, v26;
	v8 =	vsel vm6, v8, v24  }
0x182: {  	v59 =	vld [tilespmem:$0x1FFD0];
	vm6 =	vnez.u8 v54;
	v57 =	vsel vm8, v33, v22;
	v10 =	vsel vm9, v10, v30  }
0x183: {  	vm8 =	veq.s32 v11, v4;
	v8 =	vsel vm9, v8, v28;
	v10 =	vsel vm11, v10, v34  }
0x184: {  	vm9 =	vnez.u8 v58;
	v8 =	vsel vm11, v8, v32;
	v10 =	vsel vm12, v10, v37  }
0x185: {  	[tilespmem:$0x80] =	vst v45;
	v63 =	vld [tilespmem:$0x1FFF0];
	v61 =	vsel vm13, v44, v57;
	v8 =	vsel vm12, v8, v36;
	v10 =	vsel vm15, v10, v12  }
0x186: {  	[tilespmem:$0x90] =	vst v46;
	vm11 =	veq.s32 v11, v6;
	v8 =	vsel vm15, v8, v9;
	v9 =	vsel vm4, v10, v15  }
0x187: {  	[tilespmem:$0xA0] =	vst v38;
	vm12 =	vnez.u8 v59;
	v8 =	vsel vm4, v8, v13;
	v9 =	vsel vm6, v9, v19  }
0x188: {  	[tilespmem:$0xB0] =	vst v41;
	v60 =	vsel vm11, v44, v55;
	v8 =	vsel vm6, v8, v17;
	v9 =	vsel vm7, v9, v23  }
0x189: {  	[tilespmem:$0xF0] =	vst v61;
	v12 =	vsel vm8, v44, v51;
	v8 =	vsel vm7, v8, v21;
	v9 =	vsel vm9, v9, v27  }
0x18a: {  	[tilespmem:$0xE0] =	vst v60;
	vm15 =	vnez.u8 v63;
	v8 =	vsel vm9, v8, v25;
	v9 =	vsel vm12, v9, v31  }
0x18b: {  	v10 =	vsel vm10, v44, v53;
	[tilespmem:$0xC0] =	vst v12;
	v8 =	vsel vm12, v8, v29;
	v9 =	vsel vm14, v9, v35  }
0x18c: {  	[tilespmem:$0xD0] =	vst v10;
	v8 =	vsel vm14, v8, v33;
	v9 =	vsel vm15, v9, v11  }
0x18d: {  	v8 =	vsel vm15, v8, v44;
	[tilespmem:$0x100] =	vst v9  }
0x18e: {  	[tilespmem:$0x180] =	vst v8  }
0x18f: {  	[hbm4b:s4+s2] =	stream.linear.scatter [tilespmem:s9], [sflag:$0x1], $0x80, $0x38;
	[tilespmem:$0x200] =	vst v63  }
0x190: {  	_ =	swait.ge [sflag:s8], $0x80  }
0x191: {  	[sflag:s8] =	ssyncset.done $0x0  }
0x192: {  	[sflag:s8] =	ssyncadd.s32 $0xFFFFFF80  }
0x193: {  	[hbm4b:s5+s2] =	stream.linear.scatter [tilespmem:s10], [sflag:$0x1], $0x10, $0x38;
	[tilespmem:$0x200] =	vst v63  }
0x194: {  	_ =	swait.ge [sflag:s8], $0x10  }
0x195: {  	p0 =	sne.s32 s7, $0x1;
	[sflag:s8] =	ssyncset.done $0x0  }
.Ltmp0:
0x196: {  	[sflag:s8] =	ssyncadd.s32 $0xFFFFFFF0;
	(pc) =	sbr.rel @p0 .LBB2_1-.Ltmp0, $4  }
0x197: {  	[hbm4b:s6+s2] =	stream.linear.scatter [tilespmem:s11], [sflag:$0x1], $0x10, $0x38;
	[tilespmem:$0x200] =	vst v63  }
0x198: {  	_ =	swait.ge [sflag:s8], $0x10  }
0x199: {  	[sflag:s8] =	ssyncset.done $0x0  }
0x19a: {  	s7 =	sadd.s32 $0xFFFFFFFF, s7;
	[sflag:s8] =	ssyncadd.s32 $0xFFFFFFF0  }
0x19b: {  	_ =	sfence.sel $0x180000  }
0x19c: {  	[bflag:$0x0] =	sbarrier.arrive $0xFFFF  }
0x19d: {  	p0 =	sne.s32 s1, $0x0;
	_ =	strace $0x90000047  }
0x19e: {  	s0 =	sadd.s32 @!p0 $0x100000, s0;
	[bflag:$0x2] =	sbarrier.arrive $0xFFFF  }
0x19f: {  	[sflag:s0] =	ssyncadd.tile.s32 @!p0 $0x1;
	_ =	shalt  }
.Lfunc_end2:
_tile_overlayer_lowered:
.L_overlay_start_2:
0x1a0: {  	(tag) =	ssettag $0x2  }
0x1a1: {  	s0 =	rddreg [dreg:$0x0];
	s2 =	stileid.u32  }
0x1a2: {  	s1 =	rddreg [dreg:$0x1];
	p0 =	sne.s32 s2, $0x0  }
0x1a3: {  	s3 =	rddreg [dreg:$0x2];
	[bflag:$0x3] =	sbarrier.arrive $0xFFFF;
	s2 =	simm.s32 @!p0 $0x1C01  }
0x1a4: {  	[timem:s3], [sflag:s2] =	dma.local @!p0 [hbm:s0], s1  }
0x1a5: {  	s0 =	simm.s32 @!p0 $0x1  }
0x1a6: {  	_ =	swait.ge @!p0 [sflag:s0], s1  }
0x1a7: {  	s1 =	ssub.s32 @!p0 $0x0, s1;
	[sflag:s0] =	ssyncset.done @!p0 $0x0  }
0x1a8: {  	[sflag:s0] =	ssyncadd.s32 @!p0 s1  }
0x1a9: {  	[bflag:$0x3] =	sbarrier.arrive $0xFFFF  }
0x1aa: {  	_ =	shalt  }

</sc_bundles>
